<compile_context>
chip_gen: v7x
topology: tpu7x:2x2x1
jax: 0.10.2.dev20260603
libtpu: 0.0.44.dev20260713+nightly
codegen_flags: <defaults>
</compile_context>

<pallas_src>
import functools

import jax
import jax.numpy as jnp
from jax import lax
from jax.experimental import pallas as pl
from jax.experimental.pallas import tpu as pltpu
from jax.experimental.pallas import tpu_sc as plsc

D = 128
MAXLEN = 512
NSEG = 2
NC = 2
NS = 16
NW = NC * NS
CHUNK = 64
LANES = 16
NBUF = 3


def _sc_body(tok_hbm, pos_hbm, seg_emb_hbm, x_hbm, seg_hbm, out_hbm,
             psum_shr, xall, call, tok0, ps0, tok1, ps1, tok2, ps2,
             semt0, semp0, semo0, semt1, semp1, semo1, semt2, semp2, semo2):
    nchunk_w = xall.shape[0]
    w = lax.axis_index("s") * NC + lax.axis_index("c")
    iota = lax.iota(jnp.int32, LANES)
    toks = (tok0, tok1, tok2)
    pss = (ps0, ps1, ps2)
    semts = (semt0, semt1, semt2)
    semps = (semp0, semp1, semp2)
    semos = (semo0, semo1, semo2)

    cpx = pltpu.make_async_copy(
        x_hbm.at[pl.ds(w * xall.shape[0], xall.shape[0])], xall, semt1)
    cpc = pltpu.make_async_copy(
        seg_hbm.at[pl.ds(w * call.shape[0], call.shape[0])], call, semp1)
    cpx.start()
    cpc.start()

    sid = lax.axis_index("s")
    prows = (MAXLEN * NSEG) // NS
    g = sid // (MAXLEN // prows)
    s0 = lax.rem(sid * prows, MAXLEN)
    pltpu.sync_copy(seg_emb_hbm, tok0.at[pl.ds(0, NSEG)])
    pltpu.sync_copy(pos_hbm.at[pl.ds(s0, prows)], ps0.at[pl.ds(0, prows)])

    def prow_body(r, carry):
        for j in range(D // LANES):
            sl = pl.ds(j * LANES, LANES)
            ps0[r, sl] = ps0[r, sl] + tok0[g, sl]
        return carry

    lax.fori_loop(0, prows, prow_body, 0, unroll=2)
    pltpu.sync_copy(ps0.at[pl.ds(0, prows)],
                    psum_shr.at[pl.ds(sid * prows, prows)])
    plsc.subcore_barrier()

    cpx.wait()
    cpc.wait()

    def cidx_body(j, carry):
        posbase = lax.rem(j, MAXLEN // CHUNK) * CHUNK
        for i in range(CHUNK // LANES):
            sl = pl.ds(i * LANES, LANES)
            call[j, sl] = call[j, sl] * MAXLEN + (iota + (i * LANES + posbase))
        return carry

    lax.fori_loop(0, nchunk_w, cidx_body, 0)

    def fire_tok(c, b):
        pltpu.async_copy(tok_hbm.at[xall.at[c]], toks[b], semts[b])

    def fire_ps(c, b):
        pltpu.async_copy(psum_shr.at[call.at[c]], pss[b], semps[b])

    def out_copy(c, b):
        rowbase = (w * nchunk_w + c) * CHUNK
        return pltpu.make_async_copy(
            pss[b], out_hbm.at[pl.ds(rowbase, CHUNK)], semos[b])

    def turn(c, b, bprev, waitprev, refire_tok, refire_ps):
        pltpu.make_async_copy(tok_hbm.at[xall.at[c]], toks[b], semts[b]).wait()
        pltpu.make_async_copy(psum_shr.at[call.at[c]], pss[b], semps[b]).wait()

        @plsc.parallel_loop(0, CHUNK, unroll=8)
        def add_body(r):
            for j in range(D // LANES):
                sl = pl.ds(j * LANES, LANES)
                plsc.addupdate(pss[b].at[r, sl], toks[b][r, sl])

        out_copy(c, b).start()
        if refire_tok:
            fire_tok(c + NBUF, b)
        if waitprev:
            out_copy(c - 1, bprev).wait()
            if refire_ps:
                fire_ps(c + NBUF - 1, bprev)

    for c in range(NBUF):
        fire_tok(c, c)
        fire_ps(c, c)

    turn(0, 0, NBUF - 1, False, True, False)

    n_uni = nchunk_w - 1 - NBUF
    assert n_uni % NBUF == 0

    def main_body(cc, carry):
        for db in range(NBUF):
            c = NBUF * cc + 1 + db
            turn(c, (1 + db) % NBUF, db, True, True, True)
        return carry

    lax.fori_loop(0, n_uni // NBUF, main_body, 0)

    c0 = nchunk_w - NBUF
    turn(c0, c0 % NBUF, (c0 - 1) % NBUF, True, False, True)
    turn(c0 + 1, (c0 + 1) % NBUF, c0 % NBUF, True, False, False)
    turn(c0 + 2, (c0 + 2) % NBUF, (c0 + 1) % NBUF, True, False, False)
    out_copy(nchunk_w - 1, (nchunk_w - 1) % NBUF).wait()


def _sc_gather(tok_embed, pos_embed, seg_embed, x_blk, seg_blk):
    nblk = x_blk.shape[0]
    rows = nblk * CHUNK
    fn = functools.partial(
        pl.kernel,
        out_type=jax.ShapeDtypeStruct((rows, D), jnp.float32),
        mesh=plsc.VectorSubcoreMesh(core_axis_name="c", subcore_axis_name="s"),
        scratch_types=[
            pltpu.VMEM_SHARED((MAXLEN * NSEG, D), jnp.float32),
            pltpu.VMEM((nblk // NW, CHUNK), jnp.int32),
            pltpu.VMEM((nblk // NW, CHUNK), jnp.int32),
            pltpu.VMEM((CHUNK, D), jnp.float32),
            pltpu.VMEM((CHUNK, D), jnp.float32),
            pltpu.VMEM((CHUNK, D), jnp.float32),
            pltpu.VMEM((CHUNK, D), jnp.float32),
            pltpu.VMEM((CHUNK, D), jnp.float32),
            pltpu.VMEM((CHUNK, D), jnp.float32),
            pltpu.SemaphoreType.DMA,
            pltpu.SemaphoreType.DMA,
            pltpu.SemaphoreType.DMA,
            pltpu.SemaphoreType.DMA,
            pltpu.SemaphoreType.DMA,
            pltpu.SemaphoreType.DMA,
            pltpu.SemaphoreType.DMA,
            pltpu.SemaphoreType.DMA,
            pltpu.SemaphoreType.DMA,
        ],
    )(_sc_body)
    return fn(tok_embed, pos_embed, seg_embed, x_blk, seg_blk)


def kernel(x, seg, tok_embed, pos_embed, seg_embed):
    batch, seqlen = x.shape
    x_blk = x.reshape(-1, CHUNK).astype(jnp.int32)
    seg_blk = seg.reshape(-1, CHUNK).astype(jnp.int32)
    out = _sc_gather(tok_embed, pos_embed, seg_embed, x_blk, seg_blk)
    return out.reshape(batch, seqlen, D)

# --- scband reference (transcript-rebuilt; emitter-appended) ---
"""Pipeline reference for scband-embedding-bert-15556371546191 (READ-ONLY COPY).

The authoritative reference and input builder live on the scoring server;
editing this copy changes nothing except your own understanding.
"""

import jax, jax.numpy as jnp
import numpy as np

VOCAB_SIZE = 100000
D_MODEL = 128
MAXLEN = 512
N_SEGMENTS = 2
BATCH = 1024
SEQ_LEN = 512


def setup_inputs(seed: int = 0) -> dict:
    key = jax.random.key(seed)
    k_x, k_seg, k_tok, k_pos, k_segw = jax.random.split(key, 5)
    x = jax.random.randint(k_x, (BATCH, SEQ_LEN), 0, VOCAB_SIZE, dtype=jnp.int64 if jax.config.jax_enable_x64 else jnp.int32)
    seg = jax.random.randint(k_seg, (BATCH, SEQ_LEN), 0, N_SEGMENTS, dtype=jnp.int64 if jax.config.jax_enable_x64 else jnp.int32)
    tok_embed = jax.random.normal(k_tok, (VOCAB_SIZE, D_MODEL), dtype=jnp.float32)
    pos_embed = jax.random.normal(k_pos, (MAXLEN, D_MODEL), dtype=jnp.float32)
    seg_embed = jax.random.normal(k_segw, (N_SEGMENTS, D_MODEL), dtype=jnp.float32)
    return {"x": x, "seg": seg, "tok_embed": tok_embed, "pos_embed": pos_embed, "seg_embed": seg_embed}


def reference(x, seg, tok_embed, pos_embed, seg_embed):
    seq_len = x.shape[1]
    pos = jnp.arange(seq_len, dtype=x.dtype)
    pos = jnp.broadcast_to(pos[None, :], x.shape)
    embedding = jnp.take(tok_embed, x, axis=0) + jnp.take(pos_embed, pos, axis=0) + jnp.take(seg_embed, seg, axis=0)
    return embedding

if __name__ == "__main__":
    import jax
    _d = setup_inputs()
    print(jax.jit(kernel)(*tuple(_d.values())))

</pallas_src>

<mosaic_0001>
#map = affine_map<(d0, d1) -> (0, 0)>
module attributes {stable_mosaic.version = 14 : i64} {
  func.func @_sc_body(%arg0: i32, %arg1: i32, %arg2: memref<100000x128xf32, #tpu.memory_space<hbm>>, %arg3: memref<512x128xf32, #tpu.memory_space<hbm>>, %arg4: memref<2x128xf32, #tpu.memory_space<hbm>>, %arg5: memref<8192x64xi32, #tpu.memory_space<hbm>>, %arg6: memref<8192x64xi32, #tpu.memory_space<hbm>>, %arg7: memref<524288x128xf32, #tpu.memory_space<hbm>>, %arg8: memref<1024x128xf32, #tpu.memory_space<vmem_shared>>, %arg9: memref<256x64xi32, #tpu.memory_space<vmem>>, %arg10: memref<256x64xi32, #tpu.memory_space<vmem>>, %arg11: memref<64x128xf32, #tpu.memory_space<vmem>>, %arg12: memref<64x128xf32, #tpu.memory_space<vmem>>, %arg13: memref<64x128xf32, #tpu.memory_space<vmem>>, %arg14: memref<64x128xf32, #tpu.memory_space<vmem>>, %arg15: memref<64x128xf32, #tpu.memory_space<vmem>>, %arg16: memref<64x128xf32, #tpu.memory_space<vmem>>, %arg17: memref<!tpu.dma_semaphore, #tpu.memory_space<semaphore_mem>>, %arg18: memref<!tpu.dma_semaphore, #tpu.memory_space<semaphore_mem>>, %arg19: memref<!tpu.dma_semaphore, #tpu.memory_space<semaphore_mem>>, %arg20: memref<!tpu.dma_semaphore, #tpu.memory_space<semaphore_mem>>, %arg21: memref<!tpu.dma_semaphore, #tpu.memory_space<semaphore_mem>>, %arg22: memref<!tpu.dma_semaphore, #tpu.memory_space<semaphore_mem>>, %arg23: memref<!tpu.dma_semaphore, #tpu.memory_space<semaphore_mem>>, %arg24: memref<!tpu.dma_semaphore, #tpu.memory_space<semaphore_mem>>, %arg25: memref<!tpu.dma_semaphore, #tpu.memory_space<semaphore_mem>>) attributes {dimension_semantics = [#tpu.dimension_semantics<core_parallel>, #tpu.dimension_semantics<subcore_parallel>], iteration_bounds = array<i64: 2, 16>, scalar_prefetch = 0 : i64, scratch_operands = 18 : i64, tpu.core_type = #tpu.core_type<sc_vector_subcore>, window_params = [{transform_indices = #map}, {transform_indices = #map}, {transform_indices = #map}, {transform_indices = #map}, {transform_indices = #map}, {transform_indices = #map}]} {
    %mul3A = arith.constant 2 : i32
    %mul3A_0 = arith.muli %arg1, %mul3A : i32
    %add3A = arith.addi %mul3A_0, %arg0 : i32
    %iota3A = tpu.iota {dimensions = array<i32: 0>} : vector<16xi32>
    %mul3A_1 = arith.constant 256 : i32
    %mul3A_2 = arith.muli %add3A, %mul3A_1 : i32
    %mul3A_3 = arith.constant 256 : i32
    %mul3A_4 = arith.muli %add3A, %mul3A_3 : i32
    %dma_start3A = arith.constant 0 : i32
    %dma_start3A_5 = tpu.memref_slice %arg5[%mul3A_2, %dma_start3A] : memref<8192x64xi32, #tpu.memory_space<hbm>> -> memref<256x64xi32, #tpu.memory_space<hbm>>
    %dma_start3A_6 = arith.constant 0 : i32
    %dma_start3A_7 = tpu.memref_slice %arg5[%mul3A_2, %dma_start3A_6] : memref<8192x64xi32, #tpu.memory_space<hbm>> -> memref<256x64xi32, #tpu.memory_space<hbm>>
    tpu.enqueue_dma source(%dma_start3A_7 : memref<256x64xi32, #tpu.memory_space<hbm>>) target(%arg9 : memref<256x64xi32, #tpu.memory_space<vmem>>) target_semaphore(%arg20 : memref<!tpu.dma_semaphore, #tpu.memory_space<semaphore_mem>>)
    %dma_start3A_8 = arith.constant 0 : i32
    %dma_start3A_9 = tpu.memref_slice %arg6[%mul3A_4, %dma_start3A_8] : memref<8192x64xi32, #tpu.memory_space<hbm>> -> memref<256x64xi32, #tpu.memory_space<hbm>>
    %dma_start3A_10 = arith.constant 0 : i32
    %dma_start3A_11 = tpu.memref_slice %arg6[%mul3A_4, %dma_start3A_10] : memref<8192x64xi32, #tpu.memory_space<hbm>> -> memref<256x64xi32, #tpu.memory_space<hbm>>
    tpu.enqueue_dma source(%dma_start3A_11 : memref<256x64xi32, #tpu.memory_space<hbm>>) target(%arg10 : memref<256x64xi32, #tpu.memory_space<vmem>>) target_semaphore(%arg21 : memref<!tpu.dma_semaphore, #tpu.memory_space<semaphore_mem>>)
    %jit3A = arith.constant 8 : i32
    %div3A = arith.divsi %arg1, %jit3A : i32
    %sign3A = arith.constant 0 : i32
    %sign3A_12 = arith.cmpi sgt, %arg1, %sign3A : i32
    %sign3A_13 = arith.extui %sign3A_12 : i1 to i32
    %sign3A_14 = arith.constant 0 : i32
    %sign3A_15 = arith.cmpi slt, %arg1, %sign3A_14 : i32
    %sign3A_16 = arith.extui %sign3A_15 : i1 to i32
    %sign3A_17 = arith.subi %sign3A_13, %sign3A_16 : i32
    %sign3A_18 = arith.constant 0 : i32
    %sign3A_19 = arith.cmpi sgt, %jit3A, %sign3A_18 : i32
    %sign3A_20 = arith.extui %sign3A_19 : i1 to i32
    %sign3A_21 = arith.constant 0 : i32
    %sign3A_22 = arith.cmpi slt, %jit3A, %sign3A_21 : i32
    %sign3A_23 = arith.extui %sign3A_22 : i1 to i32
    %sign3A_24 = arith.subi %sign3A_20, %sign3A_23 : i32
    %ne3A = arith.cmpi ne, %sign3A_17, %sign3A_24 : i32
    %rem3A = arith.remsi %arg1, %jit3A : i32
    %ne3A_25 = arith.constant 0 : i32
    %ne3A_26 = arith.cmpi ne, %rem3A, %ne3A_25 : i32
    %and3A = arith.andi %ne3A, %ne3A_26 : i1
    %sub3A = arith.constant 1 : i32
    %sub3A_27 = arith.subi %div3A, %sub3A : i32
    %select_n3A = arith.select %and3A, %sub3A_27, %div3A : i32
    %mul3A_28 = arith.constant 64 : i32
    %mul3A_29 = arith.muli %arg1, %mul3A_28 : i32
    %rem3A_30 = arith.constant 512 : i32
    %rem3A_31 = arith.remsi %mul3A_29, %rem3A_30 : i32
    "tpu.region"() ({
      %run_scoped3A = tpu.sem_alloc : memref<!tpu.dma_semaphore, #tpu.memory_space<semaphore_mem>>
      %dma_start3A_261 = arith.constant 0 : i32
      %dma_start3A_262 = arith.constant 0 : i32
      %dma_start3A_263 = tpu.memref_slice %arg11[%dma_start3A_261, %dma_start3A_262] : memref<64x128xf32, #tpu.memory_space<vmem>> -> memref<2x128xf32, #tpu.memory_space<vmem>>
      %dma_start3A_264 = arith.constant 0 : i32
      %dma_start3A_265 = arith.constant 0 : i32
      %dma_start3A_266 = tpu.memref_slice %arg11[%dma_start3A_264, %dma_start3A_265] : memref<64x128xf32, #tpu.memory_space<vmem>> -> memref<2x128xf32, #tpu.memory_space<vmem>>
      tpu.enqueue_dma source(%arg4 : memref<2x128xf32, #tpu.memory_space<hbm>>) target(%dma_start3A_266 : memref<2x128xf32, #tpu.memory_space<vmem>>) target_semaphore(%run_scoped3A : memref<!tpu.dma_semaphore, #tpu.memory_space<semaphore_mem>>)
      %dma_wait3A_267 = arith.constant 0 : i32
      %dma_wait3A_268 = arith.constant 0 : i32
      %dma_wait3A_269 = tpu.memref_slice %arg11[%dma_wait3A_267, %dma_wait3A_268] : memref<64x128xf32, #tpu.memory_space<vmem>> -> memref<2x128xf32, #tpu.memory_space<vmem>>
      %dma_wait3A_270 = arith.constant 0 : i32
      %dma_wait3A_271 = arith.constant 0 : i32
      %dma_wait3A_272 = tpu.memref_slice %arg11[%dma_wait3A_270, %dma_wait3A_271] : memref<64x128xf32, #tpu.memory_space<vmem>> -> memref<2x128xf32, #tpu.memory_space<vmem>>
      tpu.wait_dma2 semaphore(%run_scoped3A : memref<!tpu.dma_semaphore, #tpu.memory_space<semaphore_mem>>) src(%arg4 : memref<2x128xf32, #tpu.memory_space<hbm>>) dst(%dma_wait3A_272 : memref<2x128xf32, #tpu.memory_space<vmem>>)
      tpu.yield
    }) : () -> ()
    "tpu.region"() ({
      %run_scoped3A = tpu.sem_alloc : memref<!tpu.dma_semaphore, #tpu.memory_space<semaphore_mem>>
      %dma_start3A_261 = arith.constant 0 : i32
      %dma_start3A_262 = arith.constant 0 : i32
      %dma_start3A_263 = tpu.memref_slice %arg12[%dma_start3A_261, %dma_start3A_262] : memref<64x128xf32, #tpu.memory_space<vmem>> -> memref<64x128xf32, #tpu.memory_space<vmem>>
      %dma_start3A_264 = arith.constant 0 : i32
      %dma_start3A_265 = tpu.memref_slice %arg3[%rem3A_31, %dma_start3A_264] : memref<512x128xf32, #tpu.memory_space<hbm>> -> memref<64x128xf32, #tpu.memory_space<hbm>>
      %dma_start3A_266 = arith.constant 0 : i32
      %dma_start3A_267 = arith.constant 0 : i32
      %dma_start3A_268 = tpu.memref_slice %arg12[%dma_start3A_266, %dma_start3A_267] : memref<64x128xf32, #tpu.memory_space<vmem>> -> memref<64x128xf32, #tpu.memory_space<vmem>>
      %dma_start3A_269 = arith.constant 0 : i32
      %dma_start3A_270 = tpu.memref_slice %arg3[%rem3A_31, %dma_start3A_269] : memref<512x128xf32, #tpu.memory_space<hbm>> -> memref<64x128xf32, #tpu.memory_space<hbm>>
      tpu.enqueue_dma source(%dma_start3A_270 : memref<64x128xf32, #tpu.memory_space<hbm>>) target(%dma_start3A_268 : memref<64x128xf32, #tpu.memory_space<vmem>>) target_semaphore(%run_scoped3A : memref<!tpu.dma_semaphore, #tpu.memory_space<semaphore_mem>>)
      %dma_wait3A_271 = arith.constant 0 : i32
      %dma_wait3A_272 = arith.constant 0 : i32
      %dma_wait3A_273 = tpu.memref_slice %arg12[%dma_wait3A_271, %dma_wait3A_272] : memref<64x128xf32, #tpu.memory_space<vmem>> -> memref<64x128xf32, #tpu.memory_space<vmem>>
      %dma_wait3A_274 = arith.constant 0 : i32
      %dma_wait3A_275 = tpu.memref_slice %arg3[%rem3A_31, %dma_wait3A_274] : memref<512x128xf32, #tpu.memory_space<hbm>> -> memref<64x128xf32, #tpu.memory_space<hbm>>
      %dma_wait3A_276 = arith.constant 0 : i32
      %dma_wait3A_277 = arith.constant 0 : i32
      %dma_wait3A_278 = tpu.memref_slice %arg12[%dma_wait3A_276, %dma_wait3A_277] : memref<64x128xf32, #tpu.memory_space<vmem>> -> memref<64x128xf32, #tpu.memory_space<vmem>>
      %dma_wait3A_279 = arith.constant 0 : i32
      %dma_wait3A_280 = tpu.memref_slice %arg3[%rem3A_31, %dma_wait3A_279] : memref<512x128xf32, #tpu.memory_space<hbm>> -> memref<64x128xf32, #tpu.memory_space<hbm>>
      tpu.wait_dma2 semaphore(%run_scoped3A : memref<!tpu.dma_semaphore, #tpu.memory_space<semaphore_mem>>) src(%dma_wait3A_280 : memref<64x128xf32, #tpu.memory_space<hbm>>) dst(%dma_wait3A_278 : memref<64x128xf32, #tpu.memory_space<vmem>>)
      tpu.yield
    }) : () -> ()
    %scan3A = arith.constant 0 : i32
    %scan3A_32 = arith.constant 0 : i32
    %scan3A_33 = arith.constant 64 : i32
    %scan3A_34 = arith.addi %scan3A_32, %scan3A_33 : i32
    %scan3A_35 = arith.constant 2 : i32
    scf.for %scan3A_261 = %scan3A_32 to %scan3A_34 step %scan3A_35  : i32 {
      %get3A = arith.index_cast %scan3A_261 : i32 to index
      %get3A_262 = arith.constant 0 : index
      %get3A_263 = tpu.vector_load %arg12[%get3A, %get3A_262] {strides = array<i32>} : memref<64x128xf32, #tpu.memory_space<vmem>>, vector<1x16xf32>,
      %get3A_264 = vector.shape_cast %get3A_263 : vector<1x16xf32> to vector<16xf32>
      %get3A_265 = arith.index_cast %select_n3A : i32 to index
      %get3A_266 = arith.constant 0 : index
      %get3A_267 = tpu.vector_load %arg11[%get3A_265, %get3A_266] {strides = array<i32>} : memref<64x128xf32, #tpu.memory_space<vmem>>, vector<1x16xf32>,
      %get3A_268 = vector.shape_cast %get3A_267 : vector<1x16xf32> to vector<16xf32>
      %add3A_269 = arith.addf %get3A_264, %get3A_268 : vector<16xf32>
      %swap3A = arith.index_cast %scan3A_261 : i32 to index
      %swap3A_270 = arith.constant 0 : index
      %swap3A_271 = tpu.vector_load %arg12[%swap3A, %swap3A_270] {strides = array<i32>} : memref<64x128xf32, #tpu.memory_space<vmem>>, vector<1x16xf32>,
      %swap3A_272 = vector.shape_cast %swap3A_271 : vector<1x16xf32> to vector<16xf32>
      %swap3A_273 = vector.shape_cast %add3A_269 : vector<16xf32> to vector<1x16xf32>
      tpu.vector_store %arg12[%swap3A, %swap3A_270], %swap3A_273 {strides = array<i32>} : memref<64x128xf32, #tpu.memory_space<vmem>>, vector<1x16xf32>,
      %get3A_274 = arith.index_cast %scan3A_261 : i32 to index
      %get3A_275 = arith.constant 16 : index
      %get3A_276 = tpu.vector_load %arg12[%get3A_274, %get3A_275] {strides = array<i32>} : memref<64x128xf32, #tpu.memory_space<vmem>>, vector<1x16xf32>,
      %get3A_277 = vector.shape_cast %get3A_276 : vector<1x16xf32> to vector<16xf32>
      %get3A_278 = arith.index_cast %select_n3A : i32 to index
      %get3A_279 = arith.constant 16 : index
      %get3A_280 = tpu.vector_load %arg11[%get3A_278, %get3A_279] {strides = array<i32>} : memref<64x128xf32, #tpu.memory_space<vmem>>, vector<1x16xf32>,
      %get3A_281 = vector.shape_cast %get3A_280 : vector<1x16xf32> to vector<16xf32>
      %add3A_282 = arith.addf %get3A_277, %get3A_281 : vector<16xf32>
      %swap3A_283 = arith.index_cast %scan3A_261 : i32 to index
      %swap3A_284 = arith.constant 16 : index
      %swap3A_285 = tpu.vector_load %arg12[%swap3A_283, %swap3A_284] {strides = array<i32>} : memref<64x128xf32, #tpu.memory_space<vmem>>, vector<1x16xf32>,
      %swap3A_286 = vector.shape_cast %swap3A_285 : vector<1x16xf32> to vector<16xf32>
      %swap3A_287 = vector.shape_cast %add3A_282 : vector<16xf32> to vector<1x16xf32>
      tpu.vector_store %arg12[%swap3A_283, %swap3A_284], %swap3A_287 {strides = array<i32>} : memref<64x128xf32, #tpu.memory_space<vmem>>, vector<1x16xf32>,
      %get3A_288 = arith.index_cast %scan3A_261 : i32 to index
      %get3A_289 = arith.constant 32 : index
      %get3A_290 = tpu.vector_load %arg12[%get3A_288, %get3A_289] {strides = array<i32>} : memref<64x128xf32, #tpu.memory_space<vmem>>, vector<1x16xf32>,
      %get3A_291 = vector.shape_cast %get3A_290 : vector<1x16xf32> to vector<16xf32>
      %get3A_292 = arith.index_cast %select_n3A : i32 to index
      %get3A_293 = arith.constant 32 : index
      %get3A_294 = tpu.vector_load %arg11[%get3A_292, %get3A_293] {strides = array<i32>} : memref<64x128xf32, #tpu.memory_space<vmem>>, vector<1x16xf32>,
      %get3A_295 = vector.shape_cast %get3A_294 : vector<1x16xf32> to vector<16xf32>
      %add3A_296 = arith.addf %get3A_291, %get3A_295 : vector<16xf32>
      %swap3A_297 = arith.index_cast %scan3A_261 : i32 to index
      %swap3A_298 = arith.constant 32 : index
      %swap3A_299 = tpu.vector_load %arg12[%swap3A_297, %swap3A_298] {strides = array<i32>} : memref<64x128xf32, #tpu.memory_space<vmem>>, vector<1x16xf32>,
      %swap3A_300 = vector.shape_cast %swap3A_299 : vector<1x16xf32> to vector<16xf32>
      %swap3A_301 = vector.shape_cast %add3A_296 : vector<16xf32> to vector<1x16xf32>
      tpu.vector_store %arg12[%swap3A_297, %swap3A_298], %swap3A_301 {strides = array<i32>} : memref<64x128xf32, #tpu.memory_space<vmem>>, vector<1x16xf32>,
      %get3A_302 = arith.index_cast %scan3A_261 : i32 to index
      %get3A_303 = arith.constant 48 : index
      %get3A_304 = tpu.vector_load %arg12[%get3A_302, %get3A_303] {strides = array<i32>} : memref<64x128xf32, #tpu.memory_space<vmem>>, vector<1x16xf32>,
      %get3A_305 = vector.shape_cast %get3A_304 : vector<1x16xf32> to vector<16xf32>
      %get3A_306 = arith.index_cast %select_n3A : i32 to index
      %get3A_307 = arith.constant 48 : index
      %get3A_308 = tpu.vector_load %arg11[%get3A_306, %get3A_307] {strides = array<i32>} : memref<64x128xf32, #tpu.memory_space<vmem>>, vector<1x16xf32>,
      %get3A_309 = vector.shape_cast %get3A_308 : vector<1x16xf32> to vector<16xf32>
      %add3A_310 = arith.addf %get3A_305, %get3A_309 : vector<16xf32>
      %swap3A_311 = arith.index_cast %scan3A_261 : i32 to index
      %swap3A_312 = arith.constant 48 : index
      %swap3A_313 = tpu.vector_load %arg12[%swap3A_311, %swap3A_312] {strides = array<i32>} : memref<64x128xf32, #tpu.memory_space<vmem>>, vector<1x16xf32>,
      %swap3A_314 = vector.shape_cast %swap3A_313 : vector<1x16xf32> to vector<16xf32>
      %swap3A_315 = vector.shape_cast %add3A_310 : vector<16xf32> to vector<1x16xf32>
      tpu.vector_store %arg12[%swap3A_311, %swap3A_312], %swap3A_315 {strides = array<i32>} : memref<64x128xf32, #tpu.memory_space<vmem>>, vector<1x16xf32>,
      %get3A_316 = arith.index_cast %scan3A_261 : i32 to index
      %get3A_317 = arith.constant 64 : index
      %get3A_318 = tpu.vector_load %arg12[%get3A_316, %get3A_317] {strides = array<i32>} : memref<64x128xf32, #tpu.memory_space<vmem>>, vector<1x16xf32>,
      %get3A_319 = vector.shape_cast %get3A_318 : vector<1x16xf32> to vector<16xf32>
      %get3A_320 = arith.index_cast %select_n3A : i32 to index
      %get3A_321 = arith.constant 64 : index
      %get3A_322 = tpu.vector_load %arg11[%get3A_320, %get3A_321] {strides = array<i32>} : memref<64x128xf32, #tpu.memory_space<vmem>>, vector<1x16xf32>,
      %get3A_323 = vector.shape_cast %get3A_322 : vector<1x16xf32> to vector<16xf32>
      %add3A_324 = arith.addf %get3A_319, %get3A_323 : vector<16xf32>
      %swap3A_325 = arith.index_cast %scan3A_261 : i32 to index
      %swap3A_326 = arith.constant 64 : index
      %swap3A_327 = tpu.vector_load %arg12[%swap3A_325, %swap3A_326] {strides = array<i32>} : memref<64x128xf32, #tpu.memory_space<vmem>>, vector<1x16xf32>,
      %swap3A_328 = vector.shape_cast %swap3A_327 : vector<1x16xf32> to vector<16xf32>
      %swap3A_329 = vector.shape_cast %add3A_324 : vector<16xf32> to vector<1x16xf32>
      tpu.vector_store %arg12[%swap3A_325, %swap3A_326], %swap3A_329 {strides = array<i32>} : memref<64x128xf32, #tpu.memory_space<vmem>>, vector<1x16xf32>,
      %get3A_330 = arith.index_cast %scan3A_261 : i32 to index
      %get3A_331 = arith.constant 80 : index
      %get3A_332 = tpu.vector_load %arg12[%get3A_330, %get3A_331] {strides = array<i32>} : memref<64x128xf32, #tpu.memory_space<vmem>>, vector<1x16xf32>,
      %get3A_333 = vector.shape_cast %get3A_332 : vector<1x16xf32> to vector<16xf32>
      %get3A_334 = arith.index_cast %select_n3A : i32 to index
      %get3A_335 = arith.constant 80 : index
      %get3A_336 = tpu.vector_load %arg11[%get3A_334, %get3A_335] {strides = array<i32>} : memref<64x128xf32, #tpu.memory_space<vmem>>, vector<1x16xf32>,
      %get3A_337 = vector.shape_cast %get3A_336 : vector<1x16xf32> to vector<16xf32>
      %add3A_338 = arith.addf %get3A_333, %get3A_337 : vector<16xf32>
      %swap3A_339 = arith.index_cast %scan3A_261 : i32 to index
      %swap3A_340 = arith.constant 80 : index
      %swap3A_341 = tpu.vector_load %arg12[%swap3A_339, %swap3A_340] {strides = array<i32>} : memref<64x128xf32, #tpu.memory_space<vmem>>, vector<1x16xf32>,
      %swap3A_342 = vector.shape_cast %swap3A_341 : vector<1x16xf32> to vector<16xf32>
      %swap3A_343 = vector.shape_cast %add3A_338 : vector<16xf32> to vector<1x16xf32>
      tpu.vector_store %arg12[%swap3A_339, %swap3A_340], %swap3A_343 {strides = array<i32>} : memref<64x128xf32, #tpu.memory_space<vmem>>, vector<1x16xf32>,
      %get3A_344 = arith.index_cast %scan3A_261 : i32 to index
      %get3A_345 = arith.constant 96 : index
      %get3A_346 = tpu.vector_load %arg12[%get3A_344, %get3A_345] {strides = array<i32>} : memref<64x128xf32, #tpu.memory_space<vmem>>, vector<1x16xf32>,
      %get3A_347 = vector.shape_cast %get3A_346 : vector<1x16xf32> to vector<16xf32>
      %get3A_348 = arith.index_cast %select_n3A : i32 to index
      %get3A_349 = arith.constant 96 : index
      %get3A_350 = tpu.vector_load %arg11[%get3A_348, %get3A_349] {strides = array<i32>} : memref<64x128xf32, #tpu.memory_space<vmem>>, vector<1x16xf32>,
      %get3A_351 = vector.shape_cast %get3A_350 : vector<1x16xf32> to vector<16xf32>
      %add3A_352 = arith.addf %get3A_347, %get3A_351 : vector<16xf32>
      %swap3A_353 = arith.index_cast %scan3A_261 : i32 to index
      %swap3A_354 = arith.constant 96 : index
      %swap3A_355 = tpu.vector_load %arg12[%swap3A_353, %swap3A_354] {strides = array<i32>} : memref<64x128xf32, #tpu.memory_space<vmem>>, vector<1x16xf32>,
      %swap3A_356 = vector.shape_cast %swap3A_355 : vector<1x16xf32> to vector<16xf32>
      %swap3A_357 = vector.shape_cast %add3A_352 : vector<16xf32> to vector<1x16xf32>
      tpu.vector_store %arg12[%swap3A_353, %swap3A_354], %swap3A_357 {strides = array<i32>} : memref<64x128xf32, #tpu.memory_space<vmem>>, vector<1x16xf32>,
      %get3A_358 = arith.index_cast %scan3A_261 : i32 to index
      %get3A_359 = arith.constant 112 : index
      %get3A_360 = tpu.vector_load %arg12[%get3A_358, %get3A_359] {strides = array<i32>} : memref<64x128xf32, #tpu.memory_space<vmem>>, vector<1x16xf32>,
      %get3A_361 = vector.shape_cast %get3A_360 : vector<1x16xf32> to vector<16xf32>
      %get3A_362 = arith.index_cast %select_n3A : i32 to index
      %get3A_363 = arith.constant 112 : index
      %get3A_364 = tpu.vector_load %arg11[%get3A_362, %get3A_363] {strides = array<i32>} : memref<64x128xf32, #tpu.memory_space<vmem>>, vector<1x16xf32>,
      %get3A_365 = vector.shape_cast %get3A_364 : vector<1x16xf32> to vector<16xf32>
      %add3A_366 = arith.addf %get3A_361, %get3A_365 : vector<16xf32>
      %swap3A_367 = arith.index_cast %scan3A_261 : i32 to index
      %swap3A_368 = arith.constant 112 : index
      %swap3A_369 = tpu.vector_load %arg12[%swap3A_367, %swap3A_368] {strides = array<i32>} : memref<64x128xf32, #tpu.memory_space<vmem>>, vector<1x16xf32>,
      %swap3A_370 = vector.shape_cast %swap3A_369 : vector<1x16xf32> to vector<16xf32>
      %swap3A_371 = vector.shape_cast %add3A_366 : vector<16xf32> to vector<1x16xf32>
      tpu.vector_store %arg12[%swap3A_367, %swap3A_368], %swap3A_371 {strides = array<i32>} : memref<64x128xf32, #tpu.memory_space<vmem>>, vector<1x16xf32>,
      %scan3A_372 = arith.constant 1 : i32
      %scan3A_373 = arith.addi %scan3A_261, %scan3A_372 : i32
      %get3A_374 = arith.index_cast %scan3A_373 : i32 to index
      %get3A_375 = arith.constant 0 : index
      %get3A_376 = tpu.vector_load %arg12[%get3A_374, %get3A_375] {strides = array<i32>} : memref<64x128xf32, #tpu.memory_space<vmem>>, vector<1x16xf32>,
      %get3A_377 = vector.shape_cast %get3A_376 : vector<1x16xf32> to vector<16xf32>
      %get3A_378 = arith.index_cast %select_n3A : i32 to index
      %get3A_379 = arith.constant 0 : index
      %get3A_380 = tpu.vector_load %arg11[%get3A_378, %get3A_379] {strides = array<i32>} : memref<64x128xf32, #tpu.memory_space<vmem>>, vector<1x16xf32>,
      %get3A_381 = vector.shape_cast %get3A_380 : vector<1x16xf32> to vector<16xf32>
      %add3A_382 = arith.addf %get3A_377, %get3A_381 : vector<16xf32>
      %swap3A_383 = arith.index_cast %scan3A_373 : i32 to index
      %swap3A_384 = arith.constant 0 : index
      %swap3A_385 = tpu.vector_load %arg12[%swap3A_383, %swap3A_384] {strides = array<i32>} : memref<64x128xf32, #tpu.memory_space<vmem>>, vector<1x16xf32>,
      %swap3A_386 = vector.shape_cast %swap3A_385 : vector<1x16xf32> to vector<16xf32>
      %swap3A_387 = vector.shape_cast %add3A_382 : vector<16xf32> to vector<1x16xf32>
      tpu.vector_store %arg12[%swap3A_383, %swap3A_384], %swap3A_387 {strides = array<i32>} : memref<64x128xf32, #tpu.memory_space<vmem>>, vector<1x16xf32>,
      %get3A_388 = arith.index_cast %scan3A_373 : i32 to index
      %get3A_389 = arith.constant 16 : index
      %get3A_390 = tpu.vector_load %arg12[%get3A_388, %get3A_389] {strides = array<i32>} : memref<64x128xf32, #tpu.memory_space<vmem>>, vector<1x16xf32>,
      %get3A_391 = vector.shape_cast %get3A_390 : vector<1x16xf32> to vector<16xf32>
      %get3A_392 = arith.index_cast %select_n3A : i32 to index
      %get3A_393 = arith.constant 16 : index
      %get3A_394 = tpu.vector_load %arg11[%get3A_392, %get3A_393] {strides = array<i32>} : memref<64x128xf32, #tpu.memory_space<vmem>>, vector<1x16xf32>,
      %get3A_395 = vector.shape_cast %get3A_394 : vector<1x16xf32> to vector<16xf32>
      %add3A_396 = arith.addf %get3A_391, %get3A_395 : vector<16xf32>
      %swap3A_397 = arith.index_cast %scan3A_373 : i32 to index
      %swap3A_398 = arith.constant 16 : index
      %swap3A_399 = tpu.vector_load %arg12[%swap3A_397, %swap3A_398] {strides = array<i32>} : memref<64x128xf32, #tpu.memory_space<vmem>>, vector<1x16xf32>,
      %swap3A_400 = vector.shape_cast %swap3A_399 : vector<1x16xf32> to vector<16xf32>
      %swap3A_401 = vector.shape_cast %add3A_396 : vector<16xf32> to vector<1x16xf32>
      tpu.vector_store %arg12[%swap3A_397, %swap3A_398], %swap3A_401 {strides = array<i32>} : memref<64x128xf32, #tpu.memory_space<vmem>>, vector<1x16xf32>,
      %get3A_402 = arith.index_cast %scan3A_373 : i32 to index
      %get3A_403 = arith.constant 32 : index
      %get3A_404 = tpu.vector_load %arg12[%get3A_402, %get3A_403] {strides = array<i32>} : memref<64x128xf32, #tpu.memory_space<vmem>>, vector<1x16xf32>,
      %get3A_405 = vector.shape_cast %get3A_404 : vector<1x16xf32> to vector<16xf32>
      %get3A_406 = arith.index_cast %select_n3A : i32 to index
      %get3A_407 = arith.constant 32 : index
      %get3A_408 = tpu.vector_load %arg11[%get3A_406, %get3A_407] {strides = array<i32>} : memref<64x128xf32, #tpu.memory_space<vmem>>, vector<1x16xf32>,
      %get3A_409 = vector.shape_cast %get3A_408 : vector<1x16xf32> to vector<16xf32>
      %add3A_410 = arith.addf %get3A_405, %get3A_409 : vector<16xf32>
      %swap3A_411 = arith.index_cast %scan3A_373 : i32 to index
      %swap3A_412 = arith.constant 32 : index
      %swap3A_413 = tpu.vector_load %arg12[%swap3A_411, %swap3A_412] {strides = array<i32>} : memref<64x128xf32, #tpu.memory_space<vmem>>, vector<1x16xf32>,
      %swap3A_414 = vector.shape_cast %swap3A_413 : vector<1x16xf32> to vector<16xf32>
      %swap3A_415 = vector.shape_cast %add3A_410 : vector<16xf32> to vector<1x16xf32>
      tpu.vector_store %arg12[%swap3A_411, %swap3A_412], %swap3A_415 {strides = array<i32>} : memref<64x128xf32, #tpu.memory_space<vmem>>, vector<1x16xf32>,
      %get3A_416 = arith.index_cast %scan3A_373 : i32 to index
      %get3A_417 = arith.constant 48 : index
      %get3A_418 = tpu.vector_load %arg12[%get3A_416, %get3A_417] {strides = array<i32>} : memref<64x128xf32, #tpu.memory_space<vmem>>, vector<1x16xf32>,
      %get3A_419 = vector.shape_cast %get3A_418 : vector<1x16xf32> to vector<16xf32>
      %get3A_420 = arith.index_cast %select_n3A : i32 to index
      %get3A_421 = arith.constant 48 : index
      %get3A_422 = tpu.vector_load %arg11[%get3A_420, %get3A_421] {strides = array<i32>} : memref<64x128xf32, #tpu.memory_space<vmem>>, vector<1x16xf32>,
      %get3A_423 = vector.shape_cast %get3A_422 : vector<1x16xf32> to vector<16xf32>
      %add3A_424 = arith.addf %get3A_419, %get3A_423 : vector<16xf32>
      %swap3A_425 = arith.index_cast %scan3A_373 : i32 to index
      %swap3A_426 = arith.constant 48 : index
      %swap3A_427 = tpu.vector_load %arg12[%swap3A_425, %swap3A_426] {strides = array<i32>} : memref<64x128xf32, #tpu.memory_space<vmem>>, vector<1x16xf32>,
      %swap3A_428 = vector.shape_cast %swap3A_427 : vector<1x16xf32> to vector<16xf32>
      %swap3A_429 = vector.shape_cast %add3A_424 : vector<16xf32> to vector<1x16xf32>
      tpu.vector_store %arg12[%swap3A_425, %swap3A_426], %swap3A_429 {strides = array<i32>} : memref<64x128xf32, #tpu.memory_space<vmem>>, vector<1x16xf32>,
      %get3A_430 = arith.index_cast %scan3A_373 : i32 to index
      %get3A_431 = arith.constant 64 : index
      %get3A_432 = tpu.vector_load %arg12[%get3A_430, %get3A_431] {strides = array<i32>} : memref<64x128xf32, #tpu.memory_space<vmem>>, vector<1x16xf32>,
      %get3A_433 = vector.shape_cast %get3A_432 : vector<1x16xf32> to vector<16xf32>
      %get3A_434 = arith.index_cast %select_n3A : i32 to index
      %get3A_435 = arith.constant 64 : index
      %get3A_436 = tpu.vector_load %arg11[%get3A_434, %get3A_435] {strides = array<i32>} : memref<64x128xf32, #tpu.memory_space<vmem>>, vector<1x16xf32>,
      %get3A_437 = vector.shape_cast %get3A_436 : vector<1x16xf32> to vector<16xf32>
      %add3A_438 = arith.addf %get3A_433, %get3A_437 : vector<16xf32>
      %swap3A_439 = arith.index_cast %scan3A_373 : i32 to index
      %swap3A_440 = arith.constant 64 : index
      %swap3A_441 = tpu.vector_load %arg12[%swap3A_439, %swap3A_440] {strides = array<i32>} : memref<64x128xf32, #tpu.memory_space<vmem>>, vector<1x16xf32>,
      %swap3A_442 = vector.shape_cast %swap3A_441 : vector<1x16xf32> to vector<16xf32>
      %swap3A_443 = vector.shape_cast %add3A_438 : vector<16xf32> to vector<1x16xf32>
      tpu.vector_store %arg12[%swap3A_439, %swap3A_440], %swap3A_443 {strides = array<i32>} : memref<64x128xf32, #tpu.memory_space<vmem>>, vector<1x16xf32>,
      %get3A_444 = arith.index_cast %scan3A_373 : i32 to index
      %get3A_445 = arith.constant 80 : index
      %get3A_446 = tpu.vector_load %arg12[%get3A_444, %get3A_445] {strides = array<i32>} : memref<64x128xf32, #tpu.memory_space<vmem>>, vector<1x16xf32>,
      %get3A_447 = vector.shape_cast %get3A_446 : vector<1x16xf32> to vector<16xf32>
      %get3A_448 = arith.index_cast %select_n3A : i32 to index
      %get3A_449 = arith.constant 80 : index
      %get3A_450 = tpu.vector_load %arg11[%get3A_448, %get3A_449] {strides = array<i32>} : memref<64x128xf32, #tpu.memory_space<vmem>>, vector<1x16xf32>,
      %get3A_451 = vector.shape_cast %get3A_450 : vector<1x16xf32> to vector<16xf32>
      %add3A_452 = arith.addf %get3A_447, %get3A_451 : vector<16xf32>
      %swap3A_453 = arith.index_cast %scan3A_373 : i32 to index
      %swap3A_454 = arith.constant 80 : index
      %swap3A_455 = tpu.vector_load %arg12[%swap3A_453, %swap3A_454] {strides = array<i32>} : memref<64x128xf32, #tpu.memory_space<vmem>>, vector<1x16xf32>,
      %swap3A_456 = vector.shape_cast %swap3A_455 : vector<1x16xf32> to vector<16xf32>
      %swap3A_457 = vector.shape_cast %add3A_452 : vector<16xf32> to vector<1x16xf32>
      tpu.vector_store %arg12[%swap3A_453, %swap3A_454], %swap3A_457 {strides = array<i32>} : memref<64x128xf32, #tpu.memory_space<vmem>>, vector<1x16xf32>,
      %get3A_458 = arith.index_cast %scan3A_373 : i32 to index
      %get3A_459 = arith.constant 96 : index
      %get3A_460 = tpu.vector_load %arg12[%get3A_458, %get3A_459] {strides = array<i32>} : memref<64x128xf32, #tpu.memory_space<vmem>>, vector<1x16xf32>,
      %get3A_461 = vector.shape_cast %get3A_460 : vector<1x16xf32> to vector<16xf32>
      %get3A_462 = arith.index_cast %select_n3A : i32 to index
      %get3A_463 = arith.constant 96 : index
      %get3A_464 = tpu.vector_load %arg11[%get3A_462, %get3A_463] {strides = array<i32>} : memref<64x128xf32, #tpu.memory_space<vmem>>, vector<1x16xf32>,
      %get3A_465 = vector.shape_cast %get3A_464 : vector<1x16xf32> to vector<16xf32>
      %add3A_466 = arith.addf %get3A_461, %get3A_465 : vector<16xf32>
      %swap3A_467 = arith.index_cast %scan3A_373 : i32 to index
      %swap3A_468 = arith.constant 96 : index
      %swap3A_469 = tpu.vector_load %arg12[%swap3A_467, %swap3A_468] {strides = array<i32>} : memref<64x128xf32, #tpu.memory_space<vmem>>, vector<1x16xf32>,
      %swap3A_470 = vector.shape_cast %swap3A_469 : vector<1x16xf32> to vector<16xf32>
      %swap3A_471 = vector.shape_cast %add3A_466 : vector<16xf32> to vector<1x16xf32>
      tpu.vector_store %arg12[%swap3A_467, %swap3A_468], %swap3A_471 {strides = array<i32>} : memref<64x128xf32, #tpu.memory_space<vmem>>, vector<1x16xf32>,
      %get3A_472 = arith.index_cast %scan3A_373 : i32 to index
      %get3A_473 = arith.constant 112 : index
      %get3A_474 = tpu.vector_load %arg12[%get3A_472, %get3A_473] {strides = array<i32>} : memref<64x128xf32, #tpu.memory_space<vmem>>, vector<1x16xf32>,
      %get3A_475 = vector.shape_cast %get3A_474 : vector<1x16xf32> to vector<16xf32>
      %get3A_476 = arith.index_cast %select_n3A : i32 to index
      %get3A_477 = arith.constant 112 : index
      %get3A_478 = tpu.vector_load %arg11[%get3A_476, %get3A_477] {strides = array<i32>} : memref<64x128xf32, #tpu.memory_space<vmem>>, vector<1x16xf32>,
      %get3A_479 = vector.shape_cast %get3A_478 : vector<1x16xf32> to vector<16xf32>
      %add3A_480 = arith.addf %get3A_475, %get3A_479 : vector<16xf32>
      %swap3A_481 = arith.index_cast %scan3A_373 : i32 to index
      %swap3A_482 = arith.constant 112 : index
      %swap3A_483 = tpu.vector_load %arg12[%swap3A_481, %swap3A_482] {strides = array<i32>} : memref<64x128xf32, #tpu.memory_space<vmem>>, vector<1x16xf32>,
      %swap3A_484 = vector.shape_cast %swap3A_483 : vector<1x16xf32> to vector<16xf32>
      %swap3A_485 = vector.shape_cast %add3A_480 : vector<16xf32> to vector<1x16xf32>
      tpu.vector_store %arg12[%swap3A_481, %swap3A_482], %swap3A_485 {strides = array<i32>} : memref<64x128xf32, #tpu.memory_space<vmem>>, vector<1x16xf32>,
    }
    %scan3A_36 = arith.constant 64 : i32
    %mul3A_37 = arith.constant 64 : i32
    %mul3A_38 = arith.muli %arg1, %mul3A_37 : i32
    "tpu.region"() ({
      %run_scoped3A = tpu.sem_alloc : memref<!tpu.dma_semaphore, #tpu.memory_space<semaphore_mem>>
      %dma_start3A_261 = arith.constant 0 : i32
      %dma_start3A_262 = arith.constant 0 : i32
      %dma_start3A_263 = tpu.memref_slice %arg12[%dma_start3A_261, %dma_start3A_262] : memref<64x128xf32, #tpu.memory_space<vmem>> -> memref<64x128xf32, #tpu.memory_space<vmem>>
      %dma_start3A_264 = arith.constant 0 : i32
      %dma_start3A_265 = tpu.memref_slice %arg8[%mul3A_38, %dma_start3A_264] : memref<1024x128xf32, #tpu.memory_space<vmem_shared>> -> memref<64x128xf32, #tpu.memory_space<vmem_shared>>
      %dma_start3A_266 = arith.constant 0 : i32
      %dma_start3A_267 = tpu.memref_slice %arg8[%mul3A_38, %dma_start3A_266] : memref<1024x128xf32, #tpu.memory_space<vmem_shared>> -> memref<64x128xf32, #tpu.memory_space<vmem_shared>>
      %dma_start3A_268 = arith.constant 0 : i32
      %dma_start3A_269 = arith.constant 0 : i32
      %dma_start3A_270 = tpu.memref_slice %arg12[%dma_start3A_268, %dma_start3A_269] : memref<64x128xf32, #tpu.memory_space<vmem>> -> memref<64x128xf32, #tpu.memory_space<vmem>>
      tpu.enqueue_dma source(%dma_start3A_270 : memref<64x128xf32, #tpu.memory_space<vmem>>) target(%dma_start3A_267 : memref<64x128xf32, #tpu.memory_space<vmem_shared>>) target_semaphore(%run_scoped3A : memref<!tpu.dma_semaphore, #tpu.memory_space<semaphore_mem>>)
      %dma_wait3A_271 = arith.constant 0 : i32
      %dma_wait3A_272 = arith.constant 0 : i32
      %dma_wait3A_273 = tpu.memref_slice %arg12[%dma_wait3A_271, %dma_wait3A_272] : memref<64x128xf32, #tpu.memory_space<vmem>> -> memref<64x128xf32, #tpu.memory_space<vmem>>
      %dma_wait3A_274 = arith.constant 0 : i32
      %dma_wait3A_275 = tpu.memref_slice %arg8[%mul3A_38, %dma_wait3A_274] : memref<1024x128xf32, #tpu.memory_space<vmem_shared>> -> memref<64x128xf32, #tpu.memory_space<vmem_shared>>
      %dma_wait3A_276 = arith.constant 0 : i32
      %dma_wait3A_277 = tpu.memref_slice %arg8[%mul3A_38, %dma_wait3A_276] : memref<1024x128xf32, #tpu.memory_space<vmem_shared>> -> memref<64x128xf32, #tpu.memory_space<vmem_shared>>
      %dma_wait3A_278 = arith.constant 0 : i32
      %dma_wait3A_279 = arith.constant 0 : i32
      %dma_wait3A_280 = tpu.memref_slice %arg12[%dma_wait3A_278, %dma_wait3A_279] : memref<64x128xf32, #tpu.memory_space<vmem>> -> memref<64x128xf32, #tpu.memory_space<vmem>>
      tpu.wait_dma2 semaphore(%run_scoped3A : memref<!tpu.dma_semaphore, #tpu.memory_space<semaphore_mem>>) src(%dma_wait3A_280 : memref<64x128xf32, #tpu.memory_space<vmem>>) dst(%dma_wait3A_277 : memref<64x128xf32, #tpu.memory_space<vmem_shared>>)
      tpu.yield
    }) : () -> ()
    %barrier3A = arith.constant 0 : index
    tpu.barrier barrier_id(%barrier3A)
    %dma_wait3A = arith.constant 0 : i32
    %dma_wait3A_39 = tpu.memref_slice %arg5[%mul3A_2, %dma_wait3A] : memref<8192x64xi32, #tpu.memory_space<hbm>> -> memref<256x64xi32, #tpu.memory_space<hbm>>
    %dma_wait3A_40 = arith.constant 0 : i32
    %dma_wait3A_41 = tpu.memref_slice %arg5[%mul3A_2, %dma_wait3A_40] : memref<8192x64xi32, #tpu.memory_space<hbm>> -> memref<256x64xi32, #tpu.memory_space<hbm>>
    tpu.wait_dma2 semaphore(%arg20 : memref<!tpu.dma_semaphore, #tpu.memory_space<semaphore_mem>>) src(%dma_wait3A_41 : memref<256x64xi32, #tpu.memory_space<hbm>>) dst(%arg9 : memref<256x64xi32, #tpu.memory_space<vmem>>)
    %dma_wait3A_42 = arith.constant 0 : i32
    %dma_wait3A_43 = tpu.memref_slice %arg6[%mul3A_4, %dma_wait3A_42] : memref<8192x64xi32, #tpu.memory_space<hbm>> -> memref<256x64xi32, #tpu.memory_space<hbm>>
    %dma_wait3A_44 = arith.constant 0 : i32
    %dma_wait3A_45 = tpu.memref_slice %arg6[%mul3A_4, %dma_wait3A_44] : memref<8192x64xi32, #tpu.memory_space<hbm>> -> memref<256x64xi32, #tpu.memory_space<hbm>>
    tpu.wait_dma2 semaphore(%arg21 : memref<!tpu.dma_semaphore, #tpu.memory_space<semaphore_mem>>) src(%dma_wait3A_45 : memref<256x64xi32, #tpu.memory_space<hbm>>) dst(%arg10 : memref<256x64xi32, #tpu.memory_space<vmem>>)
    %scan3A_46 = arith.constant 0 : i32
    %scan3A_47 = arith.constant 0 : i32
    %scan3A_48 = arith.constant 256 : i32
    %scan3A_49 = arith.addi %scan3A_47, %scan3A_48 : i32
    %scan3A_50 = arith.constant 1 : i32
    scf.for %scan3A_261 = %scan3A_47 to %scan3A_49 step %scan3A_50  : i32 {
      %rem3A_262 = arith.constant 8 : i32
      %rem3A_263 = arith.remsi %scan3A_261, %rem3A_262 : i32
      %mul3A_264 = arith.constant 64 : i32
      %mul3A_265 = arith.muli %rem3A_263, %mul3A_264 : i32
      %get3A = arith.index_cast %scan3A_261 : i32 to index
      %get3A_266 = arith.constant 0 : index
      %get3A_267 = tpu.vector_load %arg10[%get3A, %get3A_266] {strides = array<i32>} : memref<256x64xi32, #tpu.memory_space<vmem>>, vector<1x16xi32>,
      %get3A_268 = vector.shape_cast %get3A_267 : vector<1x16xi32> to vector<16xi32>
      %mul3A_269 = arith.constant 512 : i32
      %mul3A_270 = vector.broadcast %mul3A_269 : i32 to vector<16xi32>
      %mul3A_271 = arith.muli %get3A_268, %mul3A_270 : vector<16xi32>
      %add3A_272 = arith.constant 0 : i32
      %add3A_273 = arith.addi %add3A_272, %mul3A_265 : i32
      %add3A_274 = vector.broadcast %add3A_273 : i32 to vector<16xi32>
      %add3A_275 = arith.addi %iota3A, %add3A_274 : vector<16xi32>
      %add3A_276 = arith.addi %mul3A_271, %add3A_275 : vector<16xi32>
      %swap3A = arith.index_cast %scan3A_261 : i32 to index
      %swap3A_277 = arith.constant 0 : index
      %swap3A_278 = tpu.vector_load %arg10[%swap3A, %swap3A_277] {strides = array<i32>} : memref<256x64xi32, #tpu.memory_space<vmem>>, vector<1x16xi32>,
      %swap3A_279 = vector.shape_cast %swap3A_278 : vector<1x16xi32> to vector<16xi32>
      %swap3A_280 = vector.shape_cast %add3A_276 : vector<16xi32> to vector<1x16xi32>
      tpu.vector_store %arg10[%swap3A, %swap3A_277], %swap3A_280 {strides = array<i32>} : memref<256x64xi32, #tpu.memory_space<vmem>>, vector<1x16xi32>,
      %get3A_281 = arith.index_cast %scan3A_261 : i32 to index
      %get3A_282 = arith.constant 16 : index
      %get3A_283 = tpu.vector_load %arg10[%get3A_281, %get3A_282] {strides = array<i32>} : memref<256x64xi32, #tpu.memory_space<vmem>>, vector<1x16xi32>,
      %get3A_284 = vector.shape_cast %get3A_283 : vector<1x16xi32> to vector<16xi32>
      %mul3A_285 = arith.constant 512 : i32
      %mul3A_286 = vector.broadcast %mul3A_285 : i32 to vector<16xi32>
      %mul3A_287 = arith.muli %get3A_284, %mul3A_286 : vector<16xi32>
      %add3A_288 = arith.constant 16 : i32
      %add3A_289 = arith.addi %add3A_288, %mul3A_265 : i32
      %add3A_290 = vector.broadcast %add3A_289 : i32 to vector<16xi32>
      %add3A_291 = arith.addi %iota3A, %add3A_290 : vector<16xi32>
      %add3A_292 = arith.addi %mul3A_287, %add3A_291 : vector<16xi32>
      %swap3A_293 = arith.index_cast %scan3A_261 : i32 to index
      %swap3A_294 = arith.constant 16 : index
      %swap3A_295 = tpu.vector_load %arg10[%swap3A_293, %swap3A_294] {strides = array<i32>} : memref<256x64xi32, #tpu.memory_space<vmem>>, vector<1x16xi32>,
      %swap3A_296 = vector.shape_cast %swap3A_295 : vector<1x16xi32> to vector<16xi32>
      %swap3A_297 = vector.shape_cast %add3A_292 : vector<16xi32> to vector<1x16xi32>
      tpu.vector_store %arg10[%swap3A_293, %swap3A_294], %swap3A_297 {strides = array<i32>} : memref<256x64xi32, #tpu.memory_space<vmem>>, vector<1x16xi32>,
      %get3A_298 = arith.index_cast %scan3A_261 : i32 to index
      %get3A_299 = arith.constant 32 : index
      %get3A_300 = tpu.vector_load %arg10[%get3A_298, %get3A_299] {strides = array<i32>} : memref<256x64xi32, #tpu.memory_space<vmem>>, vector<1x16xi32>,
      %get3A_301 = vector.shape_cast %get3A_300 : vector<1x16xi32> to vector<16xi32>
      %mul3A_302 = arith.constant 512 : i32
      %mul3A_303 = vector.broadcast %mul3A_302 : i32 to vector<16xi32>
      %mul3A_304 = arith.muli %get3A_301, %mul3A_303 : vector<16xi32>
      %add3A_305 = arith.constant 32 : i32
      %add3A_306 = arith.addi %add3A_305, %mul3A_265 : i32
      %add3A_307 = vector.broadcast %add3A_306 : i32 to vector<16xi32>
      %add3A_308 = arith.addi %iota3A, %add3A_307 : vector<16xi32>
      %add3A_309 = arith.addi %mul3A_304, %add3A_308 : vector<16xi32>
      %swap3A_310 = arith.index_cast %scan3A_261 : i32 to index
      %swap3A_311 = arith.constant 32 : index
      %swap3A_312 = tpu.vector_load %arg10[%swap3A_310, %swap3A_311] {strides = array<i32>} : memref<256x64xi32, #tpu.memory_space<vmem>>, vector<1x16xi32>,
      %swap3A_313 = vector.shape_cast %swap3A_312 : vector<1x16xi32> to vector<16xi32>
      %swap3A_314 = vector.shape_cast %add3A_309 : vector<16xi32> to vector<1x16xi32>
      tpu.vector_store %arg10[%swap3A_310, %swap3A_311], %swap3A_314 {strides = array<i32>} : memref<256x64xi32, #tpu.memory_space<vmem>>, vector<1x16xi32>,
      %get3A_315 = arith.index_cast %scan3A_261 : i32 to index
      %get3A_316 = arith.constant 48 : index
      %get3A_317 = tpu.vector_load %arg10[%get3A_315, %get3A_316] {strides = array<i32>} : memref<256x64xi32, #tpu.memory_space<vmem>>, vector<1x16xi32>,
      %get3A_318 = vector.shape_cast %get3A_317 : vector<1x16xi32> to vector<16xi32>
      %mul3A_319 = arith.constant 512 : i32
      %mul3A_320 = vector.broadcast %mul3A_319 : i32 to vector<16xi32>
      %mul3A_321 = arith.muli %get3A_318, %mul3A_320 : vector<16xi32>
      %add3A_322 = arith.constant 48 : i32
      %add3A_323 = arith.addi %add3A_322, %mul3A_265 : i32
      %add3A_324 = vector.broadcast %add3A_323 : i32 to vector<16xi32>
      %add3A_325 = arith.addi %iota3A, %add3A_324 : vector<16xi32>
      %add3A_326 = arith.addi %mul3A_321, %add3A_325 : vector<16xi32>
      %swap3A_327 = arith.index_cast %scan3A_261 : i32 to index
      %swap3A_328 = arith.constant 48 : index
      %swap3A_329 = tpu.vector_load %arg10[%swap3A_327, %swap3A_328] {strides = array<i32>} : memref<256x64xi32, #tpu.memory_space<vmem>>, vector<1x16xi32>,
      %swap3A_330 = vector.shape_cast %swap3A_329 : vector<1x16xi32> to vector<16xi32>
      %swap3A_331 = vector.shape_cast %add3A_326 : vector<16xi32> to vector<1x16xi32>
      tpu.vector_store %arg10[%swap3A_327, %swap3A_328], %swap3A_331 {strides = array<i32>} : memref<256x64xi32, #tpu.memory_space<vmem>>, vector<1x16xi32>,
    }
    %scan3A_51 = arith.constant 256 : i32
    %dma_start3A_52 = arith.constant 0 : i32
    %dma_start3A_53 = arith.constant 0 : i32
    %dma_start3A_54 = tpu.memref_slice %arg9[%dma_start3A_52, %dma_start3A_53] : memref<256x64xi32, #tpu.memory_space<vmem>> -> memref<1x64xi32, #tpu.memory_space<vmem>>
    %dma_start3A_55 = tpu.memref_squeeze %dma_start3A_54 : memref<1x64xi32, #tpu.memory_space<vmem>> -> memref<64xi32, #tpu.memory_space<vmem>>
    %dma_start3A_56 = arith.constant 0 : i32
    %dma_start3A_57 = arith.constant 0 : i32
    %dma_start3A_58 = tpu.memref_slice %arg2[%dma_start3A_56, %dma_start3A_57] : memref<100000x128xf32, #tpu.memory_space<hbm>> -> memref<100000x128xf32, #tpu.memory_space<hbm>>
    tpu.enqueue_indirect_dma source(%dma_start3A_58 : memref<100000x128xf32, #tpu.memory_space<hbm>>) target(%arg11 : memref<64x128xf32, #tpu.memory_space<vmem>>) offsets(%dma_start3A_55 : memref<64xi32, #tpu.memory_space<vmem>>) semaphore(%arg17 : memref<!tpu.dma_semaphore, #tpu.memory_space<semaphore_mem>>)
    %dma_start3A_59 = arith.constant 0 : i32
    %dma_start3A_60 = arith.constant 0 : i32
    %dma_start3A_61 = tpu.memref_slice %arg10[%dma_start3A_59, %dma_start3A_60] : memref<256x64xi32, #tpu.memory_space<vmem>> -> memref<1x64xi32, #tpu.memory_space<vmem>>
    %dma_start3A_62 = tpu.memref_squeeze %dma_start3A_61 : memref<1x64xi32, #tpu.memory_space<vmem>> -> memref<64xi32, #tpu.memory_space<vmem>>
    %dma_start3A_63 = arith.constant 0 : i32
    %dma_start3A_64 = arith.constant 0 : i32
    %dma_start3A_65 = tpu.memref_slice %arg8[%dma_start3A_63, %dma_start3A_64] : memref<1024x128xf32, #tpu.memory_space<vmem_shared>> -> memref<1024x128xf32, #tpu.memory_space<vmem_shared>>
    tpu.enqueue_indirect_dma source(%dma_start3A_65 : memref<1024x128xf32, #tpu.memory_space<vmem_shared>>) target(%arg12 : memref<64x128xf32, #tpu.memory_space<vmem>>) offsets(%dma_start3A_62 : memref<64xi32, #tpu.memory_space<vmem>>) semaphore(%arg18 : memref<!tpu.dma_semaphore, #tpu.memory_space<semaphore_mem>>)
    %dma_start3A_66 = arith.constant 1 : i32
    %dma_start3A_67 = arith.constant 0 : i32
    %dma_start3A_68 = tpu.memref_slice %arg9[%dma_start3A_66, %dma_start3A_67] : memref<256x64xi32, #tpu.memory_space<vmem>> -> memref<1x64xi32, #tpu.memory_space<vmem>>
    %dma_start3A_69 = tpu.memref_squeeze %dma_start3A_68 : memref<1x64xi32, #tpu.memory_space<vmem>> -> memref<64xi32, #tpu.memory_space<vmem>>
    %dma_start3A_70 = arith.constant 0 : i32
    %dma_start3A_71 = arith.constant 0 : i32
    %dma_start3A_72 = tpu.memref_slice %arg2[%dma_start3A_70, %dma_start3A_71] : memref<100000x128xf32, #tpu.memory_space<hbm>> -> memref<100000x128xf32, #tpu.memory_space<hbm>>
    tpu.enqueue_indirect_dma source(%dma_start3A_72 : memref<100000x128xf32, #tpu.memory_space<hbm>>) target(%arg13 : memref<64x128xf32, #tpu.memory_space<vmem>>) offsets(%dma_start3A_69 : memref<64xi32, #tpu.memory_space<vmem>>) semaphore(%arg20 : memref<!tpu.dma_semaphore, #tpu.memory_space<semaphore_mem>>)
    %dma_start3A_73 = arith.constant 1 : i32
    %dma_start3A_74 = arith.constant 0 : i32
    %dma_start3A_75 = tpu.memref_slice %arg10[%dma_start3A_73, %dma_start3A_74] : memref<256x64xi32, #tpu.memory_space<vmem>> -> memref<1x64xi32, #tpu.memory_space<vmem>>
    %dma_start3A_76 = tpu.memref_squeeze %dma_start3A_75 : memref<1x64xi32, #tpu.memory_space<vmem>> -> memref<64xi32, #tpu.memory_space<vmem>>
    %dma_start3A_77 = arith.constant 0 : i32
    %dma_start3A_78 = arith.constant 0 : i32
    %dma_start3A_79 = tpu.memref_slice %arg8[%dma_start3A_77, %dma_start3A_78] : memref<1024x128xf32, #tpu.memory_space<vmem_shared>> -> memref<1024x128xf32, #tpu.memory_space<vmem_shared>>
    tpu.enqueue_indirect_dma source(%dma_start3A_79 : memref<1024x128xf32, #tpu.memory_space<vmem_shared>>) target(%arg14 : memref<64x128xf32, #tpu.memory_space<vmem>>) offsets(%dma_start3A_76 : memref<64xi32, #tpu.memory_space<vmem>>) semaphore(%arg21 : memref<!tpu.dma_semaphore, #tpu.memory_space<semaphore_mem>>)
    %dma_start3A_80 = arith.constant 2 : i32
    %dma_start3A_81 = arith.constant 0 : i32
    %dma_start3A_82 = tpu.memref_slice %arg9[%dma_start3A_80, %dma_start3A_81] : memref<256x64xi32, #tpu.memory_space<vmem>> -> memref<1x64xi32, #tpu.memory_space<vmem>>
    %dma_start3A_83 = tpu.memref_squeeze %dma_start3A_82 : memref<1x64xi32, #tpu.memory_space<vmem>> -> memref<64xi32, #tpu.memory_space<vmem>>
    %dma_start3A_84 = arith.constant 0 : i32
    %dma_start3A_85 = arith.constant 0 : i32
    %dma_start3A_86 = tpu.memref_slice %arg2[%dma_start3A_84, %dma_start3A_85] : memref<100000x128xf32, #tpu.memory_space<hbm>> -> memref<100000x128xf32, #tpu.memory_space<hbm>>
    tpu.enqueue_indirect_dma source(%dma_start3A_86 : memref<100000x128xf32, #tpu.memory_space<hbm>>) target(%arg15 : memref<64x128xf32, #tpu.memory_space<vmem>>) offsets(%dma_start3A_83 : memref<64xi32, #tpu.memory_space<vmem>>) semaphore(%arg23 : memref<!tpu.dma_semaphore, #tpu.memory_space<semaphore_mem>>)
    %dma_start3A_87 = arith.constant 2 : i32
    %dma_start3A_88 = arith.constant 0 : i32
    %dma_start3A_89 = tpu.memref_slice %arg10[%dma_start3A_87, %dma_start3A_88] : memref<256x64xi32, #tpu.memory_space<vmem>> -> memref<1x64xi32, #tpu.memory_space<vmem>>
    %dma_start3A_90 = tpu.memref_squeeze %dma_start3A_89 : memref<1x64xi32, #tpu.memory_space<vmem>> -> memref<64xi32, #tpu.memory_space<vmem>>
    %dma_start3A_91 = arith.constant 0 : i32
    %dma_start3A_92 = arith.constant 0 : i32
    %dma_start3A_93 = tpu.memref_slice %arg8[%dma_start3A_91, %dma_start3A_92] : memref<1024x128xf32, #tpu.memory_space<vmem_shared>> -> memref<1024x128xf32, #tpu.memory_space<vmem_shared>>
    tpu.enqueue_indirect_dma source(%dma_start3A_93 : memref<1024x128xf32, #tpu.memory_space<vmem_shared>>) target(%arg16 : memref<64x128xf32, #tpu.memory_space<vmem>>) offsets(%dma_start3A_90 : memref<64xi32, #tpu.memory_space<vmem>>) semaphore(%arg24 : memref<!tpu.dma_semaphore, #tpu.memory_space<semaphore_mem>>)
    %dma_wait3A_94 = arith.constant 0 : i32
    %dma_wait3A_95 = arith.constant 0 : i32
    %dma_wait3A_96 = tpu.memref_slice %arg9[%dma_wait3A_94, %dma_wait3A_95] : memref<256x64xi32, #tpu.memory_space<vmem>> -> memref<1x64xi32, #tpu.memory_space<vmem>>
    %dma_wait3A_97 = tpu.memref_squeeze %dma_wait3A_96 : memref<1x64xi32, #tpu.memory_space<vmem>> -> memref<64xi32, #tpu.memory_space<vmem>>
    %dma_wait3A_98 = arith.constant 0 : i32
    %dma_wait3A_99 = arith.constant 0 : i32
    %dma_wait3A_100 = tpu.memref_slice %arg2[%dma_wait3A_98, %dma_wait3A_99] : memref<100000x128xf32, #tpu.memory_space<hbm>> -> memref<100000x128xf32, #tpu.memory_space<hbm>>
    tpu.wait_indirect_dma semaphore(%arg17 : memref<!tpu.dma_semaphore, #tpu.memory_space<semaphore_mem>>) src(%dma_wait3A_100 : memref<100000x128xf32, #tpu.memory_space<hbm>>) dst(%arg11 : memref<64x128xf32, #tpu.memory_space<vmem>>)
    %dma_wait3A_101 = arith.constant 0 : i32
    %dma_wait3A_102 = arith.constant 0 : i32
    %dma_wait3A_103 = tpu.memref_slice %arg10[%dma_wait3A_101, %dma_wait3A_102] : memref<256x64xi32, #tpu.memory_space<vmem>> -> memref<1x64xi32, #tpu.memory_space<vmem>>
    %dma_wait3A_104 = tpu.memref_squeeze %dma_wait3A_103 : memref<1x64xi32, #tpu.memory_space<vmem>> -> memref<64xi32, #tpu.memory_space<vmem>>
    %dma_wait3A_105 = arith.constant 0 : i32
    %dma_wait3A_106 = arith.constant 0 : i32
    %dma_wait3A_107 = tpu.memref_slice %arg8[%dma_wait3A_105, %dma_wait3A_106] : memref<1024x128xf32, #tpu.memory_space<vmem_shared>> -> memref<1024x128xf32, #tpu.memory_space<vmem_shared>>
    tpu.wait_indirect_dma semaphore(%arg18 : memref<!tpu.dma_semaphore, #tpu.memory_space<semaphore_mem>>) src(%dma_wait3A_107 : memref<1024x128xf32, #tpu.memory_space<vmem_shared>>) dst(%arg12 : memref<64x128xf32, #tpu.memory_space<vmem>>)
    %parallel_loop3A = arith.constant 0 : i32
    %parallel_loop3A_108 = arith.constant 64 : i32
    %parallel_loop3A_109 = arith.constant 1 : i32
    scf.for %parallel_loop3A_261 = %parallel_loop3A to %parallel_loop3A_108 step %parallel_loop3A_109  : i32 {
      %parallel_loop3A_262 = arith.index_cast %parallel_loop3A_261 : i32 to index
      %parallel_loop3A_263 = arith.constant 0 : index
      %parallel_loop3A_264 = tpu.vector_load %arg11[%parallel_loop3A_262, %parallel_loop3A_263] {strides = array<i32>} : memref<64x128xf32, #tpu.memory_space<vmem>>, vector<1x16xf32>,
      %parallel_loop3A_265 = vector.shape_cast %parallel_loop3A_264 : vector<1x16xf32> to vector<16xf32>
      %parallel_loop3A_266 = arith.index_cast %parallel_loop3A_261 : i32 to index
      %parallel_loop3A_267 = arith.constant 0 : index
      %parallel_loop3A_268 = tpu.vector_load %arg12[%parallel_loop3A_266, %parallel_loop3A_267] {strides = array<i32>} : memref<64x128xf32, #tpu.memory_space<vmem>>, vector<1x16xf32>,
      %parallel_loop3A_269 = vector.shape_cast %parallel_loop3A_268 : vector<1x16xf32> to vector<16xf32>
      %parallel_loop3A_270 = vector.shape_cast %parallel_loop3A_265 : vector<16xf32> to vector<1x16xf32>
      tpu.vector_store %arg12[%parallel_loop3A_266, %parallel_loop3A_267], %parallel_loop3A_270 {add = true, strides = array<i32>} : memref<64x128xf32, #tpu.memory_space<vmem>>, vector<1x16xf32>,
      %parallel_loop3A_271 = arith.index_cast %parallel_loop3A_261 : i32 to index
      %parallel_loop3A_272 = arith.constant 16 : index
      %parallel_loop3A_273 = tpu.vector_load %arg11[%parallel_loop3A_271, %parallel_loop3A_272] {strides = array<i32>} : memref<64x128xf32, #tpu.memory_space<vmem>>, vector<1x16xf32>,
      %parallel_loop3A_274 = vector.shape_cast %parallel_loop3A_273 : vector<1x16xf32> to vector<16xf32>
      %parallel_loop3A_275 = arith.index_cast %parallel_loop3A_261 : i32 to index
      %parallel_loop3A_276 = arith.constant 16 : index
      %parallel_loop3A_277 = tpu.vector_load %arg12[%parallel_loop3A_275, %parallel_loop3A_276] {strides = array<i32>} : memref<64x128xf32, #tpu.memory_space<vmem>>, vector<1x16xf32>,
      %parallel_loop3A_278 = vector.shape_cast %parallel_loop3A_277 : vector<1x16xf32> to vector<16xf32>
      %parallel_loop3A_279 = vector.shape_cast %parallel_loop3A_274 : vector<16xf32> to vector<1x16xf32>
      tpu.vector_store %arg12[%parallel_loop3A_275, %parallel_loop3A_276], %parallel_loop3A_279 {add = true, strides = array<i32>} : memref<64x128xf32, #tpu.memory_space<vmem>>, vector<1x16xf32>,
      %parallel_loop3A_280 = arith.index_cast %parallel_loop3A_261 : i32 to index
      %parallel_loop3A_281 = arith.constant 32 : index
      %parallel_loop3A_282 = tpu.vector_load %arg11[%parallel_loop3A_280, %parallel_loop3A_281] {strides = array<i32>} : memref<64x128xf32, #tpu.memory_space<vmem>>, vector<1x16xf32>,
      %parallel_loop3A_283 = vector.shape_cast %parallel_loop3A_282 : vector<1x16xf32> to vector<16xf32>
      %parallel_loop3A_284 = arith.index_cast %parallel_loop3A_261 : i32 to index
      %parallel_loop3A_285 = arith.constant 32 : index
      %parallel_loop3A_286 = tpu.vector_load %arg12[%parallel_loop3A_284, %parallel_loop3A_285] {strides = array<i32>} : memref<64x128xf32, #tpu.memory_space<vmem>>, vector<1x16xf32>,
      %parallel_loop3A_287 = vector.shape_cast %parallel_loop3A_286 : vector<1x16xf32> to vector<16xf32>
      %parallel_loop3A_288 = vector.shape_cast %parallel_loop3A_283 : vector<16xf32> to vector<1x16xf32>
      tpu.vector_store %arg12[%parallel_loop3A_284, %parallel_loop3A_285], %parallel_loop3A_288 {add = true, strides = array<i32>} : memref<64x128xf32, #tpu.memory_space<vmem>>, vector<1x16xf32>,
      %parallel_loop3A_289 = arith.index_cast %parallel_loop3A_261 : i32 to index
      %parallel_loop3A_290 = arith.constant 48 : index
      %parallel_loop3A_291 = tpu.vector_load %arg11[%parallel_loop3A_289, %parallel_loop3A_290] {strides = array<i32>} : memref<64x128xf32, #tpu.memory_space<vmem>>, vector<1x16xf32>,
      %parallel_loop3A_292 = vector.shape_cast %parallel_loop3A_291 : vector<1x16xf32> to vector<16xf32>
      %parallel_loop3A_293 = arith.index_cast %parallel_loop3A_261 : i32 to index
      %parallel_loop3A_294 = arith.constant 48 : index
      %parallel_loop3A_295 = tpu.vector_load %arg12[%parallel_loop3A_293, %parallel_loop3A_294] {strides = array<i32>} : memref<64x128xf32, #tpu.memory_space<vmem>>, vector<1x16xf32>,
      %parallel_loop3A_296 = vector.shape_cast %parallel_loop3A_295 : vector<1x16xf32> to vector<16xf32>
      %parallel_loop3A_297 = vector.shape_cast %parallel_loop3A_292 : vector<16xf32> to vector<1x16xf32>
      tpu.vector_store %arg12[%parallel_loop3A_293, %parallel_loop3A_294], %parallel_loop3A_297 {add = true, strides = array<i32>} : memref<64x128xf32, #tpu.memory_space<vmem>>, vector<1x16xf32>,
      %parallel_loop3A_298 = arith.index_cast %parallel_loop3A_261 : i32 to index
      %parallel_loop3A_299 = arith.constant 64 : index
      %parallel_loop3A_300 = tpu.vector_load %arg11[%parallel_loop3A_298, %parallel_loop3A_299] {strides = array<i32>} : memref<64x128xf32, #tpu.memory_space<vmem>>, vector<1x16xf32>,
      %parallel_loop3A_301 = vector.shape_cast %parallel_loop3A_300 : vector<1x16xf32> to vector<16xf32>
      %parallel_loop3A_302 = arith.index_cast %parallel_loop3A_261 : i32 to index
      %parallel_loop3A_303 = arith.constant 64 : index
      %parallel_loop3A_304 = tpu.vector_load %arg12[%parallel_loop3A_302, %parallel_loop3A_303] {strides = array<i32>} : memref<64x128xf32, #tpu.memory_space<vmem>>, vector<1x16xf32>,
      %parallel_loop3A_305 = vector.shape_cast %parallel_loop3A_304 : vector<1x16xf32> to vector<16xf32>
      %parallel_loop3A_306 = vector.shape_cast %parallel_loop3A_301 : vector<16xf32> to vector<1x16xf32>
      tpu.vector_store %arg12[%parallel_loop3A_302, %parallel_loop3A_303], %parallel_loop3A_306 {add = true, strides = array<i32>} : memref<64x128xf32, #tpu.memory_space<vmem>>, vector<1x16xf32>,
      %parallel_loop3A_307 = arith.index_cast %parallel_loop3A_261 : i32 to index
      %parallel_loop3A_308 = arith.constant 80 : index
      %parallel_loop3A_309 = tpu.vector_load %arg11[%parallel_loop3A_307, %parallel_loop3A_308] {strides = array<i32>} : memref<64x128xf32, #tpu.memory_space<vmem>>, vector<1x16xf32>,
      %parallel_loop3A_310 = vector.shape_cast %parallel_loop3A_309 : vector<1x16xf32> to vector<16xf32>
      %parallel_loop3A_311 = arith.index_cast %parallel_loop3A_261 : i32 to index
      %parallel_loop3A_312 = arith.constant 80 : index
      %parallel_loop3A_313 = tpu.vector_load %arg12[%parallel_loop3A_311, %parallel_loop3A_312] {strides = array<i32>} : memref<64x128xf32, #tpu.memory_space<vmem>>, vector<1x16xf32>,
      %parallel_loop3A_314 = vector.shape_cast %parallel_loop3A_313 : vector<1x16xf32> to vector<16xf32>
      %parallel_loop3A_315 = vector.shape_cast %parallel_loop3A_310 : vector<16xf32> to vector<1x16xf32>
      tpu.vector_store %arg12[%parallel_loop3A_311, %parallel_loop3A_312], %parallel_loop3A_315 {add = true, strides = array<i32>} : memref<64x128xf32, #tpu.memory_space<vmem>>, vector<1x16xf32>,
      %parallel_loop3A_316 = arith.index_cast %parallel_loop3A_261 : i32 to index
      %parallel_loop3A_317 = arith.constant 96 : index
      %parallel_loop3A_318 = tpu.vector_load %arg11[%parallel_loop3A_316, %parallel_loop3A_317] {strides = array<i32>} : memref<64x128xf32, #tpu.memory_space<vmem>>, vector<1x16xf32>,
      %parallel_loop3A_319 = vector.shape_cast %parallel_loop3A_318 : vector<1x16xf32> to vector<16xf32>
      %parallel_loop3A_320 = arith.index_cast %parallel_loop3A_261 : i32 to index
      %parallel_loop3A_321 = arith.constant 96 : index
      %parallel_loop3A_322 = tpu.vector_load %arg12[%parallel_loop3A_320, %parallel_loop3A_321] {strides = array<i32>} : memref<64x128xf32, #tpu.memory_space<vmem>>, vector<1x16xf32>,
      %parallel_loop3A_323 = vector.shape_cast %parallel_loop3A_322 : vector<1x16xf32> to vector<16xf32>
      %parallel_loop3A_324 = vector.shape_cast %parallel_loop3A_319 : vector<16xf32> to vector<1x16xf32>
      tpu.vector_store %arg12[%parallel_loop3A_320, %parallel_loop3A_321], %parallel_loop3A_324 {add = true, strides = array<i32>} : memref<64x128xf32, #tpu.memory_space<vmem>>, vector<1x16xf32>,
      %parallel_loop3A_325 = arith.index_cast %parallel_loop3A_261 : i32 to index
      %parallel_loop3A_326 = arith.constant 112 : index
      %parallel_loop3A_327 = tpu.vector_load %arg11[%parallel_loop3A_325, %parallel_loop3A_326] {strides = array<i32>} : memref<64x128xf32, #tpu.memory_space<vmem>>, vector<1x16xf32>,
      %parallel_loop3A_328 = vector.shape_cast %parallel_loop3A_327 : vector<1x16xf32> to vector<16xf32>
      %parallel_loop3A_329 = arith.index_cast %parallel_loop3A_261 : i32 to index
      %parallel_loop3A_330 = arith.constant 112 : index
      %parallel_loop3A_331 = tpu.vector_load %arg12[%parallel_loop3A_329, %parallel_loop3A_330] {strides = array<i32>} : memref<64x128xf32, #tpu.memory_space<vmem>>, vector<1x16xf32>,
      %parallel_loop3A_332 = vector.shape_cast %parallel_loop3A_331 : vector<1x16xf32> to vector<16xf32>
      %parallel_loop3A_333 = vector.shape_cast %parallel_loop3A_328 : vector<16xf32> to vector<1x16xf32>
      tpu.vector_store %arg12[%parallel_loop3A_329, %parallel_loop3A_330], %parallel_loop3A_333 {add = true, strides = array<i32>} : memref<64x128xf32, #tpu.memory_space<vmem>>, vector<1x16xf32>,
    } {sc.loop_unroll_factor = 8 : i64, sc.parallel_access}
    %mul3A_110 = arith.constant 256 : i32
    %mul3A_111 = arith.muli %add3A, %mul3A_110 : i32
    %add3A_112 = arith.constant 0 : i32
    %add3A_113 = arith.addi %mul3A_111, %add3A_112 : i32
    %mul3A_114 = arith.constant 64 : i32
    %mul3A_115 = arith.muli %add3A_113, %mul3A_114 : i32
    %dma_start3A_116 = arith.constant 0 : i32
    %dma_start3A_117 = tpu.memref_slice %arg7[%mul3A_115, %dma_start3A_116] : memref<524288x128xf32, #tpu.memory_space<hbm>> -> memref<64x128xf32, #tpu.memory_space<hbm>>
    %dma_start3A_118 = arith.constant 0 : i32
    %dma_start3A_119 = tpu.memref_slice %arg7[%mul3A_115, %dma_start3A_118] : memref<524288x128xf32, #tpu.memory_space<hbm>> -> memref<64x128xf32, #tpu.memory_space<hbm>>
    tpu.enqueue_dma source(%arg12 : memref<64x128xf32, #tpu.memory_space<vmem>>) target(%dma_start3A_119 : memref<64x128xf32, #tpu.memory_space<hbm>>) target_semaphore(%arg19 : memref<!tpu.dma_semaphore, #tpu.memory_space<semaphore_mem>>)
    %dma_start3A_120 = arith.constant 3 : i32
    %dma_start3A_121 = arith.constant 0 : i32
    %dma_start3A_122 = tpu.memref_slice %arg9[%dma_start3A_120, %dma_start3A_121] : memref<256x64xi32, #tpu.memory_space<vmem>> -> memref<1x64xi32, #tpu.memory_space<vmem>>
    %dma_start3A_123 = tpu.memref_squeeze %dma_start3A_122 : memref<1x64xi32, #tpu.memory_space<vmem>> -> memref<64xi32, #tpu.memory_space<vmem>>
    %dma_start3A_124 = arith.constant 0 : i32
    %dma_start3A_125 = arith.constant 0 : i32
    %dma_start3A_126 = tpu.memref_slice %arg2[%dma_start3A_124, %dma_start3A_125] : memref<100000x128xf32, #tpu.memory_space<hbm>> -> memref<100000x128xf32, #tpu.memory_space<hbm>>
    tpu.enqueue_indirect_dma source(%dma_start3A_126 : memref<100000x128xf32, #tpu.memory_space<hbm>>) target(%arg11 : memref<64x128xf32, #tpu.memory_space<vmem>>) offsets(%dma_start3A_123 : memref<64xi32, #tpu.memory_space<vmem>>) semaphore(%arg17 : memref<!tpu.dma_semaphore, #tpu.memory_space<semaphore_mem>>)
    %scan3A_127 = arith.constant 0 : i32
    %scan3A_128 = arith.constant 0 : i32
    %scan3A_129 = arith.constant 84 : i32
    %scan3A_130 = arith.addi %scan3A_128, %scan3A_129 : i32
    %scan3A_131 = arith.constant 1 : i32
    scf.for %scan3A_261 = %scan3A_128 to %scan3A_130 step %scan3A_131  : i32 {
      %mul3A_262 = arith.constant 3 : i32
      %mul3A_263 = arith.muli %mul3A_262, %scan3A_261 : i32
      %add3A_264 = arith.constant 1 : i32
      %add3A_265 = arith.addi %mul3A_263, %add3A_264 : i32
      %add3A_266 = arith.constant 0 : i32
      %add3A_267 = arith.addi %add3A_265, %add3A_266 : i32
      %dma_wait3A_268 = arith.constant 0 : i32
      %dma_wait3A_269 = tpu.memref_slice %arg9[%add3A_267, %dma_wait3A_268] : memref<256x64xi32, #tpu.memory_space<vmem>> -> memref<1x64xi32, #tpu.memory_space<vmem>>
      %dma_wait3A_270 = tpu.memref_squeeze %dma_wait3A_269 : memref<1x64xi32, #tpu.memory_space<vmem>> -> memref<64xi32, #tpu.memory_space<vmem>>
      %dma_wait3A_271 = arith.constant 0 : i32
      %dma_wait3A_272 = arith.constant 0 : i32
      %dma_wait3A_273 = tpu.memref_slice %arg2[%dma_wait3A_271, %dma_wait3A_272] : memref<100000x128xf32, #tpu.memory_space<hbm>> -> memref<100000x128xf32, #tpu.memory_space<hbm>>
      tpu.wait_indirect_dma semaphore(%arg20 : memref<!tpu.dma_semaphore, #tpu.memory_space<semaphore_mem>>) src(%dma_wait3A_273 : memref<100000x128xf32, #tpu.memory_space<hbm>>) dst(%arg13 : memref<64x128xf32, #tpu.memory_space<vmem>>)
      %dma_wait3A_274 = arith.constant 0 : i32
      %dma_wait3A_275 = tpu.memref_slice %arg10[%add3A_267, %dma_wait3A_274] : memref<256x64xi32, #tpu.memory_space<vmem>> -> memref<1x64xi32, #tpu.memory_space<vmem>>
      %dma_wait3A_276 = tpu.memref_squeeze %dma_wait3A_275 : memref<1x64xi32, #tpu.memory_space<vmem>> -> memref<64xi32, #tpu.memory_space<vmem>>
      %dma_wait3A_277 = arith.constant 0 : i32
      %dma_wait3A_278 = arith.constant 0 : i32
      %dma_wait3A_279 = tpu.memref_slice %arg8[%dma_wait3A_277, %dma_wait3A_278] : memref<1024x128xf32, #tpu.memory_space<vmem_shared>> -> memref<1024x128xf32, #tpu.memory_space<vmem_shared>>
      tpu.wait_indirect_dma semaphore(%arg21 : memref<!tpu.dma_semaphore, #tpu.memory_space<semaphore_mem>>) src(%dma_wait3A_279 : memref<1024x128xf32, #tpu.memory_space<vmem_shared>>) dst(%arg14 : memref<64x128xf32, #tpu.memory_space<vmem>>)
      %parallel_loop3A_280 = arith.constant 0 : i32
      %parallel_loop3A_281 = arith.constant 64 : i32
      %parallel_loop3A_282 = arith.constant 1 : i32
      scf.for %parallel_loop3A_439 = %parallel_loop3A_280 to %parallel_loop3A_281 step %parallel_loop3A_282  : i32 {
        %parallel_loop3A_440 = arith.index_cast %parallel_loop3A_439 : i32 to index
        %parallel_loop3A_441 = arith.constant 0 : index
        %parallel_loop3A_442 = tpu.vector_load %arg13[%parallel_loop3A_440, %parallel_loop3A_441] {strides = array<i32>} : memref<64x128xf32, #tpu.memory_space<vmem>>, vector<1x16xf32>,
        %parallel_loop3A_443 = vector.shape_cast %parallel_loop3A_442 : vector<1x16xf32> to vector<16xf32>
        %parallel_loop3A_444 = arith.index_cast %parallel_loop3A_439 : i32 to index
        %parallel_loop3A_445 = arith.constant 0 : index
        %parallel_loop3A_446 = tpu.vector_load %arg14[%parallel_loop3A_444, %parallel_loop3A_445] {strides = array<i32>} : memref<64x128xf32, #tpu.memory_space<vmem>>, vector<1x16xf32>,
        %parallel_loop3A_447 = vector.shape_cast %parallel_loop3A_446 : vector<1x16xf32> to vector<16xf32>
        %parallel_loop3A_448 = vector.shape_cast %parallel_loop3A_443 : vector<16xf32> to vector<1x16xf32>
        tpu.vector_store %arg14[%parallel_loop3A_444, %parallel_loop3A_445], %parallel_loop3A_448 {add = true, strides = array<i32>} : memref<64x128xf32, #tpu.memory_space<vmem>>, vector<1x16xf32>,
        %parallel_loop3A_449 = arith.index_cast %parallel_loop3A_439 : i32 to index
        %parallel_loop3A_450 = arith.constant 16 : index
        %parallel_loop3A_451 = tpu.vector_load %arg13[%parallel_loop3A_449, %parallel_loop3A_450] {strides = array<i32>} : memref<64x128xf32, #tpu.memory_space<vmem>>, vector<1x16xf32>,
        %parallel_loop3A_452 = vector.shape_cast %parallel_loop3A_451 : vector<1x16xf32> to vector<16xf32>
        %parallel_loop3A_453 = arith.index_cast %parallel_loop3A_439 : i32 to index
        %parallel_loop3A_454 = arith.constant 16 : index
        %parallel_loop3A_455 = tpu.vector_load %arg14[%parallel_loop3A_453, %parallel_loop3A_454] {strides = array<i32>} : memref<64x128xf32, #tpu.memory_space<vmem>>, vector<1x16xf32>,
        %parallel_loop3A_456 = vector.shape_cast %parallel_loop3A_455 : vector<1x16xf32> to vector<16xf32>
        %parallel_loop3A_457 = vector.shape_cast %parallel_loop3A_452 : vector<16xf32> to vector<1x16xf32>
        tpu.vector_store %arg14[%parallel_loop3A_453, %parallel_loop3A_454], %parallel_loop3A_457 {add = true, strides = array<i32>} : memref<64x128xf32, #tpu.memory_space<vmem>>, vector<1x16xf32>,
        %parallel_loop3A_458 = arith.index_cast %parallel_loop3A_439 : i32 to index
        %parallel_loop3A_459 = arith.constant 32 : index
        %parallel_loop3A_460 = tpu.vector_load %arg13[%parallel_loop3A_458, %parallel_loop3A_459] {strides = array<i32>} : memref<64x128xf32, #tpu.memory_space<vmem>>, vector<1x16xf32>,
        %parallel_loop3A_461 = vector.shape_cast %parallel_loop3A_460 : vector<1x16xf32> to vector<16xf32>
        %parallel_loop3A_462 = arith.index_cast %parallel_loop3A_439 : i32 to index
        %parallel_loop3A_463 = arith.constant 32 : index
        %parallel_loop3A_464 = tpu.vector_load %arg14[%parallel_loop3A_462, %parallel_loop3A_463] {strides = array<i32>} : memref<64x128xf32, #tpu.memory_space<vmem>>, vector<1x16xf32>,
        %parallel_loop3A_465 = vector.shape_cast %parallel_loop3A_464 : vector<1x16xf32> to vector<16xf32>
        %parallel_loop3A_466 = vector.shape_cast %parallel_loop3A_461 : vector<16xf32> to vector<1x16xf32>
        tpu.vector_store %arg14[%parallel_loop3A_462, %parallel_loop3A_463], %parallel_loop3A_466 {add = true, strides = array<i32>} : memref<64x128xf32, #tpu.memory_space<vmem>>, vector<1x16xf32>,
        %parallel_loop3A_467 = arith.index_cast %parallel_loop3A_439 : i32 to index
        %parallel_loop3A_468 = arith.constant 48 : index
        %parallel_loop3A_469 = tpu.vector_load %arg13[%parallel_loop3A_467, %parallel_loop3A_468] {strides = array<i32>} : memref<64x128xf32, #tpu.memory_space<vmem>>, vector<1x16xf32>,
        %parallel_loop3A_470 = vector.shape_cast %parallel_loop3A_469 : vector<1x16xf32> to vector<16xf32>
        %parallel_loop3A_471 = arith.index_cast %parallel_loop3A_439 : i32 to index
        %parallel_loop3A_472 = arith.constant 48 : index
        %parallel_loop3A_473 = tpu.vector_load %arg14[%parallel_loop3A_471, %parallel_loop3A_472] {strides = array<i32>} : memref<64x128xf32, #tpu.memory_space<vmem>>, vector<1x16xf32>,
        %parallel_loop3A_474 = vector.shape_cast %parallel_loop3A_473 : vector<1x16xf32> to vector<16xf32>
        %parallel_loop3A_475 = vector.shape_cast %parallel_loop3A_470 : vector<16xf32> to vector<1x16xf32>
        tpu.vector_store %arg14[%parallel_loop3A_471, %parallel_loop3A_472], %parallel_loop3A_475 {add = true, strides = array<i32>} : memref<64x128xf32, #tpu.memory_space<vmem>>, vector<1x16xf32>,
        %parallel_loop3A_476 = arith.index_cast %parallel_loop3A_439 : i32 to index
        %parallel_loop3A_477 = arith.constant 64 : index
        %parallel_loop3A_478 = tpu.vector_load %arg13[%parallel_loop3A_476, %parallel_loop3A_477] {strides = array<i32>} : memref<64x128xf32, #tpu.memory_space<vmem>>, vector<1x16xf32>,
        %parallel_loop3A_479 = vector.shape_cast %parallel_loop3A_478 : vector<1x16xf32> to vector<16xf32>
        %parallel_loop3A_480 = arith.index_cast %parallel_loop3A_439 : i32 to index
        %parallel_loop3A_481 = arith.constant 64 : index
        %parallel_loop3A_482 = tpu.vector_load %arg14[%parallel_loop3A_480, %parallel_loop3A_481] {strides = array<i32>} : memref<64x128xf32, #tpu.memory_space<vmem>>, vector<1x16xf32>,
        %parallel_loop3A_483 = vector.shape_cast %parallel_loop3A_482 : vector<1x16xf32> to vector<16xf32>
        %parallel_loop3A_484 = vector.shape_cast %parallel_loop3A_479 : vector<16xf32> to vector<1x16xf32>
        tpu.vector_store %arg14[%parallel_loop3A_480, %parallel_loop3A_481], %parallel_loop3A_484 {add = true, strides = array<i32>} : memref<64x128xf32, #tpu.memory_space<vmem>>, vector<1x16xf32>,
        %parallel_loop3A_485 = arith.index_cast %parallel_loop3A_439 : i32 to index
        %parallel_loop3A_486 = arith.constant 80 : index
        %parallel_loop3A_487 = tpu.vector_load %arg13[%parallel_loop3A_485, %parallel_loop3A_486] {strides = array<i32>} : memref<64x128xf32, #tpu.memory_space<vmem>>, vector<1x16xf32>,
        %parallel_loop3A_488 = vector.shape_cast %parallel_loop3A_487 : vector<1x16xf32> to vector<16xf32>
        %parallel_loop3A_489 = arith.index_cast %parallel_loop3A_439 : i32 to index
        %parallel_loop3A_490 = arith.constant 80 : index
        %parallel_loop3A_491 = tpu.vector_load %arg14[%parallel_loop3A_489, %parallel_loop3A_490] {strides = array<i32>} : memref<64x128xf32, #tpu.memory_space<vmem>>, vector<1x16xf32>,
        %parallel_loop3A_492 = vector.shape_cast %parallel_loop3A_491 : vector<1x16xf32> to vector<16xf32>
        %parallel_loop3A_493 = vector.shape_cast %parallel_loop3A_488 : vector<16xf32> to vector<1x16xf32>
        tpu.vector_store %arg14[%parallel_loop3A_489, %parallel_loop3A_490], %parallel_loop3A_493 {add = true, strides = array<i32>} : memref<64x128xf32, #tpu.memory_space<vmem>>, vector<1x16xf32>,
        %parallel_loop3A_494 = arith.index_cast %parallel_loop3A_439 : i32 to index
        %parallel_loop3A_495 = arith.constant 96 : index
        %parallel_loop3A_496 = tpu.vector_load %arg13[%parallel_loop3A_494, %parallel_loop3A_495] {strides = array<i32>} : memref<64x128xf32, #tpu.memory_space<vmem>>, vector<1x16xf32>,
        %parallel_loop3A_497 = vector.shape_cast %parallel_loop3A_496 : vector<1x16xf32> to vector<16xf32>
        %parallel_loop3A_498 = arith.index_cast %parallel_loop3A_439 : i32 to index
        %parallel_loop3A_499 = arith.constant 96 : index
        %parallel_loop3A_500 = tpu.vector_load %arg14[%parallel_loop3A_498, %parallel_loop3A_499] {strides = array<i32>} : memref<64x128xf32, #tpu.memory_space<vmem>>, vector<1x16xf32>,
        %parallel_loop3A_501 = vector.shape_cast %parallel_loop3A_500 : vector<1x16xf32> to vector<16xf32>
        %parallel_loop3A_502 = vector.shape_cast %parallel_loop3A_497 : vector<16xf32> to vector<1x16xf32>
        tpu.vector_store %arg14[%parallel_loop3A_498, %parallel_loop3A_499], %parallel_loop3A_502 {add = true, strides = array<i32>} : memref<64x128xf32, #tpu.memory_space<vmem>>, vector<1x16xf32>,
        %parallel_loop3A_503 = arith.index_cast %parallel_loop3A_439 : i32 to index
        %parallel_loop3A_504 = arith.constant 112 : index
        %parallel_loop3A_505 = tpu.vector_load %arg13[%parallel_loop3A_503, %parallel_loop3A_504] {strides = array<i32>} : memref<64x128xf32, #tpu.memory_space<vmem>>, vector<1x16xf32>,
        %parallel_loop3A_506 = vector.shape_cast %parallel_loop3A_505 : vector<1x16xf32> to vector<16xf32>
        %parallel_loop3A_507 = arith.index_cast %parallel_loop3A_439 : i32 to index
        %parallel_loop3A_508 = arith.constant 112 : index
        %parallel_loop3A_509 = tpu.vector_load %arg14[%parallel_loop3A_507, %parallel_loop3A_508] {strides = array<i32>} : memref<64x128xf32, #tpu.memory_space<vmem>>, vector<1x16xf32>,
        %parallel_loop3A_510 = vector.shape_cast %parallel_loop3A_509 : vector<1x16xf32> to vector<16xf32>
        %parallel_loop3A_511 = vector.shape_cast %parallel_loop3A_506 : vector<16xf32> to vector<1x16xf32>
        tpu.vector_store %arg14[%parallel_loop3A_507, %parallel_loop3A_508], %parallel_loop3A_511 {add = true, strides = array<i32>} : memref<64x128xf32, #tpu.memory_space<vmem>>, vector<1x16xf32>,
      } {sc.loop_unroll_factor = 8 : i64, sc.parallel_access}
      %mul3A_283 = arith.constant 256 : i32
      %mul3A_284 = arith.muli %add3A, %mul3A_283 : i32
      %add3A_285 = arith.addi %mul3A_284, %add3A_267 : i32
      %mul3A_286 = arith.constant 64 : i32
      %mul3A_287 = arith.muli %add3A_285, %mul3A_286 : i32
      %dma_start3A_288 = arith.constant 0 : i32
      %dma_start3A_289 = tpu.memref_slice %arg7[%mul3A_287, %dma_start3A_288] : memref<524288x128xf32, #tpu.memory_space<hbm>> -> memref<64x128xf32, #tpu.memory_space<hbm>>
      %dma_start3A_290 = arith.constant 0 : i32
      %dma_start3A_291 = tpu.memref_slice %arg7[%mul3A_287, %dma_start3A_290] : memref<524288x128xf32, #tpu.memory_space<hbm>> -> memref<64x128xf32, #tpu.memory_space<hbm>>
      tpu.enqueue_dma source(%arg14 : memref<64x128xf32, #tpu.memory_space<vmem>>) target(%dma_start3A_291 : memref<64x128xf32, #tpu.memory_space<hbm>>) target_semaphore(%arg22 : memref<!tpu.dma_semaphore, #tpu.memory_space<semaphore_mem>>)
      %add3A_292 = arith.constant 3 : i32
      %add3A_293 = arith.addi %add3A_267, %add3A_292 : i32
      %dma_start3A_294 = arith.constant 0 : i32
      %dma_start3A_295 = tpu.memref_slice %arg9[%add3A_293, %dma_start3A_294] : memref<256x64xi32, #tpu.memory_space<vmem>> -> memref<1x64xi32, #tpu.memory_space<vmem>>
      %dma_start3A_296 = tpu.memref_squeeze %dma_start3A_295 : memref<1x64xi32, #tpu.memory_space<vmem>> -> memref<64xi32, #tpu.memory_space<vmem>>
      %dma_start3A_297 = arith.constant 0 : i32
      %dma_start3A_298 = arith.constant 0 : i32
      %dma_start3A_299 = tpu.memref_slice %arg2[%dma_start3A_297, %dma_start3A_298] : memref<100000x128xf32, #tpu.memory_space<hbm>> -> memref<100000x128xf32, #tpu.memory_space<hbm>>
      tpu.enqueue_indirect_dma source(%dma_start3A_299 : memref<100000x128xf32, #tpu.memory_space<hbm>>) target(%arg13 : memref<64x128xf32, #tpu.memory_space<vmem>>) offsets(%dma_start3A_296 : memref<64xi32, #tpu.memory_space<vmem>>) semaphore(%arg20 : memref<!tpu.dma_semaphore, #tpu.memory_space<semaphore_mem>>)
      %sub3A_300 = arith.constant 1 : i32
      %sub3A_301 = arith.subi %add3A_267, %sub3A_300 : i32
      %mul3A_302 = arith.constant 256 : i32
      %mul3A_303 = arith.muli %add3A, %mul3A_302 : i32
      %add3A_304 = arith.addi %mul3A_303, %sub3A_301 : i32
      %mul3A_305 = arith.constant 64 : i32
      %mul3A_306 = arith.muli %add3A_304, %mul3A_305 : i32
      %dma_wait3A_307 = arith.constant 0 : i32
      %dma_wait3A_308 = tpu.memref_slice %arg7[%mul3A_306, %dma_wait3A_307] : memref<524288x128xf32, #tpu.memory_space<hbm>> -> memref<64x128xf32, #tpu.memory_space<hbm>>
      %dma_wait3A_309 = arith.constant 0 : i32
      %dma_wait3A_310 = tpu.memref_slice %arg7[%mul3A_306, %dma_wait3A_309] : memref<524288x128xf32, #tpu.memory_space<hbm>> -> memref<64x128xf32, #tpu.memory_space<hbm>>
      tpu.wait_dma2 semaphore(%arg19 : memref<!tpu.dma_semaphore, #tpu.memory_space<semaphore_mem>>) src(%arg12 : memref<64x128xf32, #tpu.memory_space<vmem>>) dst(%dma_wait3A_310 : memref<64x128xf32, #tpu.memory_space<hbm>>)
      %add3A_311 = arith.constant 3 : i32
      %add3A_312 = arith.addi %add3A_267, %add3A_311 : i32
      %sub3A_313 = arith.constant 1 : i32
      %sub3A_314 = arith.subi %add3A_312, %sub3A_313 : i32
      %dma_start3A_315 = arith.constant 0 : i32
      %dma_start3A_316 = tpu.memref_slice %arg10[%sub3A_314, %dma_start3A_315] : memref<256x64xi32, #tpu.memory_space<vmem>> -> memref<1x64xi32, #tpu.memory_space<vmem>>
      %dma_start3A_317 = tpu.memref_squeeze %dma_start3A_316 : memref<1x64xi32, #tpu.memory_space<vmem>> -> memref<64xi32, #tpu.memory_space<vmem>>
      %dma_start3A_318 = arith.constant 0 : i32
      %dma_start3A_319 = arith.constant 0 : i32
      %dma_start3A_320 = tpu.memref_slice %arg8[%dma_start3A_318, %dma_start3A_319] : memref<1024x128xf32, #tpu.memory_space<vmem_shared>> -> memref<1024x128xf32, #tpu.memory_space<vmem_shared>>
      tpu.enqueue_indirect_dma source(%dma_start3A_320 : memref<1024x128xf32, #tpu.memory_space<vmem_shared>>) target(%arg12 : memref<64x128xf32, #tpu.memory_space<vmem>>) offsets(%dma_start3A_317 : memref<64xi32, #tpu.memory_space<vmem>>) semaphore(%arg18 : memref<!tpu.dma_semaphore, #tpu.memory_space<semaphore_mem>>)
      %mul3A_321 = arith.constant 3 : i32
      %mul3A_322 = arith.muli %mul3A_321, %scan3A_261 : i32
      %add3A_323 = arith.constant 1 : i32
      %add3A_324 = arith.addi %mul3A_322, %add3A_323 : i32
      %add3A_325 = arith.constant 1 : i32
      %add3A_326 = arith.addi %add3A_324, %add3A_325 : i32
      %dma_wait3A_327 = arith.constant 0 : i32
      %dma_wait3A_328 = tpu.memref_slice %arg9[%add3A_326, %dma_wait3A_327] : memref<256x64xi32, #tpu.memory_space<vmem>> -> memref<1x64xi32, #tpu.memory_space<vmem>>
      %dma_wait3A_329 = tpu.memref_squeeze %dma_wait3A_328 : memref<1x64xi32, #tpu.memory_space<vmem>> -> memref<64xi32, #tpu.memory_space<vmem>>
      %dma_wait3A_330 = arith.constant 0 : i32
      %dma_wait3A_331 = arith.constant 0 : i32
      %dma_wait3A_332 = tpu.memref_slice %arg2[%dma_wait3A_330, %dma_wait3A_331] : memref<100000x128xf32, #tpu.memory_space<hbm>> -> memref<100000x128xf32, #tpu.memory_space<hbm>>
      tpu.wait_indirect_dma semaphore(%arg23 : memref<!tpu.dma_semaphore, #tpu.memory_space<semaphore_mem>>) src(%dma_wait3A_332 : memref<100000x128xf32, #tpu.memory_space<hbm>>) dst(%arg15 : memref<64x128xf32, #tpu.memory_space<vmem>>)
      %dma_wait3A_333 = arith.constant 0 : i32
      %dma_wait3A_334 = tpu.memref_slice %arg10[%add3A_326, %dma_wait3A_333] : memref<256x64xi32, #tpu.memory_space<vmem>> -> memref<1x64xi32, #tpu.memory_space<vmem>>
      %dma_wait3A_335 = tpu.memref_squeeze %dma_wait3A_334 : memref<1x64xi32, #tpu.memory_space<vmem>> -> memref<64xi32, #tpu.memory_space<vmem>>
      %dma_wait3A_336 = arith.constant 0 : i32
      %dma_wait3A_337 = arith.constant 0 : i32
      %dma_wait3A_338 = tpu.memref_slice %arg8[%dma_wait3A_336, %dma_wait3A_337] : memref<1024x128xf32, #tpu.memory_space<vmem_shared>> -> memref<1024x128xf32, #tpu.memory_space<vmem_shared>>
      tpu.wait_indirect_dma semaphore(%arg24 : memref<!tpu.dma_semaphore, #tpu.memory_space<semaphore_mem>>) src(%dma_wait3A_338 : memref<1024x128xf32, #tpu.memory_space<vmem_shared>>) dst(%arg16 : memref<64x128xf32, #tpu.memory_space<vmem>>)
      %parallel_loop3A_339 = arith.constant 0 : i32
      %parallel_loop3A_340 = arith.constant 64 : i32
      %parallel_loop3A_341 = arith.constant 1 : i32
      scf.for %parallel_loop3A_439 = %parallel_loop3A_339 to %parallel_loop3A_340 step %parallel_loop3A_341  : i32 {
        %parallel_loop3A_440 = arith.index_cast %parallel_loop3A_439 : i32 to index
        %parallel_loop3A_441 = arith.constant 0 : index
        %parallel_loop3A_442 = tpu.vector_load %arg15[%parallel_loop3A_440, %parallel_loop3A_441] {strides = array<i32>} : memref<64x128xf32, #tpu.memory_space<vmem>>, vector<1x16xf32>,
        %parallel_loop3A_443 = vector.shape_cast %parallel_loop3A_442 : vector<1x16xf32> to vector<16xf32>
        %parallel_loop3A_444 = arith.index_cast %parallel_loop3A_439 : i32 to index
        %parallel_loop3A_445 = arith.constant 0 : index
        %parallel_loop3A_446 = tpu.vector_load %arg16[%parallel_loop3A_444, %parallel_loop3A_445] {strides = array<i32>} : memref<64x128xf32, #tpu.memory_space<vmem>>, vector<1x16xf32>,
        %parallel_loop3A_447 = vector.shape_cast %parallel_loop3A_446 : vector<1x16xf32> to vector<16xf32>
        %parallel_loop3A_448 = vector.shape_cast %parallel_loop3A_443 : vector<16xf32> to vector<1x16xf32>
        tpu.vector_store %arg16[%parallel_loop3A_444, %parallel_loop3A_445], %parallel_loop3A_448 {add = true, strides = array<i32>} : memref<64x128xf32, #tpu.memory_space<vmem>>, vector<1x16xf32>,
        %parallel_loop3A_449 = arith.index_cast %parallel_loop3A_439 : i32 to index
        %parallel_loop3A_450 = arith.constant 16 : index
        %parallel_loop3A_451 = tpu.vector_load %arg15[%parallel_loop3A_449, %parallel_loop3A_450] {strides = array<i32>} : memref<64x128xf32, #tpu.memory_space<vmem>>, vector<1x16xf32>,
        %parallel_loop3A_452 = vector.shape_cast %parallel_loop3A_451 : vector<1x16xf32> to vector<16xf32>
        %parallel_loop3A_453 = arith.index_cast %parallel_loop3A_439 : i32 to index
        %parallel_loop3A_454 = arith.constant 16 : index
        %parallel_loop3A_455 = tpu.vector_load %arg16[%parallel_loop3A_453, %parallel_loop3A_454] {strides = array<i32>} : memref<64x128xf32, #tpu.memory_space<vmem>>, vector<1x16xf32>,
        %parallel_loop3A_456 = vector.shape_cast %parallel_loop3A_455 : vector<1x16xf32> to vector<16xf32>
        %parallel_loop3A_457 = vector.shape_cast %parallel_loop3A_452 : vector<16xf32> to vector<1x16xf32>
        tpu.vector_store %arg16[%parallel_loop3A_453, %parallel_loop3A_454], %parallel_loop3A_457 {add = true, strides = array<i32>} : memref<64x128xf32, #tpu.memory_space<vmem>>, vector<1x16xf32>,
        %parallel_loop3A_458 = arith.index_cast %parallel_loop3A_439 : i32 to index
        %parallel_loop3A_459 = arith.constant 32 : index
        %parallel_loop3A_460 = tpu.vector_load %arg15[%parallel_loop3A_458, %parallel_loop3A_459] {strides = array<i32>} : memref<64x128xf32, #tpu.memory_space<vmem>>, vector<1x16xf32>,
        %parallel_loop3A_461 = vector.shape_cast %parallel_loop3A_460 : vector<1x16xf32> to vector<16xf32>
        %parallel_loop3A_462 = arith.index_cast %parallel_loop3A_439 : i32 to index
        %parallel_loop3A_463 = arith.constant 32 : index
        %parallel_loop3A_464 = tpu.vector_load %arg16[%parallel_loop3A_462, %parallel_loop3A_463] {strides = array<i32>} : memref<64x128xf32, #tpu.memory_space<vmem>>, vector<1x16xf32>,
        %parallel_loop3A_465 = vector.shape_cast %parallel_loop3A_464 : vector<1x16xf32> to vector<16xf32>
        %parallel_loop3A_466 = vector.shape_cast %parallel_loop3A_461 : vector<16xf32> to vector<1x16xf32>
        tpu.vector_store %arg16[%parallel_loop3A_462, %parallel_loop3A_463], %parallel_loop3A_466 {add = true, strides = array<i32>} : memref<64x128xf32, #tpu.memory_space<vmem>>, vector<1x16xf32>,
        %parallel_loop3A_467 = arith.index_cast %parallel_loop3A_439 : i32 to index
        %parallel_loop3A_468 = arith.constant 48 : index
        %parallel_loop3A_469 = tpu.vector_load %arg15[%parallel_loop3A_467, %parallel_loop3A_468] {strides = array<i32>} : memref<64x128xf32, #tpu.memory_space<vmem>>, vector<1x16xf32>,
        %parallel_loop3A_470 = vector.shape_cast %parallel_loop3A_469 : vector<1x16xf32> to vector<16xf32>
        %parallel_loop3A_471 = arith.index_cast %parallel_loop3A_439 : i32 to index
        %parallel_loop3A_472 = arith.constant 48 : index
        %parallel_loop3A_473 = tpu.vector_load %arg16[%parallel_loop3A_471, %parallel_loop3A_472] {strides = array<i32>} : memref<64x128xf32, #tpu.memory_space<vmem>>, vector<1x16xf32>,
        %parallel_loop3A_474 = vector.shape_cast %parallel_loop3A_473 : vector<1x16xf32> to vector<16xf32>
        %parallel_loop3A_475 = vector.shape_cast %parallel_loop3A_470 : vector<16xf32> to vector<1x16xf32>
        tpu.vector_store %arg16[%parallel_loop3A_471, %parallel_loop3A_472], %parallel_loop3A_475 {add = true, strides = array<i32>} : memref<64x128xf32, #tpu.memory_space<vmem>>, vector<1x16xf32>,
        %parallel_loop3A_476 = arith.index_cast %parallel_loop3A_439 : i32 to index
        %parallel_loop3A_477 = arith.constant 64 : index
        %parallel_loop3A_478 = tpu.vector_load %arg15[%parallel_loop3A_476, %parallel_loop3A_477] {strides = array<i32>} : memref<64x128xf32, #tpu.memory_space<vmem>>, vector<1x16xf32>,
        %parallel_loop3A_479 = vector.shape_cast %parallel_loop3A_478 : vector<1x16xf32> to vector<16xf32>
        %parallel_loop3A_480 = arith.index_cast %parallel_loop3A_439 : i32 to index
        %parallel_loop3A_481 = arith.constant 64 : index
        %parallel_loop3A_482 = tpu.vector_load %arg16[%parallel_loop3A_480, %parallel_loop3A_481] {strides = array<i32>} : memref<64x128xf32, #tpu.memory_space<vmem>>, vector<1x16xf32>,
        %parallel_loop3A_483 = vector.shape_cast %parallel_loop3A_482 : vector<1x16xf32> to vector<16xf32>
        %parallel_loop3A_484 = vector.shape_cast %parallel_loop3A_479 : vector<16xf32> to vector<1x16xf32>
        tpu.vector_store %arg16[%parallel_loop3A_480, %parallel_loop3A_481], %parallel_loop3A_484 {add = true, strides = array<i32>} : memref<64x128xf32, #tpu.memory_space<vmem>>, vector<1x16xf32>,
        %parallel_loop3A_485 = arith.index_cast %parallel_loop3A_439 : i32 to index
        %parallel_loop3A_486 = arith.constant 80 : index
        %parallel_loop3A_487 = tpu.vector_load %arg15[%parallel_loop3A_485, %parallel_loop3A_486] {strides = array<i32>} : memref<64x128xf32, #tpu.memory_space<vmem>>, vector<1x16xf32>,
        %parallel_loop3A_488 = vector.shape_cast %parallel_loop3A_487 : vector<1x16xf32> to vector<16xf32>
        %parallel_loop3A_489 = arith.index_cast %parallel_loop3A_439 : i32 to index
        %parallel_loop3A_490 = arith.constant 80 : index
        %parallel_loop3A_491 = tpu.vector_load %arg16[%parallel_loop3A_489, %parallel_loop3A_490] {strides = array<i32>} : memref<64x128xf32, #tpu.memory_space<vmem>>, vector<1x16xf32>,
        %parallel_loop3A_492 = vector.shape_cast %parallel_loop3A_491 : vector<1x16xf32> to vector<16xf32>
        %parallel_loop3A_493 = vector.shape_cast %parallel_loop3A_488 : vector<16xf32> to vector<1x16xf32>
        tpu.vector_store %arg16[%parallel_loop3A_489, %parallel_loop3A_490], %parallel_loop3A_493 {add = true, strides = array<i32>} : memref<64x128xf32, #tpu.memory_space<vmem>>, vector<1x16xf32>,
        %parallel_loop3A_494 = arith.index_cast %parallel_loop3A_439 : i32 to index
        %parallel_loop3A_495 = arith.constant 96 : index
        %parallel_loop3A_496 = tpu.vector_load %arg15[%parallel_loop3A_494, %parallel_loop3A_495] {strides = array<i32>} : memref<64x128xf32, #tpu.memory_space<vmem>>, vector<1x16xf32>,
        %parallel_loop3A_497 = vector.shape_cast %parallel_loop3A_496 : vector<1x16xf32> to vector<16xf32>
        %parallel_loop3A_498 = arith.index_cast %parallel_loop3A_439 : i32 to index
        %parallel_loop3A_499 = arith.constant 96 : index
        %parallel_loop3A_500 = tpu.vector_load %arg16[%parallel_loop3A_498, %parallel_loop3A_499] {strides = array<i32>} : memref<64x128xf32, #tpu.memory_space<vmem>>, vector<1x16xf32>,
        %parallel_loop3A_501 = vector.shape_cast %parallel_loop3A_500 : vector<1x16xf32> to vector<16xf32>
        %parallel_loop3A_502 = vector.shape_cast %parallel_loop3A_497 : vector<16xf32> to vector<1x16xf32>
        tpu.vector_store %arg16[%parallel_loop3A_498, %parallel_loop3A_499], %parallel_loop3A_502 {add = true, strides = array<i32>} : memref<64x128xf32, #tpu.memory_space<vmem>>, vector<1x16xf32>,
        %parallel_loop3A_503 = arith.index_cast %parallel_loop3A_439 : i32 to index
        %parallel_loop3A_504 = arith.constant 112 : index
        %parallel_loop3A_505 = tpu.vector_load %arg15[%parallel_loop3A_503, %parallel_loop3A_504] {strides = array<i32>} : memref<64x128xf32, #tpu.memory_space<vmem>>, vector<1x16xf32>,
        %parallel_loop3A_506 = vector.shape_cast %parallel_loop3A_505 : vector<1x16xf32> to vector<16xf32>
        %parallel_loop3A_507 = arith.index_cast %parallel_loop3A_439 : i32 to index
        %parallel_loop3A_508 = arith.constant 112 : index
        %parallel_loop3A_509 = tpu.vector_load %arg16[%parallel_loop3A_507, %parallel_loop3A_508] {strides = array<i32>} : memref<64x128xf32, #tpu.memory_space<vmem>>, vector<1x16xf32>,
        %parallel_loop3A_510 = vector.shape_cast %parallel_loop3A_509 : vector<1x16xf32> to vector<16xf32>
        %parallel_loop3A_511 = vector.shape_cast %parallel_loop3A_506 : vector<16xf32> to vector<1x16xf32>
        tpu.vector_store %arg16[%parallel_loop3A_507, %parallel_loop3A_508], %parallel_loop3A_511 {add = true, strides = array<i32>} : memref<64x128xf32, #tpu.memory_space<vmem>>, vector<1x16xf32>,
      } {sc.loop_unroll_factor = 8 : i64, sc.parallel_access}
      %mul3A_342 = arith.constant 256 : i32
      %mul3A_343 = arith.muli %add3A, %mul3A_342 : i32
      %add3A_344 = arith.addi %mul3A_343, %add3A_326 : i32
      %mul3A_345 = arith.constant 64 : i32
      %mul3A_346 = arith.muli %add3A_344, %mul3A_345 : i32
      %dma_start3A_347 = arith.constant 0 : i32
      %dma_start3A_348 = tpu.memref_slice %arg7[%mul3A_346, %dma_start3A_347] : memref<524288x128xf32, #tpu.memory_space<hbm>> -> memref<64x128xf32, #tpu.memory_space<hbm>>
      %dma_start3A_349 = arith.constant 0 : i32
      %dma_start3A_350 = tpu.memref_slice %arg7[%mul3A_346, %dma_start3A_349] : memref<524288x128xf32, #tpu.memory_space<hbm>> -> memref<64x128xf32, #tpu.memory_space<hbm>>
      tpu.enqueue_dma source(%arg16 : memref<64x128xf32, #tpu.memory_space<vmem>>) target(%dma_start3A_350 : memref<64x128xf32, #tpu.memory_space<hbm>>) target_semaphore(%arg25 : memref<!tpu.dma_semaphore, #tpu.memory_space<semaphore_mem>>)
      %add3A_351 = arith.constant 3 : i32
      %add3A_352 = arith.addi %add3A_326, %add3A_351 : i32
      %dma_start3A_353 = arith.constant 0 : i32
      %dma_start3A_354 = tpu.memref_slice %arg9[%add3A_352, %dma_start3A_353] : memref<256x64xi32, #tpu.memory_space<vmem>> -> memref<1x64xi32, #tpu.memory_space<vmem>>
      %dma_start3A_355 = tpu.memref_squeeze %dma_start3A_354 : memref<1x64xi32, #tpu.memory_space<vmem>> -> memref<64xi32, #tpu.memory_space<vmem>>
      %dma_start3A_356 = arith.constant 0 : i32
      %dma_start3A_357 = arith.constant 0 : i32
      %dma_start3A_358 = tpu.memref_slice %arg2[%dma_start3A_356, %dma_start3A_357] : memref<100000x128xf32, #tpu.memory_space<hbm>> -> memref<100000x128xf32, #tpu.memory_space<hbm>>
      tpu.enqueue_indirect_dma source(%dma_start3A_358 : memref<100000x128xf32, #tpu.memory_space<hbm>>) target(%arg15 : memref<64x128xf32, #tpu.memory_space<vmem>>) offsets(%dma_start3A_355 : memref<64xi32, #tpu.memory_space<vmem>>) semaphore(%arg23 : memref<!tpu.dma_semaphore, #tpu.memory_space<semaphore_mem>>)
      %sub3A_359 = arith.constant 1 : i32
      %sub3A_360 = arith.subi %add3A_326, %sub3A_359 : i32
      %mul3A_361 = arith.constant 256 : i32
      %mul3A_362 = arith.muli %add3A, %mul3A_361 : i32
      %add3A_363 = arith.addi %mul3A_362, %sub3A_360 : i32
      %mul3A_364 = arith.constant 64 : i32
      %mul3A_365 = arith.muli %add3A_363, %mul3A_364 : i32
      %dma_wait3A_366 = arith.constant 0 : i32
      %dma_wait3A_367 = tpu.memref_slice %arg7[%mul3A_365, %dma_wait3A_366] : memref<524288x128xf32, #tpu.memory_space<hbm>> -> memref<64x128xf32, #tpu.memory_space<hbm>>
      %dma_wait3A_368 = arith.constant 0 : i32
      %dma_wait3A_369 = tpu.memref_slice %arg7[%mul3A_365, %dma_wait3A_368] : memref<524288x128xf32, #tpu.memory_space<hbm>> -> memref<64x128xf32, #tpu.memory_space<hbm>>
      tpu.wait_dma2 semaphore(%arg22 : memref<!tpu.dma_semaphore, #tpu.memory_space<semaphore_mem>>) src(%arg14 : memref<64x128xf32, #tpu.memory_space<vmem>>) dst(%dma_wait3A_369 : memref<64x128xf32, #tpu.memory_space<hbm>>)
      %add3A_370 = arith.constant 3 : i32
      %add3A_371 = arith.addi %add3A_326, %add3A_370 : i32
      %sub3A_372 = arith.constant 1 : i32
      %sub3A_373 = arith.subi %add3A_371, %sub3A_372 : i32
      %dma_start3A_374 = arith.constant 0 : i32
      %dma_start3A_375 = tpu.memref_slice %arg10[%sub3A_373, %dma_start3A_374] : memref<256x64xi32, #tpu.memory_space<vmem>> -> memref<1x64xi32, #tpu.memory_space<vmem>>
      %dma_start3A_376 = tpu.memref_squeeze %dma_start3A_375 : memref<1x64xi32, #tpu.memory_space<vmem>> -> memref<64xi32, #tpu.memory_space<vmem>>
      %dma_start3A_377 = arith.constant 0 : i32
      %dma_start3A_378 = arith.constant 0 : i32
      %dma_start3A_379 = tpu.memref_slice %arg8[%dma_start3A_377, %dma_start3A_378] : memref<1024x128xf32, #tpu.memory_space<vmem_shared>> -> memref<1024x128xf32, #tpu.memory_space<vmem_shared>>
      tpu.enqueue_indirect_dma source(%dma_start3A_379 : memref<1024x128xf32, #tpu.memory_space<vmem_shared>>) target(%arg14 : memref<64x128xf32, #tpu.memory_space<vmem>>) offsets(%dma_start3A_376 : memref<64xi32, #tpu.memory_space<vmem>>) semaphore(%arg21 : memref<!tpu.dma_semaphore, #tpu.memory_space<semaphore_mem>>)
      %mul3A_380 = arith.constant 3 : i32
      %mul3A_381 = arith.muli %mul3A_380, %scan3A_261 : i32
      %add3A_382 = arith.constant 1 : i32
      %add3A_383 = arith.addi %mul3A_381, %add3A_382 : i32
      %add3A_384 = arith.constant 2 : i32
      %add3A_385 = arith.addi %add3A_383, %add3A_384 : i32
      %dma_wait3A_386 = arith.constant 0 : i32
      %dma_wait3A_387 = tpu.memref_slice %arg9[%add3A_385, %dma_wait3A_386] : memref<256x64xi32, #tpu.memory_space<vmem>> -> memref<1x64xi32, #tpu.memory_space<vmem>>
      %dma_wait3A_388 = tpu.memref_squeeze %dma_wait3A_387 : memref<1x64xi32, #tpu.memory_space<vmem>> -> memref<64xi32, #tpu.memory_space<vmem>>
      %dma_wait3A_389 = arith.constant 0 : i32
      %dma_wait3A_390 = arith.constant 0 : i32
      %dma_wait3A_391 = tpu.memref_slice %arg2[%dma_wait3A_389, %dma_wait3A_390] : memref<100000x128xf32, #tpu.memory_space<hbm>> -> memref<100000x128xf32, #tpu.memory_space<hbm>>
      tpu.wait_indirect_dma semaphore(%arg17 : memref<!tpu.dma_semaphore, #tpu.memory_space<semaphore_mem>>) src(%dma_wait3A_391 : memref<100000x128xf32, #tpu.memory_space<hbm>>) dst(%arg11 : memref<64x128xf32, #tpu.memory_space<vmem>>)
      %dma_wait3A_392 = arith.constant 0 : i32
      %dma_wait3A_393 = tpu.memref_slice %arg10[%add3A_385, %dma_wait3A_392] : memref<256x64xi32, #tpu.memory_space<vmem>> -> memref<1x64xi32, #tpu.memory_space<vmem>>
      %dma_wait3A_394 = tpu.memref_squeeze %dma_wait3A_393 : memref<1x64xi32, #tpu.memory_space<vmem>> -> memref<64xi32, #tpu.memory_space<vmem>>
      %dma_wait3A_395 = arith.constant 0 : i32
      %dma_wait3A_396 = arith.constant 0 : i32
      %dma_wait3A_397 = tpu.memref_slice %arg8[%dma_wait3A_395, %dma_wait3A_396] : memref<1024x128xf32, #tpu.memory_space<vmem_shared>> -> memref<1024x128xf32, #tpu.memory_space<vmem_shared>>
      tpu.wait_indirect_dma semaphore(%arg18 : memref<!tpu.dma_semaphore, #tpu.memory_space<semaphore_mem>>) src(%dma_wait3A_397 : memref<1024x128xf32, #tpu.memory_space<vmem_shared>>) dst(%arg12 : memref<64x128xf32, #tpu.memory_space<vmem>>)
      %parallel_loop3A_398 = arith.constant 0 : i32
      %parallel_loop3A_399 = arith.constant 64 : i32
      %parallel_loop3A_400 = arith.constant 1 : i32
      scf.for %parallel_loop3A_439 = %parallel_loop3A_398 to %parallel_loop3A_399 step %parallel_loop3A_400  : i32 {
        %parallel_loop3A_440 = arith.index_cast %parallel_loop3A_439 : i32 to index
        %parallel_loop3A_441 = arith.constant 0 : index
        %parallel_loop3A_442 = tpu.vector_load %arg11[%parallel_loop3A_440, %parallel_loop3A_441] {strides = array<i32>} : memref<64x128xf32, #tpu.memory_space<vmem>>, vector<1x16xf32>,
        %parallel_loop3A_443 = vector.shape_cast %parallel_loop3A_442 : vector<1x16xf32> to vector<16xf32>
        %parallel_loop3A_444 = arith.index_cast %parallel_loop3A_439 : i32 to index
        %parallel_loop3A_445 = arith.constant 0 : index
        %parallel_loop3A_446 = tpu.vector_load %arg12[%parallel_loop3A_444, %parallel_loop3A_445] {strides = array<i32>} : memref<64x128xf32, #tpu.memory_space<vmem>>, vector<1x16xf32>,
        %parallel_loop3A_447 = vector.shape_cast %parallel_loop3A_446 : vector<1x16xf32> to vector<16xf32>
        %parallel_loop3A_448 = vector.shape_cast %parallel_loop3A_443 : vector<16xf32> to vector<1x16xf32>
        tpu.vector_store %arg12[%parallel_loop3A_444, %parallel_loop3A_445], %parallel_loop3A_448 {add = true, strides = array<i32>} : memref<64x128xf32, #tpu.memory_space<vmem>>, vector<1x16xf32>,
        %parallel_loop3A_449 = arith.index_cast %parallel_loop3A_439 : i32 to index
        %parallel_loop3A_450 = arith.constant 16 : index
        %parallel_loop3A_451 = tpu.vector_load %arg11[%parallel_loop3A_449, %parallel_loop3A_450] {strides = array<i32>} : memref<64x128xf32, #tpu.memory_space<vmem>>, vector<1x16xf32>,
        %parallel_loop3A_452 = vector.shape_cast %parallel_loop3A_451 : vector<1x16xf32> to vector<16xf32>
        %parallel_loop3A_453 = arith.index_cast %parallel_loop3A_439 : i32 to index
        %parallel_loop3A_454 = arith.constant 16 : index
        %parallel_loop3A_455 = tpu.vector_load %arg12[%parallel_loop3A_453, %parallel_loop3A_454] {strides = array<i32>} : memref<64x128xf32, #tpu.memory_space<vmem>>, vector<1x16xf32>,
        %parallel_loop3A_456 = vector.shape_cast %parallel_loop3A_455 : vector<1x16xf32> to vector<16xf32>
        %parallel_loop3A_457 = vector.shape_cast %parallel_loop3A_452 : vector<16xf32> to vector<1x16xf32>
        tpu.vector_store %arg12[%parallel_loop3A_453, %parallel_loop3A_454], %parallel_loop3A_457 {add = true, strides = array<i32>} : memref<64x128xf32, #tpu.memory_space<vmem>>, vector<1x16xf32>,
        %parallel_loop3A_458 = arith.index_cast %parallel_loop3A_439 : i32 to index
        %parallel_loop3A_459 = arith.constant 32 : index
        %parallel_loop3A_460 = tpu.vector_load %arg11[%parallel_loop3A_458, %parallel_loop3A_459] {strides = array<i32>} : memref<64x128xf32, #tpu.memory_space<vmem>>, vector<1x16xf32>,
        %parallel_loop3A_461 = vector.shape_cast %parallel_loop3A_460 : vector<1x16xf32> to vector<16xf32>
        %parallel_loop3A_462 = arith.index_cast %parallel_loop3A_439 : i32 to index
        %parallel_loop3A_463 = arith.constant 32 : index
        %parallel_loop3A_464 = tpu.vector_load %arg12[%parallel_loop3A_462, %parallel_loop3A_463] {strides = array<i32>} : memref<64x128xf32, #tpu.memory_space<vmem>>, vector<1x16xf32>,
        %parallel_loop3A_465 = vector.shape_cast %parallel_loop3A_464 : vector<1x16xf32> to vector<16xf32>
        %parallel_loop3A_466 = vector.shape_cast %parallel_loop3A_461 : vector<16xf32> to vector<1x16xf32>
        tpu.vector_store %arg12[%parallel_loop3A_462, %parallel_loop3A_463], %parallel_loop3A_466 {add = true, strides = array<i32>} : memref<64x128xf32, #tpu.memory_space<vmem>>, vector<1x16xf32>,
        %parallel_loop3A_467 = arith.index_cast %parallel_loop3A_439 : i32 to index
        %parallel_loop3A_468 = arith.constant 48 : index
        %parallel_loop3A_469 = tpu.vector_load %arg11[%parallel_loop3A_467, %parallel_loop3A_468] {strides = array<i32>} : memref<64x128xf32, #tpu.memory_space<vmem>>, vector<1x16xf32>,
        %parallel_loop3A_470 = vector.shape_cast %parallel_loop3A_469 : vector<1x16xf32> to vector<16xf32>
        %parallel_loop3A_471 = arith.index_cast %parallel_loop3A_439 : i32 to index
        %parallel_loop3A_472 = arith.constant 48 : index
        %parallel_loop3A_473 = tpu.vector_load %arg12[%parallel_loop3A_471, %parallel_loop3A_472] {strides = array<i32>} : memref<64x128xf32, #tpu.memory_space<vmem>>, vector<1x16xf32>,
        %parallel_loop3A_474 = vector.shape_cast %parallel_loop3A_473 : vector<1x16xf32> to vector<16xf32>
        %parallel_loop3A_475 = vector.shape_cast %parallel_loop3A_470 : vector<16xf32> to vector<1x16xf32>
        tpu.vector_store %arg12[%parallel_loop3A_471, %parallel_loop3A_472], %parallel_loop3A_475 {add = true, strides = array<i32>} : memref<64x128xf32, #tpu.memory_space<vmem>>, vector<1x16xf32>,
        %parallel_loop3A_476 = arith.index_cast %parallel_loop3A_439 : i32 to index
        %parallel_loop3A_477 = arith.constant 64 : index
        %parallel_loop3A_478 = tpu.vector_load %arg11[%parallel_loop3A_476, %parallel_loop3A_477] {strides = array<i32>} : memref<64x128xf32, #tpu.memory_space<vmem>>, vector<1x16xf32>,
        %parallel_loop3A_479 = vector.shape_cast %parallel_loop3A_478 : vector<1x16xf32> to vector<16xf32>
        %parallel_loop3A_480 = arith.index_cast %parallel_loop3A_439 : i32 to index
        %parallel_loop3A_481 = arith.constant 64 : index
        %parallel_loop3A_482 = tpu.vector_load %arg12[%parallel_loop3A_480, %parallel_loop3A_481] {strides = array<i32>} : memref<64x128xf32, #tpu.memory_space<vmem>>, vector<1x16xf32>,
        %parallel_loop3A_483 = vector.shape_cast %parallel_loop3A_482 : vector<1x16xf32> to vector<16xf32>
        %parallel_loop3A_484 = vector.shape_cast %parallel_loop3A_479 : vector<16xf32> to vector<1x16xf32>
        tpu.vector_store %arg12[%parallel_loop3A_480, %parallel_loop3A_481], %parallel_loop3A_484 {add = true, strides = array<i32>} : memref<64x128xf32, #tpu.memory_space<vmem>>, vector<1x16xf32>,
        %parallel_loop3A_485 = arith.index_cast %parallel_loop3A_439 : i32 to index
        %parallel_loop3A_486 = arith.constant 80 : index
        %parallel_loop3A_487 = tpu.vector_load %arg11[%parallel_loop3A_485, %parallel_loop3A_486] {strides = array<i32>} : memref<64x128xf32, #tpu.memory_space<vmem>>, vector<1x16xf32>,
        %parallel_loop3A_488 = vector.shape_cast %parallel_loop3A_487 : vector<1x16xf32> to vector<16xf32>
        %parallel_loop3A_489 = arith.index_cast %parallel_loop3A_439 : i32 to index
        %parallel_loop3A_490 = arith.constant 80 : index
        %parallel_loop3A_491 = tpu.vector_load %arg12[%parallel_loop3A_489, %parallel_loop3A_490] {strides = array<i32>} : memref<64x128xf32, #tpu.memory_space<vmem>>, vector<1x16xf32>,
        %parallel_loop3A_492 = vector.shape_cast %parallel_loop3A_491 : vector<1x16xf32> to vector<16xf32>
        %parallel_loop3A_493 = vector.shape_cast %parallel_loop3A_488 : vector<16xf32> to vector<1x16xf32>
        tpu.vector_store %arg12[%parallel_loop3A_489, %parallel_loop3A_490], %parallel_loop3A_493 {add = true, strides = array<i32>} : memref<64x128xf32, #tpu.memory_space<vmem>>, vector<1x16xf32>,
        %parallel_loop3A_494 = arith.index_cast %parallel_loop3A_439 : i32 to index
        %parallel_loop3A_495 = arith.constant 96 : index
        %parallel_loop3A_496 = tpu.vector_load %arg11[%parallel_loop3A_494, %parallel_loop3A_495] {strides = array<i32>} : memref<64x128xf32, #tpu.memory_space<vmem>>, vector<1x16xf32>,
        %parallel_loop3A_497 = vector.shape_cast %parallel_loop3A_496 : vector<1x16xf32> to vector<16xf32>
        %parallel_loop3A_498 = arith.index_cast %parallel_loop3A_439 : i32 to index
        %parallel_loop3A_499 = arith.constant 96 : index
        %parallel_loop3A_500 = tpu.vector_load %arg12[%parallel_loop3A_498, %parallel_loop3A_499] {strides = array<i32>} : memref<64x128xf32, #tpu.memory_space<vmem>>, vector<1x16xf32>,
        %parallel_loop3A_501 = vector.shape_cast %parallel_loop3A_500 : vector<1x16xf32> to vector<16xf32>
        %parallel_loop3A_502 = vector.shape_cast %parallel_loop3A_497 : vector<16xf32> to vector<1x16xf32>
        tpu.vector_store %arg12[%parallel_loop3A_498, %parallel_loop3A_499], %parallel_loop3A_502 {add = true, strides = array<i32>} : memref<64x128xf32, #tpu.memory_space<vmem>>, vector<1x16xf32>,
        %parallel_loop3A_503 = arith.index_cast %parallel_loop3A_439 : i32 to index
        %parallel_loop3A_504 = arith.constant 112 : index
        %parallel_loop3A_505 = tpu.vector_load %arg11[%parallel_loop3A_503, %parallel_loop3A_504] {strides = array<i32>} : memref<64x128xf32, #tpu.memory_space<vmem>>, vector<1x16xf32>,
        %parallel_loop3A_506 = vector.shape_cast %parallel_loop3A_505 : vector<1x16xf32> to vector<16xf32>
        %parallel_loop3A_507 = arith.index_cast %parallel_loop3A_439 : i32 to index
        %parallel_loop3A_508 = arith.constant 112 : index
        %parallel_loop3A_509 = tpu.vector_load %arg12[%parallel_loop3A_507, %parallel_loop3A_508] {strides = array<i32>} : memref<64x128xf32, #tpu.memory_space<vmem>>, vector<1x16xf32>,
        %parallel_loop3A_510 = vector.shape_cast %parallel_loop3A_509 : vector<1x16xf32> to vector<16xf32>
        %parallel_loop3A_511 = vector.shape_cast %parallel_loop3A_506 : vector<16xf32> to vector<1x16xf32>
        tpu.vector_store %arg12[%parallel_loop3A_507, %parallel_loop3A_508], %parallel_loop3A_511 {add = true, strides = array<i32>} : memref<64x128xf32, #tpu.memory_space<vmem>>, vector<1x16xf32>,
      } {sc.loop_unroll_factor = 8 : i64, sc.parallel_access}
      %mul3A_401 = arith.constant 256 : i32
      %mul3A_402 = arith.muli %add3A, %mul3A_401 : i32
      %add3A_403 = arith.addi %mul3A_402, %add3A_385 : i32
      %mul3A_404 = arith.constant 64 : i32
      %mul3A_405 = arith.muli %add3A_403, %mul3A_404 : i32
      %dma_start3A_406 = arith.constant 0 : i32
      %dma_start3A_407 = tpu.memref_slice %arg7[%mul3A_405, %dma_start3A_406] : memref<524288x128xf32, #tpu.memory_space<hbm>> -> memref<64x128xf32, #tpu.memory_space<hbm>>
      %dma_start3A_408 = arith.constant 0 : i32
      %dma_start3A_409 = tpu.memref_slice %arg7[%mul3A_405, %dma_start3A_408] : memref<524288x128xf32, #tpu.memory_space<hbm>> -> memref<64x128xf32, #tpu.memory_space<hbm>>
      tpu.enqueue_dma source(%arg12 : memref<64x128xf32, #tpu.memory_space<vmem>>) target(%dma_start3A_409 : memref<64x128xf32, #tpu.memory_space<hbm>>) target_semaphore(%arg19 : memref<!tpu.dma_semaphore, #tpu.memory_space<semaphore_mem>>)
      %add3A_410 = arith.constant 3 : i32
      %add3A_411 = arith.addi %add3A_385, %add3A_410 : i32
      %dma_start3A_412 = arith.constant 0 : i32
      %dma_start3A_413 = tpu.memref_slice %arg9[%add3A_411, %dma_start3A_412] : memref<256x64xi32, #tpu.memory_space<vmem>> -> memref<1x64xi32, #tpu.memory_space<vmem>>
      %dma_start3A_414 = tpu.memref_squeeze %dma_start3A_413 : memref<1x64xi32, #tpu.memory_space<vmem>> -> memref<64xi32, #tpu.memory_space<vmem>>
      %dma_start3A_415 = arith.constant 0 : i32
      %dma_start3A_416 = arith.constant 0 : i32
      %dma_start3A_417 = tpu.memref_slice %arg2[%dma_start3A_415, %dma_start3A_416] : memref<100000x128xf32, #tpu.memory_space<hbm>> -> memref<100000x128xf32, #tpu.memory_space<hbm>>
      tpu.enqueue_indirect_dma source(%dma_start3A_417 : memref<100000x128xf32, #tpu.memory_space<hbm>>) target(%arg11 : memref<64x128xf32, #tpu.memory_space<vmem>>) offsets(%dma_start3A_414 : memref<64xi32, #tpu.memory_space<vmem>>) semaphore(%arg17 : memref<!tpu.dma_semaphore, #tpu.memory_space<semaphore_mem>>)
      %sub3A_418 = arith.constant 1 : i32
      %sub3A_419 = arith.subi %add3A_385, %sub3A_418 : i32
      %mul3A_420 = arith.constant 256 : i32
      %mul3A_421 = arith.muli %add3A, %mul3A_420 : i32
      %add3A_422 = arith.addi %mul3A_421, %sub3A_419 : i32
      %mul3A_423 = arith.constant 64 : i32
      %mul3A_424 = arith.muli %add3A_422, %mul3A_423 : i32
      %dma_wait3A_425 = arith.constant 0 : i32
      %dma_wait3A_426 = tpu.memref_slice %arg7[%mul3A_424, %dma_wait3A_425] : memref<524288x128xf32, #tpu.memory_space<hbm>> -> memref<64x128xf32, #tpu.memory_space<hbm>>
      %dma_wait3A_427 = arith.constant 0 : i32
      %dma_wait3A_428 = tpu.memref_slice %arg7[%mul3A_424, %dma_wait3A_427] : memref<524288x128xf32, #tpu.memory_space<hbm>> -> memref<64x128xf32, #tpu.memory_space<hbm>>
      tpu.wait_dma2 semaphore(%arg25 : memref<!tpu.dma_semaphore, #tpu.memory_space<semaphore_mem>>) src(%arg16 : memref<64x128xf32, #tpu.memory_space<vmem>>) dst(%dma_wait3A_428 : memref<64x128xf32, #tpu.memory_space<hbm>>)
      %add3A_429 = arith.constant 3 : i32
      %add3A_430 = arith.addi %add3A_385, %add3A_429 : i32
      %sub3A_431 = arith.constant 1 : i32
      %sub3A_432 = arith.subi %add3A_430, %sub3A_431 : i32
      %dma_start3A_433 = arith.constant 0 : i32
      %dma_start3A_434 = tpu.memref_slice %arg10[%sub3A_432, %dma_start3A_433] : memref<256x64xi32, #tpu.memory_space<vmem>> -> memref<1x64xi32, #tpu.memory_space<vmem>>
      %dma_start3A_435 = tpu.memref_squeeze %dma_start3A_434 : memref<1x64xi32, #tpu.memory_space<vmem>> -> memref<64xi32, #tpu.memory_space<vmem>>
      %dma_start3A_436 = arith.constant 0 : i32
      %dma_start3A_437 = arith.constant 0 : i32
      %dma_start3A_438 = tpu.memref_slice %arg8[%dma_start3A_436, %dma_start3A_437] : memref<1024x128xf32, #tpu.memory_space<vmem_shared>> -> memref<1024x128xf32, #tpu.memory_space<vmem_shared>>
      tpu.enqueue_indirect_dma source(%dma_start3A_438 : memref<1024x128xf32, #tpu.memory_space<vmem_shared>>) target(%arg16 : memref<64x128xf32, #tpu.memory_space<vmem>>) offsets(%dma_start3A_435 : memref<64xi32, #tpu.memory_space<vmem>>) semaphore(%arg24 : memref<!tpu.dma_semaphore, #tpu.memory_space<semaphore_mem>>)
    }
    %scan3A_132 = arith.constant 84 : i32
    %dma_wait3A_133 = arith.constant 253 : i32
    %dma_wait3A_134 = arith.constant 0 : i32
    %dma_wait3A_135 = tpu.memref_slice %arg9[%dma_wait3A_133, %dma_wait3A_134] : memref<256x64xi32, #tpu.memory_space<vmem>> -> memref<1x64xi32, #tpu.memory_space<vmem>>
    %dma_wait3A_136 = tpu.memref_squeeze %dma_wait3A_135 : memref<1x64xi32, #tpu.memory_space<vmem>> -> memref<64xi32, #tpu.memory_space<vmem>>
    %dma_wait3A_137 = arith.constant 0 : i32
    %dma_wait3A_138 = arith.constant 0 : i32
    %dma_wait3A_139 = tpu.memref_slice %arg2[%dma_wait3A_137, %dma_wait3A_138] : memref<100000x128xf32, #tpu.memory_space<hbm>> -> memref<100000x128xf32, #tpu.memory_space<hbm>>
    tpu.wait_indirect_dma semaphore(%arg20 : memref<!tpu.dma_semaphore, #tpu.memory_space<semaphore_mem>>) src(%dma_wait3A_139 : memref<100000x128xf32, #tpu.memory_space<hbm>>) dst(%arg13 : memref<64x128xf32, #tpu.memory_space<vmem>>)
    %dma_wait3A_140 = arith.constant 253 : i32
    %dma_wait3A_141 = arith.constant 0 : i32
    %dma_wait3A_142 = tpu.memref_slice %arg10[%dma_wait3A_140, %dma_wait3A_141] : memref<256x64xi32, #tpu.memory_space<vmem>> -> memref<1x64xi32, #tpu.memory_space<vmem>>
    %dma_wait3A_143 = tpu.memref_squeeze %dma_wait3A_142 : memref<1x64xi32, #tpu.memory_space<vmem>> -> memref<64xi32, #tpu.memory_space<vmem>>
    %dma_wait3A_144 = arith.constant 0 : i32
    %dma_wait3A_145 = arith.constant 0 : i32
    %dma_wait3A_146 = tpu.memref_slice %arg8[%dma_wait3A_144, %dma_wait3A_145] : memref<1024x128xf32, #tpu.memory_space<vmem_shared>> -> memref<1024x128xf32, #tpu.memory_space<vmem_shared>>
    tpu.wait_indirect_dma semaphore(%arg21 : memref<!tpu.dma_semaphore, #tpu.memory_space<semaphore_mem>>) src(%dma_wait3A_146 : memref<1024x128xf32, #tpu.memory_space<vmem_shared>>) dst(%arg14 : memref<64x128xf32, #tpu.memory_space<vmem>>)
    %parallel_loop3A_147 = arith.constant 0 : i32
    %parallel_loop3A_148 = arith.constant 64 : i32
    %parallel_loop3A_149 = arith.constant 1 : i32
    scf.for %parallel_loop3A_261 = %parallel_loop3A_147 to %parallel_loop3A_148 step %parallel_loop3A_149  : i32 {
      %parallel_loop3A_262 = arith.index_cast %parallel_loop3A_261 : i32 to index
      %parallel_loop3A_263 = arith.constant 0 : index
      %parallel_loop3A_264 = tpu.vector_load %arg13[%parallel_loop3A_262, %parallel_loop3A_263] {strides = array<i32>} : memref<64x128xf32, #tpu.memory_space<vmem>>, vector<1x16xf32>,
      %parallel_loop3A_265 = vector.shape_cast %parallel_loop3A_264 : vector<1x16xf32> to vector<16xf32>
      %parallel_loop3A_266 = arith.index_cast %parallel_loop3A_261 : i32 to index
      %parallel_loop3A_267 = arith.constant 0 : index
      %parallel_loop3A_268 = tpu.vector_load %arg14[%parallel_loop3A_266, %parallel_loop3A_267] {strides = array<i32>} : memref<64x128xf32, #tpu.memory_space<vmem>>, vector<1x16xf32>,
      %parallel_loop3A_269 = vector.shape_cast %parallel_loop3A_268 : vector<1x16xf32> to vector<16xf32>
      %parallel_loop3A_270 = vector.shape_cast %parallel_loop3A_265 : vector<16xf32> to vector<1x16xf32>
      tpu.vector_store %arg14[%parallel_loop3A_266, %parallel_loop3A_267], %parallel_loop3A_270 {add = true, strides = array<i32>} : memref<64x128xf32, #tpu.memory_space<vmem>>, vector<1x16xf32>,
      %parallel_loop3A_271 = arith.index_cast %parallel_loop3A_261 : i32 to index
      %parallel_loop3A_272 = arith.constant 16 : index
      %parallel_loop3A_273 = tpu.vector_load %arg13[%parallel_loop3A_271, %parallel_loop3A_272] {strides = array<i32>} : memref<64x128xf32, #tpu.memory_space<vmem>>, vector<1x16xf32>,
      %parallel_loop3A_274 = vector.shape_cast %parallel_loop3A_273 : vector<1x16xf32> to vector<16xf32>
      %parallel_loop3A_275 = arith.index_cast %parallel_loop3A_261 : i32 to index
      %parallel_loop3A_276 = arith.constant 16 : index
      %parallel_loop3A_277 = tpu.vector_load %arg14[%parallel_loop3A_275, %parallel_loop3A_276] {strides = array<i32>} : memref<64x128xf32, #tpu.memory_space<vmem>>, vector<1x16xf32>,
      %parallel_loop3A_278 = vector.shape_cast %parallel_loop3A_277 : vector<1x16xf32> to vector<16xf32>
      %parallel_loop3A_279 = vector.shape_cast %parallel_loop3A_274 : vector<16xf32> to vector<1x16xf32>
      tpu.vector_store %arg14[%parallel_loop3A_275, %parallel_loop3A_276], %parallel_loop3A_279 {add = true, strides = array<i32>} : memref<64x128xf32, #tpu.memory_space<vmem>>, vector<1x16xf32>,
      %parallel_loop3A_280 = arith.index_cast %parallel_loop3A_261 : i32 to index
      %parallel_loop3A_281 = arith.constant 32 : index
      %parallel_loop3A_282 = tpu.vector_load %arg13[%parallel_loop3A_280, %parallel_loop3A_281] {strides = array<i32>} : memref<64x128xf32, #tpu.memory_space<vmem>>, vector<1x16xf32>,
      %parallel_loop3A_283 = vector.shape_cast %parallel_loop3A_282 : vector<1x16xf32> to vector<16xf32>
      %parallel_loop3A_284 = arith.index_cast %parallel_loop3A_261 : i32 to index
      %parallel_loop3A_285 = arith.constant 32 : index
      %parallel_loop3A_286 = tpu.vector_load %arg14[%parallel_loop3A_284, %parallel_loop3A_285] {strides = array<i32>} : memref<64x128xf32, #tpu.memory_space<vmem>>, vector<1x16xf32>,
      %parallel_loop3A_287 = vector.shape_cast %parallel_loop3A_286 : vector<1x16xf32> to vector<16xf32>
      %parallel_loop3A_288 = vector.shape_cast %parallel_loop3A_283 : vector<16xf32> to vector<1x16xf32>
      tpu.vector_store %arg14[%parallel_loop3A_284, %parallel_loop3A_285], %parallel_loop3A_288 {add = true, strides = array<i32>} : memref<64x128xf32, #tpu.memory_space<vmem>>, vector<1x16xf32>,
      %parallel_loop3A_289 = arith.index_cast %parallel_loop3A_261 : i32 to index
      %parallel_loop3A_290 = arith.constant 48 : index
      %parallel_loop3A_291 = tpu.vector_load %arg13[%parallel_loop3A_289, %parallel_loop3A_290] {strides = array<i32>} : memref<64x128xf32, #tpu.memory_space<vmem>>, vector<1x16xf32>,
      %parallel_loop3A_292 = vector.shape_cast %parallel_loop3A_291 : vector<1x16xf32> to vector<16xf32>
      %parallel_loop3A_293 = arith.index_cast %parallel_loop3A_261 : i32 to index
      %parallel_loop3A_294 = arith.constant 48 : index
      %parallel_loop3A_295 = tpu.vector_load %arg14[%parallel_loop3A_293, %parallel_loop3A_294] {strides = array<i32>} : memref<64x128xf32, #tpu.memory_space<vmem>>, vector<1x16xf32>,
      %parallel_loop3A_296 = vector.shape_cast %parallel_loop3A_295 : vector<1x16xf32> to vector<16xf32>
      %parallel_loop3A_297 = vector.shape_cast %parallel_loop3A_292 : vector<16xf32> to vector<1x16xf32>
      tpu.vector_store %arg14[%parallel_loop3A_293, %parallel_loop3A_294], %parallel_loop3A_297 {add = true, strides = array<i32>} : memref<64x128xf32, #tpu.memory_space<vmem>>, vector<1x16xf32>,
      %parallel_loop3A_298 = arith.index_cast %parallel_loop3A_261 : i32 to index
      %parallel_loop3A_299 = arith.constant 64 : index
      %parallel_loop3A_300 = tpu.vector_load %arg13[%parallel_loop3A_298, %parallel_loop3A_299] {strides = array<i32>} : memref<64x128xf32, #tpu.memory_space<vmem>>, vector<1x16xf32>,
      %parallel_loop3A_301 = vector.shape_cast %parallel_loop3A_300 : vector<1x16xf32> to vector<16xf32>
      %parallel_loop3A_302 = arith.index_cast %parallel_loop3A_261 : i32 to index
      %parallel_loop3A_303 = arith.constant 64 : index
      %parallel_loop3A_304 = tpu.vector_load %arg14[%parallel_loop3A_302, %parallel_loop3A_303] {strides = array<i32>} : memref<64x128xf32, #tpu.memory_space<vmem>>, vector<1x16xf32>,
      %parallel_loop3A_305 = vector.shape_cast %parallel_loop3A_304 : vector<1x16xf32> to vector<16xf32>
      %parallel_loop3A_306 = vector.shape_cast %parallel_loop3A_301 : vector<16xf32> to vector<1x16xf32>
      tpu.vector_store %arg14[%parallel_loop3A_302, %parallel_loop3A_303], %parallel_loop3A_306 {add = true, strides = array<i32>} : memref<64x128xf32, #tpu.memory_space<vmem>>, vector<1x16xf32>,
      %parallel_loop3A_307 = arith.index_cast %parallel_loop3A_261 : i32 to index
      %parallel_loop3A_308 = arith.constant 80 : index
      %parallel_loop3A_309 = tpu.vector_load %arg13[%parallel_loop3A_307, %parallel_loop3A_308] {strides = array<i32>} : memref<64x128xf32, #tpu.memory_space<vmem>>, vector<1x16xf32>,
      %parallel_loop3A_310 = vector.shape_cast %parallel_loop3A_309 : vector<1x16xf32> to vector<16xf32>
      %parallel_loop3A_311 = arith.index_cast %parallel_loop3A_261 : i32 to index
      %parallel_loop3A_312 = arith.constant 80 : index
      %parallel_loop3A_313 = tpu.vector_load %arg14[%parallel_loop3A_311, %parallel_loop3A_312] {strides = array<i32>} : memref<64x128xf32, #tpu.memory_space<vmem>>, vector<1x16xf32>,
      %parallel_loop3A_314 = vector.shape_cast %parallel_loop3A_313 : vector<1x16xf32> to vector<16xf32>
      %parallel_loop3A_315 = vector.shape_cast %parallel_loop3A_310 : vector<16xf32> to vector<1x16xf32>
      tpu.vector_store %arg14[%parallel_loop3A_311, %parallel_loop3A_312], %parallel_loop3A_315 {add = true, strides = array<i32>} : memref<64x128xf32, #tpu.memory_space<vmem>>, vector<1x16xf32>,
      %parallel_loop3A_316 = arith.index_cast %parallel_loop3A_261 : i32 to index
      %parallel_loop3A_317 = arith.constant 96 : index
      %parallel_loop3A_318 = tpu.vector_load %arg13[%parallel_loop3A_316, %parallel_loop3A_317] {strides = array<i32>} : memref<64x128xf32, #tpu.memory_space<vmem>>, vector<1x16xf32>,
      %parallel_loop3A_319 = vector.shape_cast %parallel_loop3A_318 : vector<1x16xf32> to vector<16xf32>
      %parallel_loop3A_320 = arith.index_cast %parallel_loop3A_261 : i32 to index
      %parallel_loop3A_321 = arith.constant 96 : index
      %parallel_loop3A_322 = tpu.vector_load %arg14[%parallel_loop3A_320, %parallel_loop3A_321] {strides = array<i32>} : memref<64x128xf32, #tpu.memory_space<vmem>>, vector<1x16xf32>,
      %parallel_loop3A_323 = vector.shape_cast %parallel_loop3A_322 : vector<1x16xf32> to vector<16xf32>
      %parallel_loop3A_324 = vector.shape_cast %parallel_loop3A_319 : vector<16xf32> to vector<1x16xf32>
      tpu.vector_store %arg14[%parallel_loop3A_320, %parallel_loop3A_321], %parallel_loop3A_324 {add = true, strides = array<i32>} : memref<64x128xf32, #tpu.memory_space<vmem>>, vector<1x16xf32>,
      %parallel_loop3A_325 = arith.index_cast %parallel_loop3A_261 : i32 to index
      %parallel_loop3A_326 = arith.constant 112 : index
      %parallel_loop3A_327 = tpu.vector_load %arg13[%parallel_loop3A_325, %parallel_loop3A_326] {strides = array<i32>} : memref<64x128xf32, #tpu.memory_space<vmem>>, vector<1x16xf32>,
      %parallel_loop3A_328 = vector.shape_cast %parallel_loop3A_327 : vector<1x16xf32> to vector<16xf32>
      %parallel_loop3A_329 = arith.index_cast %parallel_loop3A_261 : i32 to index
      %parallel_loop3A_330 = arith.constant 112 : index
      %parallel_loop3A_331 = tpu.vector_load %arg14[%parallel_loop3A_329, %parallel_loop3A_330] {strides = array<i32>} : memref<64x128xf32, #tpu.memory_space<vmem>>, vector<1x16xf32>,
      %parallel_loop3A_332 = vector.shape_cast %parallel_loop3A_331 : vector<1x16xf32> to vector<16xf32>
      %parallel_loop3A_333 = vector.shape_cast %parallel_loop3A_328 : vector<16xf32> to vector<1x16xf32>
      tpu.vector_store %arg14[%parallel_loop3A_329, %parallel_loop3A_330], %parallel_loop3A_333 {add = true, strides = array<i32>} : memref<64x128xf32, #tpu.memory_space<vmem>>, vector<1x16xf32>,
    } {sc.loop_unroll_factor = 8 : i64, sc.parallel_access}
    %mul3A_150 = arith.constant 256 : i32
    %mul3A_151 = arith.muli %add3A, %mul3A_150 : i32
    %add3A_152 = arith.constant 253 : i32
    %add3A_153 = arith.addi %mul3A_151, %add3A_152 : i32
    %mul3A_154 = arith.constant 64 : i32
    %mul3A_155 = arith.muli %add3A_153, %mul3A_154 : i32
    %dma_start3A_156 = arith.constant 0 : i32
    %dma_start3A_157 = tpu.memref_slice %arg7[%mul3A_155, %dma_start3A_156] : memref<524288x128xf32, #tpu.memory_space<hbm>> -> memref<64x128xf32, #tpu.memory_space<hbm>>
    %dma_start3A_158 = arith.constant 0 : i32
    %dma_start3A_159 = tpu.memref_slice %arg7[%mul3A_155, %dma_start3A_158] : memref<524288x128xf32, #tpu.memory_space<hbm>> -> memref<64x128xf32, #tpu.memory_space<hbm>>
    tpu.enqueue_dma source(%arg14 : memref<64x128xf32, #tpu.memory_space<vmem>>) target(%dma_start3A_159 : memref<64x128xf32, #tpu.memory_space<hbm>>) target_semaphore(%arg22 : memref<!tpu.dma_semaphore, #tpu.memory_space<semaphore_mem>>)
    %mul3A_160 = arith.constant 256 : i32
    %mul3A_161 = arith.muli %add3A, %mul3A_160 : i32
    %add3A_162 = arith.constant 252 : i32
    %add3A_163 = arith.addi %mul3A_161, %add3A_162 : i32
    %mul3A_164 = arith.constant 64 : i32
    %mul3A_165 = arith.muli %add3A_163, %mul3A_164 : i32
    %dma_wait3A_166 = arith.constant 0 : i32
    %dma_wait3A_167 = tpu.memref_slice %arg7[%mul3A_165, %dma_wait3A_166] : memref<524288x128xf32, #tpu.memory_space<hbm>> -> memref<64x128xf32, #tpu.memory_space<hbm>>
    %dma_wait3A_168 = arith.constant 0 : i32
    %dma_wait3A_169 = tpu.memref_slice %arg7[%mul3A_165, %dma_wait3A_168] : memref<524288x128xf32, #tpu.memory_space<hbm>> -> memref<64x128xf32, #tpu.memory_space<hbm>>
    tpu.wait_dma2 semaphore(%arg19 : memref<!tpu.dma_semaphore, #tpu.memory_space<semaphore_mem>>) src(%arg12 : memref<64x128xf32, #tpu.memory_space<vmem>>) dst(%dma_wait3A_169 : memref<64x128xf32, #tpu.memory_space<hbm>>)
    %dma_start3A_170 = arith.constant 255 : i32
    %dma_start3A_171 = arith.constant 0 : i32
    %dma_start3A_172 = tpu.memref_slice %arg10[%dma_start3A_170, %dma_start3A_171] : memref<256x64xi32, #tpu.memory_space<vmem>> -> memref<1x64xi32, #tpu.memory_space<vmem>>
    %dma_start3A_173 = tpu.memref_squeeze %dma_start3A_172 : memref<1x64xi32, #tpu.memory_space<vmem>> -> memref<64xi32, #tpu.memory_space<vmem>>
    %dma_start3A_174 = arith.constant 0 : i32
    %dma_start3A_175 = arith.constant 0 : i32
    %dma_start3A_176 = tpu.memref_slice %arg8[%dma_start3A_174, %dma_start3A_175] : memref<1024x128xf32, #tpu.memory_space<vmem_shared>> -> memref<1024x128xf32, #tpu.memory_space<vmem_shared>>
    tpu.enqueue_indirect_dma source(%dma_start3A_176 : memref<1024x128xf32, #tpu.memory_space<vmem_shared>>) target(%arg12 : memref<64x128xf32, #tpu.memory_space<vmem>>) offsets(%dma_start3A_173 : memref<64xi32, #tpu.memory_space<vmem>>) semaphore(%arg18 : memref<!tpu.dma_semaphore, #tpu.memory_space<semaphore_mem>>)
    %dma_wait3A_177 = arith.constant 254 : i32
    %dma_wait3A_178 = arith.constant 0 : i32
    %dma_wait3A_179 = tpu.memref_slice %arg9[%dma_wait3A_177, %dma_wait3A_178] : memref<256x64xi32, #tpu.memory_space<vmem>> -> memref<1x64xi32, #tpu.memory_space<vmem>>
    %dma_wait3A_180 = tpu.memref_squeeze %dma_wait3A_179 : memref<1x64xi32, #tpu.memory_space<vmem>> -> memref<64xi32, #tpu.memory_space<vmem>>
    %dma_wait3A_181 = arith.constant 0 : i32
    %dma_wait3A_182 = arith.constant 0 : i32
    %dma_wait3A_183 = tpu.memref_slice %arg2[%dma_wait3A_181, %dma_wait3A_182] : memref<100000x128xf32, #tpu.memory_space<hbm>> -> memref<100000x128xf32, #tpu.memory_space<hbm>>
    tpu.wait_indirect_dma semaphore(%arg23 : memref<!tpu.dma_semaphore, #tpu.memory_space<semaphore_mem>>) src(%dma_wait3A_183 : memref<100000x128xf32, #tpu.memory_space<hbm>>) dst(%arg15 : memref<64x128xf32, #tpu.memory_space<vmem>>)
    %dma_wait3A_184 = arith.constant 254 : i32
    %dma_wait3A_185 = arith.constant 0 : i32
    %dma_wait3A_186 = tpu.memref_slice %arg10[%dma_wait3A_184, %dma_wait3A_185] : memref<256x64xi32, #tpu.memory_space<vmem>> -> memref<1x64xi32, #tpu.memory_space<vmem>>
    %dma_wait3A_187 = tpu.memref_squeeze %dma_wait3A_186 : memref<1x64xi32, #tpu.memory_space<vmem>> -> memref<64xi32, #tpu.memory_space<vmem>>
    %dma_wait3A_188 = arith.constant 0 : i32
    %dma_wait3A_189 = arith.constant 0 : i32
    %dma_wait3A_190 = tpu.memref_slice %arg8[%dma_wait3A_188, %dma_wait3A_189] : memref<1024x128xf32, #tpu.memory_space<vmem_shared>> -> memref<1024x128xf32, #tpu.memory_space<vmem_shared>>
    tpu.wait_indirect_dma semaphore(%arg24 : memref<!tpu.dma_semaphore, #tpu.memory_space<semaphore_mem>>) src(%dma_wait3A_190 : memref<1024x128xf32, #tpu.memory_space<vmem_shared>>) dst(%arg16 : memref<64x128xf32, #tpu.memory_space<vmem>>)
    %parallel_loop3A_191 = arith.constant 0 : i32
    %parallel_loop3A_192 = arith.constant 64 : i32
    %parallel_loop3A_193 = arith.constant 1 : i32
    scf.for %parallel_loop3A_261 = %parallel_loop3A_191 to %parallel_loop3A_192 step %parallel_loop3A_193  : i32 {
      %parallel_loop3A_262 = arith.index_cast %parallel_loop3A_261 : i32 to index
      %parallel_loop3A_263 = arith.constant 0 : index
      %parallel_loop3A_264 = tpu.vector_load %arg15[%parallel_loop3A_262, %parallel_loop3A_263] {strides = array<i32>} : memref<64x128xf32, #tpu.memory_space<vmem>>, vector<1x16xf32>,
      %parallel_loop3A_265 = vector.shape_cast %parallel_loop3A_264 : vector<1x16xf32> to vector<16xf32>
      %parallel_loop3A_266 = arith.index_cast %parallel_loop3A_261 : i32 to index
      %parallel_loop3A_267 = arith.constant 0 : index
      %parallel_loop3A_268 = tpu.vector_load %arg16[%parallel_loop3A_266, %parallel_loop3A_267] {strides = array<i32>} : memref<64x128xf32, #tpu.memory_space<vmem>>, vector<1x16xf32>,
      %parallel_loop3A_269 = vector.shape_cast %parallel_loop3A_268 : vector<1x16xf32> to vector<16xf32>
      %parallel_loop3A_270 = vector.shape_cast %parallel_loop3A_265 : vector<16xf32> to vector<1x16xf32>
      tpu.vector_store %arg16[%parallel_loop3A_266, %parallel_loop3A_267], %parallel_loop3A_270 {add = true, strides = array<i32>} : memref<64x128xf32, #tpu.memory_space<vmem>>, vector<1x16xf32>,
      %parallel_loop3A_271 = arith.index_cast %parallel_loop3A_261 : i32 to index
      %parallel_loop3A_272 = arith.constant 16 : index
      %parallel_loop3A_273 = tpu.vector_load %arg15[%parallel_loop3A_271, %parallel_loop3A_272] {strides = array<i32>} : memref<64x128xf32, #tpu.memory_space<vmem>>, vector<1x16xf32>,
      %parallel_loop3A_274 = vector.shape_cast %parallel_loop3A_273 : vector<1x16xf32> to vector<16xf32>
      %parallel_loop3A_275 = arith.index_cast %parallel_loop3A_261 : i32 to index
      %parallel_loop3A_276 = arith.constant 16 : index
      %parallel_loop3A_277 = tpu.vector_load %arg16[%parallel_loop3A_275, %parallel_loop3A_276] {strides = array<i32>} : memref<64x128xf32, #tpu.memory_space<vmem>>, vector<1x16xf32>,
      %parallel_loop3A_278 = vector.shape_cast %parallel_loop3A_277 : vector<1x16xf32> to vector<16xf32>
      %parallel_loop3A_279 = vector.shape_cast %parallel_loop3A_274 : vector<16xf32> to vector<1x16xf32>
      tpu.vector_store %arg16[%parallel_loop3A_275, %parallel_loop3A_276], %parallel_loop3A_279 {add = true, strides = array<i32>} : memref<64x128xf32, #tpu.memory_space<vmem>>, vector<1x16xf32>,
      %parallel_loop3A_280 = arith.index_cast %parallel_loop3A_261 : i32 to index
      %parallel_loop3A_281 = arith.constant 32 : index
      %parallel_loop3A_282 = tpu.vector_load %arg15[%parallel_loop3A_280, %parallel_loop3A_281] {strides = array<i32>} : memref<64x128xf32, #tpu.memory_space<vmem>>, vector<1x16xf32>,
      %parallel_loop3A_283 = vector.shape_cast %parallel_loop3A_282 : vector<1x16xf32> to vector<16xf32>
      %parallel_loop3A_284 = arith.index_cast %parallel_loop3A_261 : i32 to index
      %parallel_loop3A_285 = arith.constant 32 : index
      %parallel_loop3A_286 = tpu.vector_load %arg16[%parallel_loop3A_284, %parallel_loop3A_285] {strides = array<i32>} : memref<64x128xf32, #tpu.memory_space<vmem>>, vector<1x16xf32>,
      %parallel_loop3A_287 = vector.shape_cast %parallel_loop3A_286 : vector<1x16xf32> to vector<16xf32>
      %parallel_loop3A_288 = vector.shape_cast %parallel_loop3A_283 : vector<16xf32> to vector<1x16xf32>
      tpu.vector_store %arg16[%parallel_loop3A_284, %parallel_loop3A_285], %parallel_loop3A_288 {add = true, strides = array<i32>} : memref<64x128xf32, #tpu.memory_space<vmem>>, vector<1x16xf32>,
      %parallel_loop3A_289 = arith.index_cast %parallel_loop3A_261 : i32 to index
      %parallel_loop3A_290 = arith.constant 48 : index
      %parallel_loop3A_291 = tpu.vector_load %arg15[%parallel_loop3A_289, %parallel_loop3A_290] {strides = array<i32>} : memref<64x128xf32, #tpu.memory_space<vmem>>, vector<1x16xf32>,
      %parallel_loop3A_292 = vector.shape_cast %parallel_loop3A_291 : vector<1x16xf32> to vector<16xf32>
      %parallel_loop3A_293 = arith.index_cast %parallel_loop3A_261 : i32 to index
      %parallel_loop3A_294 = arith.constant 48 : index
      %parallel_loop3A_295 = tpu.vector_load %arg16[%parallel_loop3A_293, %parallel_loop3A_294] {strides = array<i32>} : memref<64x128xf32, #tpu.memory_space<vmem>>, vector<1x16xf32>,
      %parallel_loop3A_296 = vector.shape_cast %parallel_loop3A_295 : vector<1x16xf32> to vector<16xf32>
      %parallel_loop3A_297 = vector.shape_cast %parallel_loop3A_292 : vector<16xf32> to vector<1x16xf32>
      tpu.vector_store %arg16[%parallel_loop3A_293, %parallel_loop3A_294], %parallel_loop3A_297 {add = true, strides = array<i32>} : memref<64x128xf32, #tpu.memory_space<vmem>>, vector<1x16xf32>,
      %parallel_loop3A_298 = arith.index_cast %parallel_loop3A_261 : i32 to index
      %parallel_loop3A_299 = arith.constant 64 : index
      %parallel_loop3A_300 = tpu.vector_load %arg15[%parallel_loop3A_298, %parallel_loop3A_299] {strides = array<i32>} : memref<64x128xf32, #tpu.memory_space<vmem>>, vector<1x16xf32>,
      %parallel_loop3A_301 = vector.shape_cast %parallel_loop3A_300 : vector<1x16xf32> to vector<16xf32>
      %parallel_loop3A_302 = arith.index_cast %parallel_loop3A_261 : i32 to index
      %parallel_loop3A_303 = arith.constant 64 : index
      %parallel_loop3A_304 = tpu.vector_load %arg16[%parallel_loop3A_302, %parallel_loop3A_303] {strides = array<i32>} : memref<64x128xf32, #tpu.memory_space<vmem>>, vector<1x16xf32>,
      %parallel_loop3A_305 = vector.shape_cast %parallel_loop3A_304 : vector<1x16xf32> to vector<16xf32>
      %parallel_loop3A_306 = vector.shape_cast %parallel_loop3A_301 : vector<16xf32> to vector<1x16xf32>
      tpu.vector_store %arg16[%parallel_loop3A_302, %parallel_loop3A_303], %parallel_loop3A_306 {add = true, strides = array<i32>} : memref<64x128xf32, #tpu.memory_space<vmem>>, vector<1x16xf32>,
      %parallel_loop3A_307 = arith.index_cast %parallel_loop3A_261 : i32 to index
      %parallel_loop3A_308 = arith.constant 80 : index
      %parallel_loop3A_309 = tpu.vector_load %arg15[%parallel_loop3A_307, %parallel_loop3A_308] {strides = array<i32>} : memref<64x128xf32, #tpu.memory_space<vmem>>, vector<1x16xf32>,
      %parallel_loop3A_310 = vector.shape_cast %parallel_loop3A_309 : vector<1x16xf32> to vector<16xf32>
      %parallel_loop3A_311 = arith.index_cast %parallel_loop3A_261 : i32 to index
      %parallel_loop3A_312 = arith.constant 80 : index
      %parallel_loop3A_313 = tpu.vector_load %arg16[%parallel_loop3A_311, %parallel_loop3A_312] {strides = array<i32>} : memref<64x128xf32, #tpu.memory_space<vmem>>, vector<1x16xf32>,
      %parallel_loop3A_314 = vector.shape_cast %parallel_loop3A_313 : vector<1x16xf32> to vector<16xf32>
      %parallel_loop3A_315 = vector.shape_cast %parallel_loop3A_310 : vector<16xf32> to vector<1x16xf32>
      tpu.vector_store %arg16[%parallel_loop3A_311, %parallel_loop3A_312], %parallel_loop3A_315 {add = true, strides = array<i32>} : memref<64x128xf32, #tpu.memory_space<vmem>>, vector<1x16xf32>,
      %parallel_loop3A_316 = arith.index_cast %parallel_loop3A_261 : i32 to index
      %parallel_loop3A_317 = arith.constant 96 : index
      %parallel_loop3A_318 = tpu.vector_load %arg15[%parallel_loop3A_316, %parallel_loop3A_317] {strides = array<i32>} : memref<64x128xf32, #tpu.memory_space<vmem>>, vector<1x16xf32>,
      %parallel_loop3A_319 = vector.shape_cast %parallel_loop3A_318 : vector<1x16xf32> to vector<16xf32>
      %parallel_loop3A_320 = arith.index_cast %parallel_loop3A_261 : i32 to index
      %parallel_loop3A_321 = arith.constant 96 : index
      %parallel_loop3A_322 = tpu.vector_load %arg16[%parallel_loop3A_320, %parallel_loop3A_321] {strides = array<i32>} : memref<64x128xf32, #tpu.memory_space<vmem>>, vector<1x16xf32>,
      %parallel_loop3A_323 = vector.shape_cast %parallel_loop3A_322 : vector<1x16xf32> to vector<16xf32>
      %parallel_loop3A_324 = vector.shape_cast %parallel_loop3A_319 : vector<16xf32> to vector<1x16xf32>
      tpu.vector_store %arg16[%parallel_loop3A_320, %parallel_loop3A_321], %parallel_loop3A_324 {add = true, strides = array<i32>} : memref<64x128xf32, #tpu.memory_space<vmem>>, vector<1x16xf32>,
      %parallel_loop3A_325 = arith.index_cast %parallel_loop3A_261 : i32 to index
      %parallel_loop3A_326 = arith.constant 112 : index
      %parallel_loop3A_327 = tpu.vector_load %arg15[%parallel_loop3A_325, %parallel_loop3A_326] {strides = array<i32>} : memref<64x128xf32, #tpu.memory_space<vmem>>, vector<1x16xf32>,
      %parallel_loop3A_328 = vector.shape_cast %parallel_loop3A_327 : vector<1x16xf32> to vector<16xf32>
      %parallel_loop3A_329 = arith.index_cast %parallel_loop3A_261 : i32 to index
      %parallel_loop3A_330 = arith.constant 112 : index
      %parallel_loop3A_331 = tpu.vector_load %arg16[%parallel_loop3A_329, %parallel_loop3A_330] {strides = array<i32>} : memref<64x128xf32, #tpu.memory_space<vmem>>, vector<1x16xf32>,
      %parallel_loop3A_332 = vector.shape_cast %parallel_loop3A_331 : vector<1x16xf32> to vector<16xf32>
      %parallel_loop3A_333 = vector.shape_cast %parallel_loop3A_328 : vector<16xf32> to vector<1x16xf32>
      tpu.vector_store %arg16[%parallel_loop3A_329, %parallel_loop3A_330], %parallel_loop3A_333 {add = true, strides = array<i32>} : memref<64x128xf32, #tpu.memory_space<vmem>>, vector<1x16xf32>,
    } {sc.loop_unroll_factor = 8 : i64, sc.parallel_access}
    %mul3A_194 = arith.constant 256 : i32
    %mul3A_195 = arith.muli %add3A, %mul3A_194 : i32
    %add3A_196 = arith.constant 254 : i32
    %add3A_197 = arith.addi %mul3A_195, %add3A_196 : i32
    %mul3A_198 = arith.constant 64 : i32
    %mul3A_199 = arith.muli %add3A_197, %mul3A_198 : i32
    %dma_start3A_200 = arith.constant 0 : i32
    %dma_start3A_201 = tpu.memref_slice %arg7[%mul3A_199, %dma_start3A_200] : memref<524288x128xf32, #tpu.memory_space<hbm>> -> memref<64x128xf32, #tpu.memory_space<hbm>>
    %dma_start3A_202 = arith.constant 0 : i32
    %dma_start3A_203 = tpu.memref_slice %arg7[%mul3A_199, %dma_start3A_202] : memref<524288x128xf32, #tpu.memory_space<hbm>> -> memref<64x128xf32, #tpu.memory_space<hbm>>
    tpu.enqueue_dma source(%arg16 : memref<64x128xf32, #tpu.memory_space<vmem>>) target(%dma_start3A_203 : memref<64x128xf32, #tpu.memory_space<hbm>>) target_semaphore(%arg25 : memref<!tpu.dma_semaphore, #tpu.memory_space<semaphore_mem>>)
    %mul3A_204 = arith.constant 256 : i32
    %mul3A_205 = arith.muli %add3A, %mul3A_204 : i32
    %add3A_206 = arith.constant 253 : i32
    %add3A_207 = arith.addi %mul3A_205, %add3A_206 : i32
    %mul3A_208 = arith.constant 64 : i32
    %mul3A_209 = arith.muli %add3A_207, %mul3A_208 : i32
    %dma_wait3A_210 = arith.constant 0 : i32
    %dma_wait3A_211 = tpu.memref_slice %arg7[%mul3A_209, %dma_wait3A_210] : memref<524288x128xf32, #tpu.memory_space<hbm>> -> memref<64x128xf32, #tpu.memory_space<hbm>>
    %dma_wait3A_212 = arith.constant 0 : i32
    %dma_wait3A_213 = tpu.memref_slice %arg7[%mul3A_209, %dma_wait3A_212] : memref<524288x128xf32, #tpu.memory_space<hbm>> -> memref<64x128xf32, #tpu.memory_space<hbm>>
    tpu.wait_dma2 semaphore(%arg22 : memref<!tpu.dma_semaphore, #tpu.memory_space<semaphore_mem>>) src(%arg14 : memref<64x128xf32, #tpu.memory_space<vmem>>) dst(%dma_wait3A_213 : memref<64x128xf32, #tpu.memory_space<hbm>>)
    %dma_wait3A_214 = arith.constant 255 : i32
    %dma_wait3A_215 = arith.constant 0 : i32
    %dma_wait3A_216 = tpu.memref_slice %arg9[%dma_wait3A_214, %dma_wait3A_215] : memref<256x64xi32, #tpu.memory_space<vmem>> -> memref<1x64xi32, #tpu.memory_space<vmem>>
    %dma_wait3A_217 = tpu.memref_squeeze %dma_wait3A_216 : memref<1x64xi32, #tpu.memory_space<vmem>> -> memref<64xi32, #tpu.memory_space<vmem>>
    %dma_wait3A_218 = arith.constant 0 : i32
    %dma_wait3A_219 = arith.constant 0 : i32
    %dma_wait3A_220 = tpu.memref_slice %arg2[%dma_wait3A_218, %dma_wait3A_219] : memref<100000x128xf32, #tpu.memory_space<hbm>> -> memref<100000x128xf32, #tpu.memory_space<hbm>>
    tpu.wait_indirect_dma semaphore(%arg17 : memref<!tpu.dma_semaphore, #tpu.memory_space<semaphore_mem>>) src(%dma_wait3A_220 : memref<100000x128xf32, #tpu.memory_space<hbm>>) dst(%arg11 : memref<64x128xf32, #tpu.memory_space<vmem>>)
    %dma_wait3A_221 = arith.constant 255 : i32
    %dma_wait3A_222 = arith.constant 0 : i32
    %dma_wait3A_223 = tpu.memref_slice %arg10[%dma_wait3A_221, %dma_wait3A_222] : memref<256x64xi32, #tpu.memory_space<vmem>> -> memref<1x64xi32, #tpu.memory_space<vmem>>
    %dma_wait3A_224 = tpu.memref_squeeze %dma_wait3A_223 : memref<1x64xi32, #tpu.memory_space<vmem>> -> memref<64xi32, #tpu.memory_space<vmem>>
    %dma_wait3A_225 = arith.constant 0 : i32
    %dma_wait3A_226 = arith.constant 0 : i32
    %dma_wait3A_227 = tpu.memref_slice %arg8[%dma_wait3A_225, %dma_wait3A_226] : memref<1024x128xf32, #tpu.memory_space<vmem_shared>> -> memref<1024x128xf32, #tpu.memory_space<vmem_shared>>
    tpu.wait_indirect_dma semaphore(%arg18 : memref<!tpu.dma_semaphore, #tpu.memory_space<semaphore_mem>>) src(%dma_wait3A_227 : memref<1024x128xf32, #tpu.memory_space<vmem_shared>>) dst(%arg12 : memref<64x128xf32, #tpu.memory_space<vmem>>)
    %parallel_loop3A_228 = arith.constant 0 : i32
    %parallel_loop3A_229 = arith.constant 64 : i32
    %parallel_loop3A_230 = arith.constant 1 : i32
    scf.for %parallel_loop3A_261 = %parallel_loop3A_228 to %parallel_loop3A_229 step %parallel_loop3A_230  : i32 {
      %parallel_loop3A_262 = arith.index_cast %parallel_loop3A_261 : i32 to index
      %parallel_loop3A_263 = arith.constant 0 : index
      %parallel_loop3A_264 = tpu.vector_load %arg11[%parallel_loop3A_262, %parallel_loop3A_263] {strides = array<i32>} : memref<64x128xf32, #tpu.memory_space<vmem>>, vector<1x16xf32>,
      %parallel_loop3A_265 = vector.shape_cast %parallel_loop3A_264 : vector<1x16xf32> to vector<16xf32>
      %parallel_loop3A_266 = arith.index_cast %parallel_loop3A_261 : i32 to index
      %parallel_loop3A_267 = arith.constant 0 : index
      %parallel_loop3A_268 = tpu.vector_load %arg12[%parallel_loop3A_266, %parallel_loop3A_267] {strides = array<i32>} : memref<64x128xf32, #tpu.memory_space<vmem>>, vector<1x16xf32>,
      %parallel_loop3A_269 = vector.shape_cast %parallel_loop3A_268 : vector<1x16xf32> to vector<16xf32>
      %parallel_loop3A_270 = vector.shape_cast %parallel_loop3A_265 : vector<16xf32> to vector<1x16xf32>
      tpu.vector_store %arg12[%parallel_loop3A_266, %parallel_loop3A_267], %parallel_loop3A_270 {add = true, strides = array<i32>} : memref<64x128xf32, #tpu.memory_space<vmem>>, vector<1x16xf32>,
      %parallel_loop3A_271 = arith.index_cast %parallel_loop3A_261 : i32 to index
      %parallel_loop3A_272 = arith.constant 16 : index
      %parallel_loop3A_273 = tpu.vector_load %arg11[%parallel_loop3A_271, %parallel_loop3A_272] {strides = array<i32>} : memref<64x128xf32, #tpu.memory_space<vmem>>, vector<1x16xf32>,
      %parallel_loop3A_274 = vector.shape_cast %parallel_loop3A_273 : vector<1x16xf32> to vector<16xf32>
      %parallel_loop3A_275 = arith.index_cast %parallel_loop3A_261 : i32 to index
      %parallel_loop3A_276 = arith.constant 16 : index
      %parallel_loop3A_277 = tpu.vector_load %arg12[%parallel_loop3A_275, %parallel_loop3A_276] {strides = array<i32>} : memref<64x128xf32, #tpu.memory_space<vmem>>, vector<1x16xf32>,
      %parallel_loop3A_278 = vector.shape_cast %parallel_loop3A_277 : vector<1x16xf32> to vector<16xf32>
      %parallel_loop3A_279 = vector.shape_cast %parallel_loop3A_274 : vector<16xf32> to vector<1x16xf32>
      tpu.vector_store %arg12[%parallel_loop3A_275, %parallel_loop3A_276], %parallel_loop3A_279 {add = true, strides = array<i32>} : memref<64x128xf32, #tpu.memory_space<vmem>>, vector<1x16xf32>,
      %parallel_loop3A_280 = arith.index_cast %parallel_loop3A_261 : i32 to index
      %parallel_loop3A_281 = arith.constant 32 : index
      %parallel_loop3A_282 = tpu.vector_load %arg11[%parallel_loop3A_280, %parallel_loop3A_281] {strides = array<i32>} : memref<64x128xf32, #tpu.memory_space<vmem>>, vector<1x16xf32>,
      %parallel_loop3A_283 = vector.shape_cast %parallel_loop3A_282 : vector<1x16xf32> to vector<16xf32>
      %parallel_loop3A_284 = arith.index_cast %parallel_loop3A_261 : i32 to index
      %parallel_loop3A_285 = arith.constant 32 : index
      %parallel_loop3A_286 = tpu.vector_load %arg12[%parallel_loop3A_284, %parallel_loop3A_285] {strides = array<i32>} : memref<64x128xf32, #tpu.memory_space<vmem>>, vector<1x16xf32>,
      %parallel_loop3A_287 = vector.shape_cast %parallel_loop3A_286 : vector<1x16xf32> to vector<16xf32>
      %parallel_loop3A_288 = vector.shape_cast %parallel_loop3A_283 : vector<16xf32> to vector<1x16xf32>
      tpu.vector_store %arg12[%parallel_loop3A_284, %parallel_loop3A_285], %parallel_loop3A_288 {add = true, strides = array<i32>} : memref<64x128xf32, #tpu.memory_space<vmem>>, vector<1x16xf32>,
      %parallel_loop3A_289 = arith.index_cast %parallel_loop3A_261 : i32 to index
      %parallel_loop3A_290 = arith.constant 48 : index
      %parallel_loop3A_291 = tpu.vector_load %arg11[%parallel_loop3A_289, %parallel_loop3A_290] {strides = array<i32>} : memref<64x128xf32, #tpu.memory_space<vmem>>, vector<1x16xf32>,
      %parallel_loop3A_292 = vector.shape_cast %parallel_loop3A_291 : vector<1x16xf32> to vector<16xf32>
      %parallel_loop3A_293 = arith.index_cast %parallel_loop3A_261 : i32 to index
      %parallel_loop3A_294 = arith.constant 48 : index
      %parallel_loop3A_295 = tpu.vector_load %arg12[%parallel_loop3A_293, %parallel_loop3A_294] {strides = array<i32>} : memref<64x128xf32, #tpu.memory_space<vmem>>, vector<1x16xf32>,
      %parallel_loop3A_296 = vector.shape_cast %parallel_loop3A_295 : vector<1x16xf32> to vector<16xf32>
      %parallel_loop3A_297 = vector.shape_cast %parallel_loop3A_292 : vector<16xf32> to vector<1x16xf32>
      tpu.vector_store %arg12[%parallel_loop3A_293, %parallel_loop3A_294], %parallel_loop3A_297 {add = true, strides = array<i32>} : memref<64x128xf32, #tpu.memory_space<vmem>>, vector<1x16xf32>,
      %parallel_loop3A_298 = arith.index_cast %parallel_loop3A_261 : i32 to index
      %parallel_loop3A_299 = arith.constant 64 : index
      %parallel_loop3A_300 = tpu.vector_load %arg11[%parallel_loop3A_298, %parallel_loop3A_299] {strides = array<i32>} : memref<64x128xf32, #tpu.memory_space<vmem>>, vector<1x16xf32>,
      %parallel_loop3A_301 = vector.shape_cast %parallel_loop3A_300 : vector<1x16xf32> to vector<16xf32>
      %parallel_loop3A_302 = arith.index_cast %parallel_loop3A_261 : i32 to index
      %parallel_loop3A_303 = arith.constant 64 : index
      %parallel_loop3A_304 = tpu.vector_load %arg12[%parallel_loop3A_302, %parallel_loop3A_303] {strides = array<i32>} : memref<64x128xf32, #tpu.memory_space<vmem>>, vector<1x16xf32>,
      %parallel_loop3A_305 = vector.shape_cast %parallel_loop3A_304 : vector<1x16xf32> to vector<16xf32>
      %parallel_loop3A_306 = vector.shape_cast %parallel_loop3A_301 : vector<16xf32> to vector<1x16xf32>
      tpu.vector_store %arg12[%parallel_loop3A_302, %parallel_loop3A_303], %parallel_loop3A_306 {add = true, strides = array<i32>} : memref<64x128xf32, #tpu.memory_space<vmem>>, vector<1x16xf32>,
      %parallel_loop3A_307 = arith.index_cast %parallel_loop3A_261 : i32 to index
      %parallel_loop3A_308 = arith.constant 80 : index
      %parallel_loop3A_309 = tpu.vector_load %arg11[%parallel_loop3A_307, %parallel_loop3A_308] {strides = array<i32>} : memref<64x128xf32, #tpu.memory_space<vmem>>, vector<1x16xf32>,
      %parallel_loop3A_310 = vector.shape_cast %parallel_loop3A_309 : vector<1x16xf32> to vector<16xf32>
      %parallel_loop3A_311 = arith.index_cast %parallel_loop3A_261 : i32 to index
      %parallel_loop3A_312 = arith.constant 80 : index
      %parallel_loop3A_313 = tpu.vector_load %arg12[%parallel_loop3A_311, %parallel_loop3A_312] {strides = array<i32>} : memref<64x128xf32, #tpu.memory_space<vmem>>, vector<1x16xf32>,
      %parallel_loop3A_314 = vector.shape_cast %parallel_loop3A_313 : vector<1x16xf32> to vector<16xf32>
      %parallel_loop3A_315 = vector.shape_cast %parallel_loop3A_310 : vector<16xf32> to vector<1x16xf32>
      tpu.vector_store %arg12[%parallel_loop3A_311, %parallel_loop3A_312], %parallel_loop3A_315 {add = true, strides = array<i32>} : memref<64x128xf32, #tpu.memory_space<vmem>>, vector<1x16xf32>,
      %parallel_loop3A_316 = arith.index_cast %parallel_loop3A_261 : i32 to index
      %parallel_loop3A_317 = arith.constant 96 : index
      %parallel_loop3A_318 = tpu.vector_load %arg11[%parallel_loop3A_316, %parallel_loop3A_317] {strides = array<i32>} : memref<64x128xf32, #tpu.memory_space<vmem>>, vector<1x16xf32>,
      %parallel_loop3A_319 = vector.shape_cast %parallel_loop3A_318 : vector<1x16xf32> to vector<16xf32>
      %parallel_loop3A_320 = arith.index_cast %parallel_loop3A_261 : i32 to index
      %parallel_loop3A_321 = arith.constant 96 : index
      %parallel_loop3A_322 = tpu.vector_load %arg12[%parallel_loop3A_320, %parallel_loop3A_321] {strides = array<i32>} : memref<64x128xf32, #tpu.memory_space<vmem>>, vector<1x16xf32>,
      %parallel_loop3A_323 = vector.shape_cast %parallel_loop3A_322 : vector<1x16xf32> to vector<16xf32>
      %parallel_loop3A_324 = vector.shape_cast %parallel_loop3A_319 : vector<16xf32> to vector<1x16xf32>
      tpu.vector_store %arg12[%parallel_loop3A_320, %parallel_loop3A_321], %parallel_loop3A_324 {add = true, strides = array<i32>} : memref<64x128xf32, #tpu.memory_space<vmem>>, vector<1x16xf32>,
      %parallel_loop3A_325 = arith.index_cast %parallel_loop3A_261 : i32 to index
      %parallel_loop3A_326 = arith.constant 112 : index
      %parallel_loop3A_327 = tpu.vector_load %arg11[%parallel_loop3A_325, %parallel_loop3A_326] {strides = array<i32>} : memref<64x128xf32, #tpu.memory_space<vmem>>, vector<1x16xf32>,
      %parallel_loop3A_328 = vector.shape_cast %parallel_loop3A_327 : vector<1x16xf32> to vector<16xf32>
      %parallel_loop3A_329 = arith.index_cast %parallel_loop3A_261 : i32 to index
      %parallel_loop3A_330 = arith.constant 112 : index
      %parallel_loop3A_331 = tpu.vector_load %arg12[%parallel_loop3A_329, %parallel_loop3A_330] {strides = array<i32>} : memref<64x128xf32, #tpu.memory_space<vmem>>, vector<1x16xf32>,
      %parallel_loop3A_332 = vector.shape_cast %parallel_loop3A_331 : vector<1x16xf32> to vector<16xf32>
      %parallel_loop3A_333 = vector.shape_cast %parallel_loop3A_328 : vector<16xf32> to vector<1x16xf32>
      tpu.vector_store %arg12[%parallel_loop3A_329, %parallel_loop3A_330], %parallel_loop3A_333 {add = true, strides = array<i32>} : memref<64x128xf32, #tpu.memory_space<vmem>>, vector<1x16xf32>,
    } {sc.loop_unroll_factor = 8 : i64, sc.parallel_access}
    %mul3A_231 = arith.constant 256 : i32
    %mul3A_232 = arith.muli %add3A, %mul3A_231 : i32
    %add3A_233 = arith.constant 255 : i32
    %add3A_234 = arith.addi %mul3A_232, %add3A_233 : i32
    %mul3A_235 = arith.constant 64 : i32
    %mul3A_236 = arith.muli %add3A_234, %mul3A_235 : i32
    %dma_start3A_237 = arith.constant 0 : i32
    %dma_start3A_238 = tpu.memref_slice %arg7[%mul3A_236, %dma_start3A_237] : memref<524288x128xf32, #tpu.memory_space<hbm>> -> memref<64x128xf32, #tpu.memory_space<hbm>>
    %dma_start3A_239 = arith.constant 0 : i32
    %dma_start3A_240 = tpu.memref_slice %arg7[%mul3A_236, %dma_start3A_239] : memref<524288x128xf32, #tpu.memory_space<hbm>> -> memref<64x128xf32, #tpu.memory_space<hbm>>
    tpu.enqueue_dma source(%arg12 : memref<64x128xf32, #tpu.memory_space<vmem>>) target(%dma_start3A_240 : memref<64x128xf32, #tpu.memory_space<hbm>>) target_semaphore(%arg19 : memref<!tpu.dma_semaphore, #tpu.memory_space<semaphore_mem>>)
    %mul3A_241 = arith.constant 256 : i32
    %mul3A_242 = arith.muli %add3A, %mul3A_241 : i32
    %add3A_243 = arith.constant 254 : i32
    %add3A_244 = arith.addi %mul3A_242, %add3A_243 : i32
    %mul3A_245 = arith.constant 64 : i32
    %mul3A_246 = arith.muli %add3A_244, %mul3A_245 : i32
    %dma_wait3A_247 = arith.constant 0 : i32
    %dma_wait3A_248 = tpu.memref_slice %arg7[%mul3A_246, %dma_wait3A_247] : memref<524288x128xf32, #tpu.memory_space<hbm>> -> memref<64x128xf32, #tpu.memory_space<hbm>>
    %dma_wait3A_249 = arith.constant 0 : i32
    %dma_wait3A_250 = tpu.memref_slice %arg7[%mul3A_246, %dma_wait3A_249] : memref<524288x128xf32, #tpu.memory_space<hbm>> -> memref<64x128xf32, #tpu.memory_space<hbm>>
    tpu.wait_dma2 semaphore(%arg25 : memref<!tpu.dma_semaphore, #tpu.memory_space<semaphore_mem>>) src(%arg16 : memref<64x128xf32, #tpu.memory_space<vmem>>) dst(%dma_wait3A_250 : memref<64x128xf32, #tpu.memory_space<hbm>>)
    %mul3A_251 = arith.constant 256 : i32
    %mul3A_252 = arith.muli %add3A, %mul3A_251 : i32
    %add3A_253 = arith.constant 255 : i32
    %add3A_254 = arith.addi %mul3A_252, %add3A_253 : i32
    %mul3A_255 = arith.constant 64 : i32
    %mul3A_256 = arith.muli %add3A_254, %mul3A_255 : i32
    %dma_wait3A_257 = arith.constant 0 : i32
    %dma_wait3A_258 = tpu.memref_slice %arg7[%mul3A_256, %dma_wait3A_257] : memref<524288x128xf32, #tpu.memory_space<hbm>> -> memref<64x128xf32, #tpu.memory_space<hbm>>
    %dma_wait3A_259 = arith.constant 0 : i32
    %dma_wait3A_260 = tpu.memref_slice %arg7[%mul3A_256, %dma_wait3A_259] : memref<524288x128xf32, #tpu.memory_space<hbm>> -> memref<64x128xf32, #tpu.memory_space<hbm>>
    tpu.wait_dma2 semaphore(%arg19 : memref<!tpu.dma_semaphore, #tpu.memory_space<semaphore_mem>>) src(%arg12 : memref<64x128xf32, #tpu.memory_space<vmem>>) dst(%dma_wait3A_260 : memref<64x128xf32, #tpu.memory_space<hbm>>)
    return
  }
}

</mosaic_0001>

<sc_bundles>
// kernel: kernel.3.cloned.1.call-start
scs
__scs_entry_jumppad:
0x0: {  	(pc) =	sbr.rel $0x88, $3  }
0x1: {  	(tag) =	ssettag $0x0;
	lr =	simm.s32 $0x1  }
0x2: {  	[smem:$0x3F9C] =	sst lr;
	_ =	strace $0xD0000000  }
0x3: {  	_ = 	snop  }
0x4: {  	_ = 	snop  }
0x5: {  	_ = 	snop  }
0x6: {  	_ = 	snop  }
0x7: {  	_ = 	snop  }
__scs_overlays_trampoline_lowered:
0x8: {  	[smem:$0x3FAB] =	sst s0  }
0x9: {  	[smem:$0x3FAC] =	sst s1  }
0xa: {  	[smem:$0x3FAD] =	sst s2  }
0xb: {  	[smem:$0x3FAE] =	sst s3  }
0xc: {  	[smem:$0x3FAF] =	sst s4  }
0xd: {  	[smem:$0x3FB0] =	sst s5  }
0xe: {  	[smem:$0x3FB1] =	sst s6  }
0xf: {  	[smem:$0x3FB2] =	sst s7  }
0x10: {  	[smem:$0x3FB3] =	sst s8  }
0x11: {  	[smem:$0x3FB4] =	sst s9;
	s0 =	simm.s32 @!p0 $0x0  }
0x12: {  	s1 =	sld [smem:$0x3F9A];
	s0 =	simm.s32 @p0 $0x1  }
0x13: {  	[smem:$0x3FB5] =	sst s0;
	s0 =	simm.s32 @!p1 $0x0  }
0x14: {  	s2 =	sld [smem:$0x3F99];
	s0 =	simm.s32 @p1 $0x1  }
0x15: {  	[smem:$0x3FB6] =	sst s0;
	s0 =	simm.s32 @!p2 $0x0  }
0x16: {  	s3 =	sld [smem:$0x3FDB];
	s0 =	simm.s32 @p2 $0x1  }
0x17: {  	s4 =	simm.s32 $0x1BF5;
	[smem:$0x3FB8] =	sst s0  }
0x18: {  	s0 =	sld [smem:$0x3F9B];
	_ =	swait.ge [sflag:s4], $0x0  }
0x19: {  	s7 =	sld [smem:$0x3F9C]  }
0x1a: {  	s8 =	sadd.s32 $0xFFFFE003, lr  }
0x1b: {  	s9 =	sadd.s32 $0xFFFFFEF7, lr;
	s5 =	simm.s32 $0xFFFFFFFF;
	p2 =	slt.u32 s8, $0xFFFFF086  }
0x1c: {  	p1 =	slt.u32 s9, $0xF7A;
	s5 =	simm.s32 @!p2 $0x0  }
0x1d: {  	s5 =	simm.s32 @p1 $0x1;
	p0 =	seq.s32 s7, s2  }
0x1e: {  	s7 =	smul.u32 @!p0 $0xF7A, s2;
	p2 =	seq.s32 @!p0 s5, $0x0  }
0x1f: {  	s9 =	smul.u32 $0xF7A, s1;
	s8 =	simm.s32 @!p0 $0x1BF5;
	p2 =	por !p2, p0  }
0x20: {  	[sflag:s8] =	ssyncset.s32 @!p0 $0xFFFFF086;
	s6 =	sadd.s32 @!p0 s3, s7;
	s7 =	simm.s32 @!p0 $0x108  }
0x21: {  	s3 =	sadd.s32 s3, s9;
	s6 =	sadd.s32 @!p0 $0x88, s6;
	s7 =	simm.s32 @p2 $0x1082  }
0x22: {  	[simem:s7], [sflag:s8] =	dma.local @!p0 [hbm:s6], $0xF7A  }
0x23: {  	s9 =	sor.u32 $0xD0000000, s2;
	s6 =	simm.s32 $0x108;
	_ =	swait.ge @!p0 [sflag:s8], $0x0  }
0x24: {  	s3 =	sadd.s32 $0x88, s3;
	s6 =	simm.s32 @!p1 $0x1082;
	[sflag:s4] =	ssyncset.s32 $0xFFFFF086  }
0x25: {  	[simem:s6], [sflag:s4] =	dma.local [hbm:s3], $0xF7A  }
0x26: {  	[smem:$0x3F9C] =	sst s1;
	(tag) =	ssettag s2;
	_ =	strace s9  }
0x27: {  	s1 =	sld [smem:$0x3FAC]  }
0x28: {  	s2 =	sld [smem:$0x3FAD]  }
0x29: {  	s4 =	sld [smem:$0x3FAF]  }
0x2a: {  	p0 =	seq.s32 s5, $0x0;
	s5 =	sld [smem:$0x3FB0]  }
0x2b: {  	s6 =	sld [smem:$0x3FB1]  }
0x2c: {  	s7 =	sld [smem:$0x3FB2]  }
0x2d: {  	s3 =	simm.s32 $0x108;
	s8 =	sld [smem:$0x3FB3]  }
0x2e: {  	s3 =	simm.s32 @!p0 $0x1082;
	s9 =	sld [smem:$0x3FB4]  }
0x2f: {  	lr =	sadd.s32 s0, s3;
	s0 =	sld [smem:$0x3FAB]  }
0x30: {  	s3 =	sld [smem:$0x3FAE]  }
0x31: {  	[smem:$0x3FB7] =	sst s10  }
0x32: {  	s10 =	sld [smem:$0x3FB5];
	_ =	sdelay $0x3  }
0x33: {  	p0 =	seq.s32 s10, $0x1;
	s10 =	sld [smem:$0x3FB7];
	_ =	sdelay $0x3  }
0x34: {  	[smem:$0x3FB7] =	sst s10  }
0x35: {  	s10 =	sld [smem:$0x3FB6];
	_ =	sdelay $0x3  }
0x36: {  	p1 =	seq.s32 s10, $0x1;
	s10 =	sld [smem:$0x3FB7];
	_ =	sdelay $0x3  }
0x37: {  	[smem:$0x3FB7] =	sst s10  }
0x38: {  	s10 =	sld [smem:$0x3FB8]  }
0x39: {  	_ = 	snop;
	(pc) =	sbr.ind lr, $3  }
0x3a: {  	_ = 	snop  }
0x3b: {  	_ = 	snop  }
0x3c: {  	p2 =	seq.s32 s10, $0x1;
	s10 =	sld [smem:$0x3FB7]  }
0x3d: {  	_ =	shalt  }
0x3e: {  	_ =	shalt  }
0x3f: {  	_ =	shalt  }
0x40: {  	_ =	shalt  }
0x41: {  	_ =	shalt  }
0x42: {  	_ =	shalt  }
0x43: {  	_ =	shalt  }
0x44: {  	_ =	shalt  }
0x45: {  	_ =	shalt  }
0x46: {  	_ =	shalt  }
0x47: {  	_ =	shalt  }
0x48: {  	_ =	shalt  }
0x49: {  	_ =	shalt  }
0x4a: {  	_ =	shalt  }
0x4b: {  	_ =	shalt  }
0x4c: {  	_ =	shalt  }
0x4d: {  	_ =	shalt  }
0x4e: {  	_ =	shalt  }
0x4f: {  	_ =	shalt  }
0x50: {  	_ =	shalt  }
0x51: {  	_ =	shalt  }
0x52: {  	_ =	shalt  }
0x53: {  	_ =	shalt  }
0x54: {  	_ =	shalt  }
0x55: {  	_ =	shalt  }
0x56: {  	_ =	shalt  }
0x57: {  	_ =	shalt  }
0x58: {  	_ =	shalt  }
0x59: {  	_ =	shalt  }
0x5a: {  	_ =	shalt  }
0x5b: {  	_ =	shalt  }
0x5c: {  	_ =	shalt  }
0x5d: {  	_ =	shalt  }
0x5e: {  	_ =	shalt  }
0x5f: {  	_ =	shalt  }
0x60: {  	_ =	shalt  }
0x61: {  	_ =	shalt  }
0x62: {  	_ =	shalt  }
0x63: {  	_ =	shalt  }
0x64: {  	_ =	shalt  }
0x65: {  	_ =	shalt  }
0x66: {  	_ =	shalt  }
0x67: {  	_ =	shalt  }
0x68: {  	_ =	shalt  }
0x69: {  	_ =	shalt  }
0x6a: {  	_ =	shalt  }
0x6b: {  	_ =	shalt  }
0x6c: {  	_ =	shalt  }
0x6d: {  	_ =	shalt  }
0x6e: {  	_ =	shalt  }
0x6f: {  	_ =	shalt  }
0x70: {  	_ =	shalt  }
0x71: {  	_ =	shalt  }
0x72: {  	_ =	shalt  }
0x73: {  	_ =	shalt  }
0x74: {  	_ =	shalt  }
0x75: {  	_ =	shalt  }
0x76: {  	_ =	shalt  }
0x77: {  	_ =	shalt  }
0x78: {  	_ =	shalt  }
0x79: {  	_ =	shalt  }
0x7a: {  	_ =	shalt  }
0x7b: {  	_ =	shalt  }
0x7c: {  	_ =	shalt  }
0x7d: {  	_ =	shalt  }
0x7e: {  	_ =	shalt  }
0x7f: {  	_ =	shalt  }
0x80: {  	_ =	shalt  }
0x81: {  	_ =	shalt  }
0x82: {  	_ =	shalt  }
0x83: {  	_ =	shalt  }
0x84: {  	_ =	shalt  }
0x85: {  	_ =	shalt  }
0x86: {  	_ =	shalt  }
0x87: {  	_ =	shalt  }
.Lfunc_end0:
.L_simem_size_0:
called_computation_lowered:
.L_overlay_start_0:
0x88: {  	s2 =	sld [smem:$0x3FD9]  }
0x89: {  	s3 =	sld [smem:$0x3FFE];
	_ =	sdelay $0x1  }
0x8a: {  	s1 =	srdreg.scid  }
0x8b: {  	s0 =	sand.u32 $0x1, s1  }
0x8c: {  	s17 =	sshll.u32 s0, $0xA;
	s2 =	sadd.s32 s3, s2  }
0x8d: {  	s2 =	sadd.s32 s2, s17  }
0x8e: {  	[smem:$0x3FC3] =	sst s2  }
0x8f: {  	_ = 	snop  }
0x90: {  	s2 =	sld [smem:$0x3FC7]  }
0x91: {  	s18 =	sld [smem:$0x3FC6]  }
0x92: {  	s4 =	sld [smem:$0x3FC5]  }
0x93: {  	s5 =	sld [smem:$0x3FD0];
	(tm) =	ssettm $0x1  }
0x94: {  	s6 =	sld [smem:$0x3FFB];
	_ =	sdelay $0x3  }
0x95: {  	_ =	strace s6  }
0x96: {  	s6 =	sld [smem:$0x3FFC];
	_ =	sdelay $0x3  }
0x97: {  	_ =	strace s6  }
0x98: {  	s6 =	sld [smem:$0x3FFD];
	_ =	sdelay $0x3  }
0x99: {  	_ =	strace s6  }
0x9a: {  	_ =	strace $0x8FFFFFFF  }
0x9b: {  	s19 =	sld [smem:$0x3FDB];
	_ =	sdelay $0x1  }
0x9c: {  	s7 =	simm.s32 $_scs_section_size  }
0x9d: {  	s8 =	simm.s32 $_size__tile_overlayer_lowered;
	s9 =	simm.s32 $_tile_overlayer_lowered  }
0x9e: {  	s22 =	simm.s32 $0x1BFF;
	s21 =	sshll.u32 s9, $0x1;
	s6 =	sadd.s32 s7, s19  }
0x9f: {  	s10 =	simm.s32 $0x0;
	s20 =	sshll.u32 s8, $0x1;
	s8 =	sadd.s32 s21, s6  }
0xa0: {  	[timem:s10], [sflag:s22] =	dma.local [hbm:s8], s20  }
0xa1: {  	_ =	swait.ge [sflag:s22], s20  }
0xa2: {  	s7 =	ssub.s32 $0x0, s20;
	[sflag:s22] =	ssyncset.done $0x0  }
0xa3: {  	[sflag:s22] =	ssyncadd.s32 s7;
	_ =	sdelay $0x1  }
0xa4: {  	s23 =	simm.s32 $0x1B8B  }
0xa5: {  	_ =	swait.ge [sflag:s23], $0x1  }
0xa6: {  	[sflag:s23] =	ssyncset.done $0x0  }
0xa7: {  	s25 =	simm.s32 $0x1B8E;
	s24 =	sld [smem:$0x3FFE];
	[sflag:s23] =	ssyncadd.s32 $0xFFFFFFFF  }
0xa8: {  	s26 =	simm.s32 $execute0_lowered;
	[smem:$0x3FD2] =	sst s25  }
0xa9: {  	s8 =	sshll.u32 s26, $0x1;
	_ =	strace $0x80000046;
	[dreg:$0x1] =	wrdreg $0xFFFFFFFF  }
0xaa: {  	s28 =	simm.s32 $_size_execute0_lowered;
	s6 =	sadd.s32 s6, s8;
	[dreg:$0x0] =	wrdreg $0x0  }
0xab: {  	s8 =	sshll.u32 s28, $0x1;
	[dreg:$0x2] =	wrdreg s6  }
0xac: {  	[dreg:$0x3] =	wrdreg s8  }
0xad: {  	[dreg:$0x4] =	wrdreg $0xC0  }
0xae: {  	_ =	task [dreg:s10], $0x5FFFF  }
0xaf: {  	[dreg:$0x1] =	wrdreg $0xFFFFFFFF  }
0xb0: {  	[dreg:$0x0] =	wrdreg $0x60  }
0xb1: {  	[dreg:$0x2] =	wrdreg s2  }
0xb2: {  	[dreg:$0x3] =	wrdreg s18  }
0xb3: {  	[dreg:$0x4] =	wrdreg s4  }
0xb4: {  	[dreg:$0x5] =	wrdreg s24  }
0xb5: {  	[dreg:$0x6] =	wrdreg s5  }
0xb6: {  	[dreg:$0x7] =	wrdreg $0x0  }
0xb7: {  	[dreg:$0x8] =	wrdreg $0x9  }
0xb8: {  	_ =	task.clear_ibuf [dreg:s10], $0x9FFFF;
	_ =	strace $0x90000046  }
0xb9: {  	s29 =	simm.s32 $0x9;
	_ =	strace $0x80000048  }
0xba: {  	_ =	swait.ge [sflag:s29], $0x1  }
0xbb: {  	[sflag:s29] =	ssyncadd.s32 $0xFFFFFFFF  }
0xbc: {  	_ =	strace $0x90000048  }
0xbd: {  	_ =	sfence  }
0xbe: {  	s30 =	sld [smem:$0x0];
	_ =	sdelay $0x2  }
0xbf: {  	s31 =	sshll.u32 s1, $0xD;
	s1 =	sshrl.u32 s1, $0x2  }
0xc0: {  	s3 =	sand.u32 $0x4000, s31;
	s1 =	sadd.s32 s1, s30  }
0xc1: {  	s0 =	sor.u32 s3, s0;
	s1 =	sshll.u32 s1, $0x11  }
0xc2: {  	s0 =	sor.u32 s1, s0  }
0xc3: {  	s0 =	sadd.s32 $0x8F2B, s0  }
0xc4: {  	[sflag:s0] =	ssyncadd.remote.s32 $0x1  }
0xc5: {  	_ =	sfence.sel $0xFFFF  }
0xc6: {  	[dreg:$0x0] =	wrdreg $0xFFFFFFFF;
	(pc) =	sbr.abs _section_cstart, $3  }
0xc7: {  	[dreg:$0x1] =	wrdreg $0xFFFFFFFF  }
0xc8: {  	_ =	task.clear_ibuf [dreg:s10], $0x2FFFF;
	_ =	strace $0x9FFFFFFF  }
0xc9: {  	(tm) =	ssettm $0x7FFFFFFF  }
tec
execute0_lowered:
.L_overlay_start_1:
0x0: {  	(tag) =	ssettag $0x1  }
0x1: {  	s0 =	rddreg [dreg:$0x0]  }
0x2: {  	s1 =	rddreg [dreg:$0x1]  }
0x3: {  	s2 =	rddreg [dreg:$0x3]  }
0x4: {  	s4 =	rddreg [dreg:$0x4];
	s3 =	srdreg.scid  }
0x5: {  	s10 =	stileid.u32;
	s5 =	rddreg [dreg:$0x5];
	s6 =	simm.s32 $0x0  }
0x6: {  	s17 =	simm.s32 $0xA;
	s28 =	simm.s32 $0x40;
	s31 =	simm.s32 $0x1C000  }
0x7: {  	s29 =	simm.s32 $0x2;
	s13 =	simm.s32 $0x0;
	s3 =	sand.u32 $0x1, s3  }
0x8: {  	s7 =	sshll.u32 s10, $0x1;
	[smem:$0x7FF] =	sst s6;
	s9 =	sshll.u32 s10, $0xA  }
0x9: {  	s21 =	sshll.u32 s10, $0x4;
	s22 =	sshll.u32 s10, $0xD;
	s10 =	simm.s32 $0x9  }
0xa: {  	s8 =	sor.u32 s3, s7;
	s3 =	ssub.s32 $0x2, s3;
	_ =	strace $0x80000047  }
0xb: {  	s20 =	sand.u32 $0x1C00, s9;
	s23 =	sadd.s32 s22, s5;
	s22 =	simm.s32 $0x12000  }
0xc: {  	s9 =	simm.s32 $0x6;
	s7 =	sshll.u32 s8, $0xC;
	s19 =	sshrl.u32 s3, $0x1  }
0xd: {  	s1 =	sadd.s32 s1, s20;
	[dreg:$0xa] =	wrdreg s23;
	s24 =	sshll.u32 s8, $0x12  }
0xe: {  	s20 =	simm.s32 $0x3;
	s2 =	sadd.s32 s7, s2;
	s3 =	ssub.s32 s3, s19  }
0xf: {  	s7 =	sshll.u32 s8, $0x8;
	[dreg:$0x9] =	wrdreg s1;
	s1 =	sadd.s32 s4, s24  }
0x10: {  	s24 =	simm.s32 $0x14000;
	s11 =	sadd.s32 $0x600, s2;
	[dreg:$0xb] =	wrdreg s1  }
0x11: {  	s8 =	simm.s32 $0x8;
	s2 =	sadd.s32 $0x20600, s2;
	[dreg:$0x7] =	wrdreg s11  }
0x12: {  	s14 =	sor.u32 $0x1, s7;
	s25 =	sadd.s32 $0x3F400, s1;
	[dreg:$0x8] =	wrdreg s2  }
0x13: {  	s15 =	sor.u32 $0x2, s7;
	s26 =	sadd.s32 $0x3F800, s1;
	[dreg:$0xc] =	wrdreg s25  }
0x14: {  	s1 =	sadd.s32 $0x3FC00, s1;
	s30 =	smax.u32 s3, $0x1;
	[dreg:$0xd] =	wrdreg s26  }
0x15: {  	s3 =	simm.s32 $0x18000;
	s11 =	sand.u32 $0x80, s21;
	[dreg:$0xe] =	wrdreg s1  }
0x16: {  	[dreg:$0xf] =	wrdreg s30;
	s25 =	simm.s32 $0x4;
	s26 =	simm.s32 $0x5  }
0x17: {  	v0 =	vlaneseq.u32;
	s2 =	simm.s32 $0x1A000;
	s1 =	simm.s32 $0x1;
	s21 =	simm.s32 $0x7  }
.LBB2_1:
0x18: {  	[dreg:$0x10] =	wrdreg s13  }
0x19: {  	s12 =	rddreg [dreg:$0x7];
	s16 =	simm.s32 $0x2000  }
0x1a: {  	[tilespmem:s16], [sflag:$0x4] =	stream.linear.gather [hbm4b:s12+s6], $0x8000, $0x38;
	[tilespmem:$0x1E000] =	vst v63  }
0x1b: {  	s18 =	rddreg [dreg:$0x8];
	s19 =	simm.s32 $0xA000  }
0x1c: {  	[tilespmem:s19], [sflag:$0x5] =	stream.linear.gather [hbm4b:s18+s6], $0x8000, $0x38;
	[tilespmem:$0x1E000] =	vst v63  }
0x1d: {  	s23 =	rddreg [dreg:$0x2]  }
0x1e: {  	[tilespmem:s22], [sflag:$0xA] =	stream.linear.gather [hbm4b:s23+s6], $0x100, $0x38;
	[tilespmem:$0x1E000] =	vst v63  }
0x1f: {  	_ =	swait.ge [sflag:s17], $0x100  }
0x20: {  	[sflag:s17] =	ssyncset.done $0x0  }
0x21: {  	s30 =	rddreg [dreg:$0x9];
	[sflag:s17] =	ssyncadd.s32 $0xFFFFFF00  }
0x22: {  	[tilespmem:s24], [sflag:$0xA] =	stream.linear.gather [hbm4b:s30+s6], $0x2000, $0x38;
	[tilespmem:$0x1E000] =	vst v63  }
0x23: {  	_ =	swait.ge [sflag:s17], $0x2000  }
0x24: {  	[sflag:s17] =	ssyncset.done $0x0  }
0x25: {  	s12 =	simm.s32 $0x14080;
	[sflag:s17] =	ssyncadd.s32 $0xFFFFE000  }
0x26: {  	v1 =	vld [tilespmem:s12+$0xFFFFFF80]  }
0x27: {  	v2 =	vld [tilespmem:s11+$0x12000];
	_ =	sdelay $0x4  }
0x28: {  	v1 =	vadd.f32 v2, v1;
	_ =	sdelay $0x1  }
0x29: {  	[tilespmem:s12+$0xFFFFFF80] =	vst v1;
	v1 =	vld [tilespmem:s12+$0xFFFFFF90]  }
0x2a: {  	v2 =	vld [tilespmem:s11+$0x12010];
	_ =	sdelay $0x4  }
0x2b: {  	v1 =	vadd.f32 v2, v1;
	_ =	sdelay $0x1  }
0x2c: {  	[tilespmem:s12+$0xFFFFFF90] =	vst v1;
	v1 =	vld [tilespmem:s12+$0xFFFFFFA0]  }
0x2d: {  	v2 =	vld [tilespmem:s11+$0x12020];
	_ =	sdelay $0x4  }
0x2e: {  	v1 =	vadd.f32 v2, v1;
	_ =	sdelay $0x1  }
0x2f: {  	[tilespmem:s12+$0xFFFFFFA0] =	vst v1;
	v1 =	vld [tilespmem:s12+$0xFFFFFFB0]  }
0x30: {  	v2 =	vld [tilespmem:s11+$0x12030];
	_ =	sdelay $0x4  }
0x31: {  	v1 =	vadd.f32 v2, v1;
	_ =	sdelay $0x1  }
0x32: {  	[tilespmem:s12+$0xFFFFFFB0] =	vst v1;
	v1 =	vld [tilespmem:s12+$0xFFFFFFC0]  }
0x33: {  	v2 =	vld [tilespmem:s11+$0x12040];
	_ =	sdelay $0x4  }
0x34: {  	v1 =	vadd.f32 v2, v1;
	_ =	sdelay $0x1  }
0x35: {  	[tilespmem:s12+$0xFFFFFFC0] =	vst v1;
	v1 =	vld [tilespmem:s12+$0xFFFFFFD0]  }
0x36: {  	v2 =	vld [tilespmem:s11+$0x12050];
	_ =	sdelay $0x4  }
0x37: {  	v1 =	vadd.f32 v2, v1;
	_ =	sdelay $0x1  }
0x38: {  	[tilespmem:s12+$0xFFFFFFD0] =	vst v1;
	v1 =	vld [tilespmem:s12+$0xFFFFFFE0]  }
0x39: {  	v2 =	vld [tilespmem:s11+$0x12060];
	_ =	sdelay $0x4  }
0x3a: {  	v1 =	vadd.f32 v2, v1;
	_ =	sdelay $0x1  }
0x3b: {  	[tilespmem:s12+$0xFFFFFFE0] =	vst v1;
	v1 =	vld [tilespmem:s12+$0xFFFFFFF0]  }
0x3c: {  	v2 =	vld [tilespmem:s11+$0x12070];
	_ =	sdelay $0x4  }
0x3d: {  	v1 =	vadd.f32 v2, v1;
	_ =	sdelay $0x1  }
0x3e: {  	[tilespmem:s12+$0xFFFFFFF0] =	vst v1;
	v1 =	vld [tilespmem:s12+$0x0]  }
0x3f: {  	v2 =	vld [tilespmem:s11+$0x12000];
	_ =	sdelay $0x4  }
0x40: {  	v1 =	vadd.f32 v2, v1;
	_ =	sdelay $0x1  }
0x41: {  	[tilespmem:s12+$0x0] =	vst v1;
	v1 =	vld [tilespmem:s12+$0x10]  }
0x42: {  	v2 =	vld [tilespmem:s11+$0x12010];
	_ =	sdelay $0x4  }
0x43: {  	v1 =	vadd.f32 v2, v1;
	_ =	sdelay $0x1  }
0x44: {  	[tilespmem:s12+$0x10] =	vst v1;
	v1 =	vld [tilespmem:s12+$0x20]  }
0x45: {  	v2 =	vld [tilespmem:s11+$0x12020];
	_ =	sdelay $0x4  }
0x46: {  	v1 =	vadd.f32 v2, v1;
	_ =	sdelay $0x1  }
0x47: {  	[tilespmem:s12+$0x20] =	vst v1;
	v1 =	vld [tilespmem:s12+$0x30]  }
0x48: {  	v2 =	vld [tilespmem:s11+$0x12030];
	_ =	sdelay $0x4  }
0x49: {  	v1 =	vadd.f32 v2, v1;
	_ =	sdelay $0x1  }
0x4a: {  	[tilespmem:s12+$0x30] =	vst v1;
	v1 =	vld [tilespmem:s12+$0x40]  }
0x4b: {  	v2 =	vld [tilespmem:s11+$0x12040];
	_ =	sdelay $0x4  }
0x4c: {  	v1 =	vadd.f32 v2, v1;
	_ =	sdelay $0x1  }
0x4d: {  	[tilespmem:s12+$0x40] =	vst v1;
	v1 =	vld [tilespmem:s12+$0x50]  }
0x4e: {  	v2 =	vld [tilespmem:s11+$0x12050];
	_ =	sdelay $0x4  }
0x4f: {  	v1 =	vadd.f32 v2, v1;
	_ =	sdelay $0x1  }
0x50: {  	[tilespmem:s12+$0x50] =	vst v1;
	v1 =	vld [tilespmem:s12+$0x60]  }
0x51: {  	v2 =	vld [tilespmem:s11+$0x12060];
	_ =	sdelay $0x4  }
0x52: {  	v1 =	vadd.f32 v2, v1;
	_ =	sdelay $0x1  }
0x53: {  	[tilespmem:s12+$0x60] =	vst v1;
	v1 =	vld [tilespmem:s12+$0x70]  }
0x54: {  	v2 =	vld [tilespmem:s11+$0x12070];
	_ =	sdelay $0x4  }
0x55: {  	v1 =	vadd.f32 v2, v1  }
0x56: {  	s13 =	simm.s32 $0x0;
	s16 =	simm.s32 $0x14180  }
.LBB2_2:
0x57: {  	v2 =	vld [tilespmem:s16+$0xFFFFFF80];
	[tilespmem:s12+$0x70] =	vst v1;
	s12 =	smov.u32 s16  }
0x58: {  	s13 =	sadd.s32 $0x2, s13;
	v1 =	vld [tilespmem:s11+$0x12000]  }
0x59: {  	p0 =	slt.u32 s13, $0x3E;
	_ =	sdelay $0x3  }
0x5a: {  	v1 =	vadd.f32 v1, v2;
	_ =	sdelay $0x1  }
0x5b: {  	[tilespmem:s16+$0xFFFFFF80] =	vst v1;
	v1 =	vld [tilespmem:s16+$0xFFFFFF90]  }
0x5c: {  	v2 =	vld [tilespmem:s11+$0x12010];
	_ =	sdelay $0x4  }
0x5d: {  	v1 =	vadd.f32 v2, v1;
	_ =	sdelay $0x1  }
0x5e: {  	[tilespmem:s16+$0xFFFFFF90] =	vst v1;
	v1 =	vld [tilespmem:s16+$0xFFFFFFA0]  }
0x5f: {  	v2 =	vld [tilespmem:s11+$0x12020];
	_ =	sdelay $0x4  }
0x60: {  	v1 =	vadd.f32 v2, v1;
	_ =	sdelay $0x1  }
0x61: {  	[tilespmem:s16+$0xFFFFFFA0] =	vst v1;
	v1 =	vld [tilespmem:s16+$0xFFFFFFB0]  }
0x62: {  	v2 =	vld [tilespmem:s11+$0x12030];
	_ =	sdelay $0x4  }
0x63: {  	v1 =	vadd.f32 v2, v1;
	_ =	sdelay $0x1  }
0x64: {  	[tilespmem:s16+$0xFFFFFFB0] =	vst v1;
	v1 =	vld [tilespmem:s16+$0xFFFFFFC0]  }
0x65: {  	v2 =	vld [tilespmem:s11+$0x12040];
	_ =	sdelay $0x4  }
0x66: {  	v1 =	vadd.f32 v2, v1;
	_ =	sdelay $0x1  }
0x67: {  	[tilespmem:s16+$0xFFFFFFC0] =	vst v1;
	v1 =	vld [tilespmem:s16+$0xFFFFFFD0]  }
0x68: {  	v2 =	vld [tilespmem:s11+$0x12050];
	_ =	sdelay $0x4  }
0x69: {  	v1 =	vadd.f32 v2, v1;
	_ =	sdelay $0x1  }
0x6a: {  	[tilespmem:s16+$0xFFFFFFD0] =	vst v1;
	v1 =	vld [tilespmem:s16+$0xFFFFFFE0]  }
0x6b: {  	v2 =	vld [tilespmem:s11+$0x12060];
	_ =	sdelay $0x4  }
0x6c: {  	v1 =	vadd.f32 v2, v1;
	_ =	sdelay $0x1  }
0x6d: {  	[tilespmem:s16+$0xFFFFFFE0] =	vst v1;
	v1 =	vld [tilespmem:s16+$0xFFFFFFF0]  }
0x6e: {  	v2 =	vld [tilespmem:s11+$0x12070];
	_ =	sdelay $0x4  }
0x6f: {  	v1 =	vadd.f32 v2, v1;
	_ =	sdelay $0x1  }
0x70: {  	[tilespmem:s16+$0xFFFFFFF0] =	vst v1;
	v1 =	vld [tilespmem:s16+$0x0]  }
0x71: {  	v2 =	vld [tilespmem:s11+$0x12000];
	_ =	sdelay $0x4  }
0x72: {  	v1 =	vadd.f32 v2, v1;
	_ =	sdelay $0x1  }
0x73: {  	[tilespmem:s16+$0x0] =	vst v1;
	v1 =	vld [tilespmem:s16+$0x10]  }
0x74: {  	v2 =	vld [tilespmem:s11+$0x12010];
	_ =	sdelay $0x4  }
0x75: {  	v1 =	vadd.f32 v2, v1;
	_ =	sdelay $0x1  }
0x76: {  	[tilespmem:s16+$0x10] =	vst v1;
	v1 =	vld [tilespmem:s16+$0x20]  }
0x77: {  	v2 =	vld [tilespmem:s11+$0x12020];
	_ =	sdelay $0x4  }
0x78: {  	v1 =	vadd.f32 v2, v1;
	_ =	sdelay $0x1  }
0x79: {  	[tilespmem:s16+$0x20] =	vst v1;
	v1 =	vld [tilespmem:s16+$0x30]  }
0x7a: {  	v2 =	vld [tilespmem:s11+$0x12030];
	_ =	sdelay $0x4  }
0x7b: {  	v1 =	vadd.f32 v2, v1;
	_ =	sdelay $0x1  }
0x7c: {  	[tilespmem:s16+$0x30] =	vst v1;
	v1 =	vld [tilespmem:s16+$0x40]  }
0x7d: {  	v2 =	vld [tilespmem:s11+$0x12040];
	_ =	sdelay $0x4  }
0x7e: {  	v1 =	vadd.f32 v2, v1;
	_ =	sdelay $0x1  }
0x7f: {  	[tilespmem:s16+$0x40] =	vst v1;
	v1 =	vld [tilespmem:s16+$0x50]  }
0x80: {  	v2 =	vld [tilespmem:s11+$0x12050];
	_ =	sdelay $0x4  }
0x81: {  	v1 =	vadd.f32 v2, v1;
	_ =	sdelay $0x1  }
0x82: {  	[tilespmem:s16+$0x50] =	vst v1;
	v1 =	vld [tilespmem:s16+$0x60]  }
0x83: {  	v2 =	vld [tilespmem:s11+$0x12060];
	_ =	sdelay $0x4  }
0x84: {  	v1 =	vadd.f32 v2, v1;
	_ =	sdelay $0x1  }
0x85: {  	[tilespmem:s16+$0x60] =	vst v1;
	v1 =	vld [tilespmem:s16+$0x70]  }
0x86: {  	v2 =	vld [tilespmem:s11+$0x12070];
	_ =	sdelay $0x1  }
.Ltmp0:
0x87: {  	(pc) =	sbr.rel @p0 .LBB2_2-.Ltmp0, $3  }
0x88: {  	_ =	sdelay $0x1  }
0x89: {  	v1 =	vadd.f32 v2, v1  }
0x8a: {  	s16 =	sadd.s32 $0x100, s16  }
0x8b: {  	[tilespmem:s12+$0x70] =	vst v1;
	s30 =	rddreg [dreg:$0xa]  }
0x8c: {  	[spmem:s30] =	stream.linear.scatter [tilespmem:s24], [sflag:$0xA], $0x2000, $0x38;
	[tilespmem:$0x1E000] =	vst v63  }
0x8d: {  	_ =	swait.ge [sflag:s17], $0x2000  }
0x8e: {  	[sflag:s17] =	ssyncset.done $0x0  }
0x8f: {  	[sflag:s17] =	ssyncadd.s32 $0xFFFFE000  }
0x90: {  	[bflag:$0x0] =	sbarrier.arrive $0xFFFF  }
0x91: {  	_ =	swait.ge [sflag:s25], $0x8000  }
0x92: {  	[sflag:s25] =	ssyncset.done $0x0  }
0x93: {  	[sflag:s25] =	ssyncadd.s32 $0xFFFF8000  }
0x94: {  	_ =	swait.ge [sflag:s26], $0x8000  }
0x95: {  	[sflag:s26] =	ssyncset.done $0x0  }
0x96: {  	s13 =	simm.s32 $0xA020;
	[sflag:s26] =	ssyncadd.s32 $0xFFFF8000  }
0x97: {  	v3 =	vld [tilespmem:s13+$0xFFFFFFE0]  }
0x98: {  	v2 =	vld [tilespmem:s13+$0x0]  }
0x99: {  	s16 =	simm.s32 $0x0;
	s12 =	simm.s32 $0xA020;
	s17 =	simm.s32 $0x40;
	v1 =	vld [tilespmem:s13+$0x10]  }
.LBB2_4:
0x9a: {  	p0 =	sne.s32 s17, $0x3FC0;
	v4 =	vld [tilespmem:s13+$0xFFFFFFF0];
	_ =	sdelay $0x1  }
0x9b: {  	s18 =	sand.u32 $0x1C0, s16;
	s16 =	smov.u32 s17;
	v3 =	vshll.u32 v3, $0x9  }
0x9c: {  	s19 =	sor.u32 $0x10, s18;
	s23 =	sor.u32 $0x20, s18;
	v3 =	vor.u32 s18, v3;
	v2 =	vshll.u32 v2, $0x9  }
.Ltmp1:
0x9d: {  	s18 =	sor.u32 $0x30, s18;
	v3 =	vor.u32 v0, v3;
	v2 =	vor.u32 s23, v2;
	v1 =	vshll.u32 v1, $0x9;
	(pc) =	sbr.rel @p0 .LBB2_4-.Ltmp1, $4  }
0x9e: {  	s13 =	sadd.s32 $0x80, s13;
	[tilespmem:s12+$0xFFFFFFE0] =	vst v3;
	v4 =	vshll.u32 v4, $0x9;
	v2 =	vor.u32 v0, v2;
	v1 =	vor.u32 s18, v1  }
0x9f: {  	v3 =	vld [tilespmem:s13+$0xFFFFFFE0];
	v4 =	vor.u32 s19, v4;
	[tilespmem:s12+$0x0] =	vst v2;
	v1 =	vor.u32 v0, v1  }
0xa0: {  	v2 =	vld [tilespmem:s13+$0x0];
	v4 =	vor.u32 v0, v4;
	[tilespmem:s12+$0x10] =	vst v1  }
0xa1: {  	s17 =	sadd.s32 $0x40, s17;
	v1 =	vld [tilespmem:s13+$0x10];
	[tilespmem:s12+$0xFFFFFFF0] =	vst v4;
	s12 =	smov.u32 s13  }
0xa2: {  	v4 =	vld [tilespmem:s13+$0xFFFFFFF0];
	_ =	sdelay $0x1  }
0xa3: {  	s23 =	sand.u32 $0x1C0, s16;
	v3 =	vshll.u32 v3, $0x9  }
0xa4: {  	s16 =	sor.u32 $0x20, s23;
	v3 =	vor.u32 s23, v3;
	v2 =	vshll.u32 v2, $0x9  }
0xa5: {  	s30 =	sor.u32 $0x30, s23;
	v3 =	vor.u32 v0, v3;
	v2 =	vor.u32 s16, v2;
	v1 =	vshll.u32 v1, $0x9  }
0xa6: {  	s13 =	sor.u32 $0x10, s23;
	[tilespmem:s12+$0xFFFFFFE0] =	vst v3;
	v3 =	vshll.u32 v4, $0x9;
	v2 =	vor.u32 v0, v2;
	v1 =	vor.u32 s30, v1  }
0xa7: {  	v3 =	vor.u32 s13, v3;
	[tilespmem:s12+$0x0] =	vst v2;
	v1 =	vor.u32 v0, v1  }
0xa8: {  	v2 =	vor.u32 v0, v3;
	[tilespmem:s12+$0x10] =	vst v1  }
0xa9: {  	s13 =	simm.s32 $0x2000;
	[tilespmem:s12+$0xFFFFFFF0] =	vst v2  }
0xaa: {  	[tilespmem:s22], [sflag:$0x1] =	stream.indirect.gather [hbm4b:s0+s28], $0x80, s13, s28, $0xb8;
	[tilespmem:$0x1E000] =	vst v63  }
0xab: {  	s16 =	simm.s32 $0xA000  }
0xac: {  	[tilespmem:s24], [sflag:$0x2] =	stream.indirect.gather [spmem:s5], $0x80, s16, s28, $0xb8;
	[tilespmem:$0x1E000] =	vst v63  }
0xad: {  	s17 =	simm.s32 $0x2080;
	s18 =	simm.s32 $0x16000  }
0xae: {  	[tilespmem:s18], [sflag:$0x4] =	stream.indirect.gather [hbm4b:s0+s28], $0x80, s17, s28, $0xb8;
	[tilespmem:$0x1E000] =	vst v63  }
0xaf: {  	s19 =	simm.s32 $0xA080  }
0xb0: {  	[tilespmem:s3], [sflag:$0x5] =	stream.indirect.gather [spmem:s5], $0x80, s19, s28, $0xb8;
	[tilespmem:$0x1E000] =	vst v63  }
0xb1: {  	s23 =	simm.s32 $0x2100  }
0xb2: {  	[tilespmem:s2], [sflag:$0x7] =	stream.indirect.gather [hbm4b:s0+s28], $0x80, s23, s28, $0xb8;
	[tilespmem:$0x1E000] =	vst v63  }
0xb3: {  	s30 =	simm.s32 $0xA100  }
0xb4: {  	[tilespmem:s31], [sflag:$0x8] =	stream.indirect.gather [spmem:s5], $0x80, s30, s28, $0xb8;
	[tilespmem:$0x1E000] =	vst v63  }
0xb5: {  	_ =	swait.ge [sflag:s1], $0x2000  }
0xb6: {  	[sflag:s1] =	ssyncset.done $0x0  }
0xb7: {  	[sflag:s1] =	ssyncadd.s32 $0xFFFFE000  }
0xb8: {  	_ =	swait.ge [sflag:s29], $0x2000  }
0xb9: {  	[sflag:s29] =	ssyncset.done $0x0  }
0xba: {  	s13 =	simm.s32 $0x0;
	[sflag:s29] =	ssyncadd.s32 $0xFFFFE000  }
0xbb: {  	v1 =	vld [tilespmem:s13+$0x123F0]  }
0xbc: {  	v2 =	vld [tilespmem:s13+$0x12000]  }
0xbd: {  	v3 =	vld [tilespmem:s13+$0x12010]  }
0xbe: {  	v4 =	vld [tilespmem:s13+$0x12020]  }
0xbf: {  	v5 =	vld [tilespmem:s13+$0x12030]  }
0xc0: {  	v6 =	vld [tilespmem:s13+$0x12040]  }
0xc1: {  	v7 =	vld [tilespmem:s13+$0x12050]  }
0xc2: {  	v8 =	vld [tilespmem:s13+$0x12060]  }
0xc3: {  	v9 =	vld [tilespmem:s13+$0x12070]  }
0xc4: {  	v10 =	vld [tilespmem:s13+$0x12080]  }
0xc5: {  	v11 =	vld [tilespmem:s13+$0x12090]  }
0xc6: {  	v12 =	vld [tilespmem:s13+$0x120A0]  }
0xc7: {  	v13 =	vld [tilespmem:s13+$0x120B0]  }
0xc8: {  	v14 =	vld [tilespmem:s13+$0x120C0]  }
0xc9: {  	v15 =	vld [tilespmem:s13+$0x120D0]  }
0xca: {  	v16 =	vld [tilespmem:s13+$0x120E0]  }
0xcb: {  	v17 =	vld [tilespmem:s13+$0x120F0]  }
0xcc: {  	v18 =	vld [tilespmem:s13+$0x12100]  }
0xcd: {  	v19 =	vld [tilespmem:s13+$0x12110]  }
0xce: {  	v20 =	vld [tilespmem:s13+$0x12120]  }
0xcf: {  	v21 =	vld [tilespmem:s13+$0x12130]  }
0xd0: {  	v22 =	vld [tilespmem:s13+$0x12140]  }
0xd1: {  	v23 =	vld [tilespmem:s13+$0x12150]  }
0xd2: {  	v24 =	vld [tilespmem:s13+$0x12160]  }
0xd3: {  	v25 =	vld [tilespmem:s13+$0x12170]  }
0xd4: {  	v26 =	vld [tilespmem:s13+$0x12180]  }
0xd5: {  	v27 =	vld [tilespmem:s13+$0x12190]  }
0xd6: {  	v28 =	vld [tilespmem:s13+$0x121A0]  }
0xd7: {  	v29 =	vld [tilespmem:s13+$0x121B0]  }
0xd8: {  	v30 =	vld [tilespmem:s13+$0x121C0]  }
0xd9: {  	v31 =	vld [tilespmem:s13+$0x121D0]  }
0xda: {  	v32 =	vld [tilespmem:s13+$0x121E0]  }
0xdb: {  	v33 =	vld [tilespmem:s13+$0x121F0]  }
0xdc: {  	v34 =	vld [tilespmem:s13+$0x12200]  }
0xdd: {  	v35 =	vld [tilespmem:s13+$0x12210]  }
0xde: {  	v36 =	vld [tilespmem:s13+$0x12220]  }
0xdf: {  	v37 =	vld [tilespmem:s13+$0x12230]  }
0xe0: {  	v38 =	vld [tilespmem:s13+$0x12240]  }
0xe1: {  	v39 =	vld [tilespmem:s13+$0x12250]  }
0xe2: {  	v40 =	vld [tilespmem:s13+$0x12260]  }
0xe3: {  	v41 =	vld [tilespmem:s13+$0x12270]  }
0xe4: {  	v42 =	vld [tilespmem:s13+$0x12280]  }
0xe5: {  	v43 =	vld [tilespmem:s13+$0x12290]  }
0xe6: {  	v44 =	vld [tilespmem:s13+$0x122A0]  }
0xe7: {  	v45 =	vld [tilespmem:s13+$0x122B0]  }
0xe8: {  	v46 =	vld [tilespmem:s13+$0x122C0]  }
0xe9: {  	v47 =	vld [tilespmem:s13+$0x122D0]  }
0xea: {  	v48 =	vld [tilespmem:s13+$0x122E0]  }
0xeb: {  	v49 =	vld [tilespmem:s13+$0x122F0]  }
0xec: {  	v50 =	vld [tilespmem:s13+$0x12300]  }
0xed: {  	v51 =	vld [tilespmem:s13+$0x12310]  }
0xee: {  	v52 =	vld [tilespmem:s13+$0x12320]  }
0xef: {  	v53 =	vld [tilespmem:s13+$0x12330]  }
0xf0: {  	v54 =	vld [tilespmem:s13+$0x12340]  }
0xf1: {  	v55 =	vld [tilespmem:s13+$0x12350]  }
0xf2: {  	v56 =	vld [tilespmem:s13+$0x12360]  }
0xf3: {  	v57 =	vld [tilespmem:s13+$0x12370]  }
0xf4: {  	v58 =	vld [tilespmem:s13+$0x12380]  }
0xf5: {  	v59 =	vld [tilespmem:s13+$0x12390]  }
0xf6: {  	v60 =	vld [tilespmem:s13+$0x123A0]  }
0xf7: {  	v61 =	vld [tilespmem:s13+$0x123B0]  }
0xf8: {  	v62 =	vld [tilespmem:s13+$0x123C0]  }
0xf9: {  	v63 =	vld [tilespmem:s13+$0x123D0]  }
0xfa: {  	[tilespmem:s13+$0x143F0] =	vst.add.f32.msk $0xffff, v1  }
0xfb: {  	v1 =	vld [tilespmem:s13+$0x123E0]  }
0xfc: {  	[tilespmem:s13+$0x14000] =	vst.add.f32.msk $0xffff, v2  }
0xfd: {  	[tilespmem:s13+$0x14010] =	vst.add.f32.msk $0xffff, v3  }
0xfe: {  	[tilespmem:s13+$0x14020] =	vst.add.f32.msk $0xffff, v4  }
0xff: {  	[tilespmem:s13+$0x14030] =	vst.add.f32.msk $0xffff, v5  }
0x100: {  	[tilespmem:s13+$0x14040] =	vst.add.f32.msk $0xffff, v6  }
0x101: {  	[tilespmem:s13+$0x14050] =	vst.add.f32.msk $0xffff, v7  }
0x102: {  	[tilespmem:s13+$0x14060] =	vst.add.f32.msk $0xffff, v8  }
0x103: {  	[tilespmem:s13+$0x14070] =	vst.add.f32.msk $0xffff, v9  }
0x104: {  	[tilespmem:s13+$0x14080] =	vst.add.f32.msk $0xffff, v10  }
0x105: {  	[tilespmem:s13+$0x14090] =	vst.add.f32.msk $0xffff, v11  }
0x106: {  	[tilespmem:s13+$0x140A0] =	vst.add.f32.msk $0xffff, v12  }
0x107: {  	[tilespmem:s13+$0x140B0] =	vst.add.f32.msk $0xffff, v13  }
0x108: {  	[tilespmem:s13+$0x140C0] =	vst.add.f32.msk $0xffff, v14  }
0x109: {  	[tilespmem:s13+$0x140D0] =	vst.add.f32.msk $0xffff, v15  }
0x10a: {  	[tilespmem:s13+$0x140E0] =	vst.add.f32.msk $0xffff, v16  }
0x10b: {  	[tilespmem:s13+$0x140F0] =	vst.add.f32.msk $0xffff, v17  }
0x10c: {  	[tilespmem:s13+$0x14100] =	vst.add.f32.msk $0xffff, v18  }
0x10d: {  	[tilespmem:s13+$0x14110] =	vst.add.f32.msk $0xffff, v19  }
0x10e: {  	[tilespmem:s13+$0x14120] =	vst.add.f32.msk $0xffff, v20  }
0x10f: {  	[tilespmem:s13+$0x14130] =	vst.add.f32.msk $0xffff, v21  }
0x110: {  	[tilespmem:s13+$0x14140] =	vst.add.f32.msk $0xffff, v22  }
0x111: {  	[tilespmem:s13+$0x14150] =	vst.add.f32.msk $0xffff, v23  }
0x112: {  	[tilespmem:s13+$0x14160] =	vst.add.f32.msk $0xffff, v24  }
0x113: {  	[tilespmem:s13+$0x14170] =	vst.add.f32.msk $0xffff, v25  }
0x114: {  	[tilespmem:s13+$0x14180] =	vst.add.f32.msk $0xffff, v26  }
0x115: {  	[tilespmem:s13+$0x14190] =	vst.add.f32.msk $0xffff, v27  }
0x116: {  	[tilespmem:s13+$0x141A0] =	vst.add.f32.msk $0xffff, v28  }
0x117: {  	[tilespmem:s13+$0x141B0] =	vst.add.f32.msk $0xffff, v29  }
0x118: {  	[tilespmem:s13+$0x141C0] =	vst.add.f32.msk $0xffff, v30  }
0x119: {  	[tilespmem:s13+$0x141D0] =	vst.add.f32.msk $0xffff, v31  }
0x11a: {  	[tilespmem:s13+$0x141E0] =	vst.add.f32.msk $0xffff, v32  }
0x11b: {  	[tilespmem:s13+$0x141F0] =	vst.add.f32.msk $0xffff, v33  }
0x11c: {  	[tilespmem:s13+$0x14200] =	vst.add.f32.msk $0xffff, v34  }
0x11d: {  	[tilespmem:s13+$0x14210] =	vst.add.f32.msk $0xffff, v35  }
0x11e: {  	[tilespmem:s13+$0x14220] =	vst.add.f32.msk $0xffff, v36  }
0x11f: {  	[tilespmem:s13+$0x14230] =	vst.add.f32.msk $0xffff, v37  }
0x120: {  	[tilespmem:s13+$0x14240] =	vst.add.f32.msk $0xffff, v38  }
0x121: {  	[tilespmem:s13+$0x14250] =	vst.add.f32.msk $0xffff, v39  }
0x122: {  	[tilespmem:s13+$0x14260] =	vst.add.f32.msk $0xffff, v40  }
0x123: {  	[tilespmem:s13+$0x14270] =	vst.add.f32.msk $0xffff, v41  }
0x124: {  	[tilespmem:s13+$0x14280] =	vst.add.f32.msk $0xffff, v42  }
0x125: {  	[tilespmem:s13+$0x14290] =	vst.add.f32.msk $0xffff, v43  }
0x126: {  	[tilespmem:s13+$0x142A0] =	vst.add.f32.msk $0xffff, v44  }
0x127: {  	[tilespmem:s13+$0x142B0] =	vst.add.f32.msk $0xffff, v45  }
0x128: {  	[tilespmem:s13+$0x142C0] =	vst.add.f32.msk $0xffff, v46  }
0x129: {  	[tilespmem:s13+$0x142D0] =	vst.add.f32.msk $0xffff, v47  }
0x12a: {  	[tilespmem:s13+$0x142E0] =	vst.add.f32.msk $0xffff, v48  }
0x12b: {  	[tilespmem:s13+$0x142F0] =	vst.add.f32.msk $0xffff, v49  }
0x12c: {  	[tilespmem:s13+$0x14300] =	vst.add.f32.msk $0xffff, v50  }
0x12d: {  	[tilespmem:s13+$0x14310] =	vst.add.f32.msk $0xffff, v51  }
0x12e: {  	[tilespmem:s13+$0x14320] =	vst.add.f32.msk $0xffff, v52  }
0x12f: {  	[tilespmem:s13+$0x14330] =	vst.add.f32.msk $0xffff, v53  }
0x130: {  	[tilespmem:s13+$0x14340] =	vst.add.f32.msk $0xffff, v54  }
0x131: {  	[tilespmem:s13+$0x14350] =	vst.add.f32.msk $0xffff, v55  }
0x132: {  	[tilespmem:s13+$0x14360] =	vst.add.f32.msk $0xffff, v56  }
0x133: {  	[tilespmem:s13+$0x14370] =	vst.add.f32.msk $0xffff, v57  }
0x134: {  	[tilespmem:s13+$0x14380] =	vst.add.f32.msk $0xffff, v58  }
0x135: {  	[tilespmem:s13+$0x14390] =	vst.add.f32.msk $0xffff, v59  }
0x136: {  	[tilespmem:s13+$0x143A0] =	vst.add.f32.msk $0xffff, v60  }
0x137: {  	[tilespmem:s13+$0x143B0] =	vst.add.f32.msk $0xffff, v61  }
0x138: {  	[tilespmem:s13+$0x143C0] =	vst.add.f32.msk $0xffff, v62  }
0x139: {  	s12 =	simm.s32 $0x1000;
	s16 =	simm.s32 $0x0;
	[tilespmem:s13+$0x143D0] =	vst.add.f32.msk $0xffff, v63  }
.LBB2_6:
0x13a: {  	s16 =	sadd.s32 $0x8, s16;
	[tilespmem:s13+$0x143E0] =	vst.add.f32.msk $0xffff, v1;
	s13 =	sshra.s32 s12, $0x2  }
0x13b: {  	v1 =	vld [tilespmem:s13+$0x123F0];
	p0 =	slt.u32 s16, $0x38  }
0x13c: {  	v2 =	vld [tilespmem:s13+$0x12000]  }
0x13d: {  	v3 =	vld [tilespmem:s13+$0x12010]  }
0x13e: {  	v4 =	vld [tilespmem:s13+$0x12020]  }
0x13f: {  	v5 =	vld [tilespmem:s13+$0x12030]  }
0x140: {  	[tilespmem:s13+$0x143F0] =	vst.add.f32.msk $0xffff, v1  }
0x141: {  	v6 =	vld [tilespmem:s13+$0x12040]  }
0x142: {  	v7 =	vld [tilespmem:s13+$0x12050]  }
0x143: {  	v8 =	vld [tilespmem:s13+$0x12060]  }
0x144: {  	v9 =	vld [tilespmem:s13+$0x12070]  }
0x145: {  	v10 =	vld [tilespmem:s13+$0x12080]  }
0x146: {  	v11 =	vld [tilespmem:s13+$0x12090]  }
0x147: {  	v12 =	vld [tilespmem:s13+$0x120A0]  }
0x148: {  	v13 =	vld [tilespmem:s13+$0x120B0]  }
0x149: {  	v14 =	vld [tilespmem:s13+$0x120C0]  }
0x14a: {  	v15 =	vld [tilespmem:s13+$0x120D0]  }
0x14b: {  	v16 =	vld [tilespmem:s13+$0x120E0]  }
0x14c: {  	v17 =	vld [tilespmem:s13+$0x120F0]  }
0x14d: {  	v18 =	vld [tilespmem:s13+$0x12100]  }
0x14e: {  	v19 =	vld [tilespmem:s13+$0x12110]  }
0x14f: {  	v20 =	vld [tilespmem:s13+$0x12120]  }
0x150: {  	v21 =	vld [tilespmem:s13+$0x12130]  }
0x151: {  	v22 =	vld [tilespmem:s13+$0x12140]  }
0x152: {  	v23 =	vld [tilespmem:s13+$0x12150]  }
0x153: {  	v24 =	vld [tilespmem:s13+$0x12160]  }
0x154: {  	v25 =	vld [tilespmem:s13+$0x12170]  }
0x155: {  	v26 =	vld [tilespmem:s13+$0x12180]  }
0x156: {  	v27 =	vld [tilespmem:s13+$0x12190]  }
0x157: {  	v28 =	vld [tilespmem:s13+$0x121A0]  }
0x158: {  	v29 =	vld [tilespmem:s13+$0x121B0]  }
0x159: {  	v30 =	vld [tilespmem:s13+$0x121C0]  }
0x15a: {  	v31 =	vld [tilespmem:s13+$0x121D0]  }
0x15b: {  	v32 =	vld [tilespmem:s13+$0x121E0]  }
0x15c: {  	v33 =	vld [tilespmem:s13+$0x121F0]  }
0x15d: {  	v34 =	vld [tilespmem:s13+$0x12200]  }
0x15e: {  	v35 =	vld [tilespmem:s13+$0x12210]  }
0x15f: {  	v36 =	vld [tilespmem:s13+$0x12220]  }
0x160: {  	v37 =	vld [tilespmem:s13+$0x12230]  }
0x161: {  	v38 =	vld [tilespmem:s13+$0x12240]  }
0x162: {  	v39 =	vld [tilespmem:s13+$0x12250]  }
0x163: {  	v40 =	vld [tilespmem:s13+$0x12260]  }
0x164: {  	v41 =	vld [tilespmem:s13+$0x12270]  }
0x165: {  	v42 =	vld [tilespmem:s13+$0x12280]  }
0x166: {  	v43 =	vld [tilespmem:s13+$0x12290]  }
0x167: {  	v44 =	vld [tilespmem:s13+$0x122A0]  }
0x168: {  	v45 =	vld [tilespmem:s13+$0x122B0]  }
0x169: {  	v46 =	vld [tilespmem:s13+$0x122C0]  }
0x16a: {  	v47 =	vld [tilespmem:s13+$0x122D0]  }
0x16b: {  	v48 =	vld [tilespmem:s13+$0x122E0]  }
0x16c: {  	v49 =	vld [tilespmem:s13+$0x122F0]  }
0x16d: {  	v50 =	vld [tilespmem:s13+$0x12300]  }
0x16e: {  	v51 =	vld [tilespmem:s13+$0x12310]  }
0x16f: {  	v52 =	vld [tilespmem:s13+$0x12320]  }
0x170: {  	v53 =	vld [tilespmem:s13+$0x12330]  }
0x171: {  	v54 =	vld [tilespmem:s13+$0x12340]  }
0x172: {  	v55 =	vld [tilespmem:s13+$0x12350]  }
0x173: {  	v56 =	vld [tilespmem:s13+$0x12360]  }
0x174: {  	v57 =	vld [tilespmem:s13+$0x12370]  }
0x175: {  	v58 =	vld [tilespmem:s13+$0x12380]  }
0x176: {  	v59 =	vld [tilespmem:s13+$0x12390]  }
0x177: {  	v60 =	vld [tilespmem:s13+$0x123A0]  }
0x178: {  	v61 =	vld [tilespmem:s13+$0x123B0]  }
0x179: {  	v62 =	vld [tilespmem:s13+$0x123C0]  }
0x17a: {  	v63 =	vld [tilespmem:s13+$0x123D0]  }
0x17b: {  	v1 =	vld [tilespmem:s13+$0x123E0]  }
0x17c: {  	[tilespmem:s13+$0x14000] =	vst.add.f32.msk $0xffff, v2  }
0x17d: {  	[tilespmem:s13+$0x14010] =	vst.add.f32.msk $0xffff, v3  }
0x17e: {  	[tilespmem:s13+$0x14020] =	vst.add.f32.msk $0xffff, v4  }
0x17f: {  	[tilespmem:s13+$0x14030] =	vst.add.f32.msk $0xffff, v5  }
0x180: {  	[tilespmem:s13+$0x14040] =	vst.add.f32.msk $0xffff, v6  }
0x181: {  	[tilespmem:s13+$0x14050] =	vst.add.f32.msk $0xffff, v7  }
0x182: {  	[tilespmem:s13+$0x14060] =	vst.add.f32.msk $0xffff, v8  }
0x183: {  	[tilespmem:s13+$0x14070] =	vst.add.f32.msk $0xffff, v9  }
0x184: {  	[tilespmem:s13+$0x14080] =	vst.add.f32.msk $0xffff, v10  }
0x185: {  	[tilespmem:s13+$0x14090] =	vst.add.f32.msk $0xffff, v11  }
0x186: {  	[tilespmem:s13+$0x140A0] =	vst.add.f32.msk $0xffff, v12  }
0x187: {  	[tilespmem:s13+$0x140B0] =	vst.add.f32.msk $0xffff, v13  }
0x188: {  	[tilespmem:s13+$0x140C0] =	vst.add.f32.msk $0xffff, v14  }
0x189: {  	[tilespmem:s13+$0x140D0] =	vst.add.f32.msk $0xffff, v15  }
0x18a: {  	[tilespmem:s13+$0x140E0] =	vst.add.f32.msk $0xffff, v16  }
0x18b: {  	[tilespmem:s13+$0x140F0] =	vst.add.f32.msk $0xffff, v17  }
0x18c: {  	[tilespmem:s13+$0x14100] =	vst.add.f32.msk $0xffff, v18  }
0x18d: {  	[tilespmem:s13+$0x14110] =	vst.add.f32.msk $0xffff, v19  }
0x18e: {  	[tilespmem:s13+$0x14120] =	vst.add.f32.msk $0xffff, v20  }
0x18f: {  	[tilespmem:s13+$0x14130] =	vst.add.f32.msk $0xffff, v21  }
0x190: {  	[tilespmem:s13+$0x14140] =	vst.add.f32.msk $0xffff, v22  }
0x191: {  	[tilespmem:s13+$0x14150] =	vst.add.f32.msk $0xffff, v23  }
0x192: {  	[tilespmem:s13+$0x14160] =	vst.add.f32.msk $0xffff, v24  }
0x193: {  	[tilespmem:s13+$0x14170] =	vst.add.f32.msk $0xffff, v25  }
0x194: {  	[tilespmem:s13+$0x14180] =	vst.add.f32.msk $0xffff, v26  }
0x195: {  	[tilespmem:s13+$0x14190] =	vst.add.f32.msk $0xffff, v27  }
0x196: {  	[tilespmem:s13+$0x141A0] =	vst.add.f32.msk $0xffff, v28  }
0x197: {  	[tilespmem:s13+$0x141B0] =	vst.add.f32.msk $0xffff, v29  }
0x198: {  	[tilespmem:s13+$0x141C0] =	vst.add.f32.msk $0xffff, v30  }
0x199: {  	[tilespmem:s13+$0x141D0] =	vst.add.f32.msk $0xffff, v31  }
0x19a: {  	[tilespmem:s13+$0x141E0] =	vst.add.f32.msk $0xffff, v32  }
0x19b: {  	[tilespmem:s13+$0x141F0] =	vst.add.f32.msk $0xffff, v33  }
0x19c: {  	[tilespmem:s13+$0x14200] =	vst.add.f32.msk $0xffff, v34  }
0x19d: {  	[tilespmem:s13+$0x14210] =	vst.add.f32.msk $0xffff, v35  }
0x19e: {  	[tilespmem:s13+$0x14220] =	vst.add.f32.msk $0xffff, v36  }
0x19f: {  	[tilespmem:s13+$0x14230] =	vst.add.f32.msk $0xffff, v37  }
0x1a0: {  	[tilespmem:s13+$0x14240] =	vst.add.f32.msk $0xffff, v38  }
0x1a1: {  	[tilespmem:s13+$0x14250] =	vst.add.f32.msk $0xffff, v39  }
0x1a2: {  	[tilespmem:s13+$0x14260] =	vst.add.f32.msk $0xffff, v40  }
0x1a3: {  	[tilespmem:s13+$0x14270] =	vst.add.f32.msk $0xffff, v41  }
0x1a4: {  	[tilespmem:s13+$0x14280] =	vst.add.f32.msk $0xffff, v42  }
0x1a5: {  	[tilespmem:s13+$0x14290] =	vst.add.f32.msk $0xffff, v43  }
0x1a6: {  	[tilespmem:s13+$0x142A0] =	vst.add.f32.msk $0xffff, v44  }
0x1a7: {  	[tilespmem:s13+$0x142B0] =	vst.add.f32.msk $0xffff, v45  }
0x1a8: {  	[tilespmem:s13+$0x142C0] =	vst.add.f32.msk $0xffff, v46  }
0x1a9: {  	[tilespmem:s13+$0x142D0] =	vst.add.f32.msk $0xffff, v47  }
0x1aa: {  	[tilespmem:s13+$0x142E0] =	vst.add.f32.msk $0xffff, v48  }
0x1ab: {  	[tilespmem:s13+$0x142F0] =	vst.add.f32.msk $0xffff, v49  }
0x1ac: {  	[tilespmem:s13+$0x14300] =	vst.add.f32.msk $0xffff, v50  }
0x1ad: {  	[tilespmem:s13+$0x14310] =	vst.add.f32.msk $0xffff, v51  }
0x1ae: {  	[tilespmem:s13+$0x14320] =	vst.add.f32.msk $0xffff, v52  }
0x1af: {  	[tilespmem:s13+$0x14330] =	vst.add.f32.msk $0xffff, v53  }
0x1b0: {  	[tilespmem:s13+$0x14340] =	vst.add.f32.msk $0xffff, v54  }
0x1b1: {  	[tilespmem:s13+$0x14350] =	vst.add.f32.msk $0xffff, v55  }
0x1b2: {  	[tilespmem:s13+$0x14360] =	vst.add.f32.msk $0xffff, v56  }
0x1b3: {  	[tilespmem:s13+$0x14370] =	vst.add.f32.msk $0xffff, v57  }
0x1b4: {  	[tilespmem:s13+$0x14380] =	vst.add.f32.msk $0xffff, v58  }
.Ltmp2:
0x1b5: {  	[tilespmem:s13+$0x14390] =	vst.add.f32.msk $0xffff, v59;
	(pc) =	sbr.rel @p0 .LBB2_6-.Ltmp2, $4  }
0x1b6: {  	[tilespmem:s13+$0x143A0] =	vst.add.f32.msk $0xffff, v60  }
0x1b7: {  	[tilespmem:s13+$0x143B0] =	vst.add.f32.msk $0xffff, v61  }
0x1b8: {  	[tilespmem:s13+$0x143C0] =	vst.add.f32.msk $0xffff, v62  }
0x1b9: {  	s12 =	sadd.s32 $0x1000, s12;
	[tilespmem:s13+$0x143D0] =	vst.add.f32.msk $0xffff, v63  }
0x1ba: {  	[tilespmem:s13+$0x143E0] =	vst.add.f32.msk $0xffff, v1  }
0x1bb: {  	s16 =	simm.s32 $0x0;
	s12 =	rddreg [dreg:$0xb]  }
0x1bc: {  	[hbm4b:s12+s16] =	stream.linear.scatter [tilespmem:s24], [sflag:$0x3], $0x2000, $0x38;
	[tilespmem:$0x1E000] =	vst v63  }
0x1bd: {  	s30 =	simm.s32 $0x2180  }
0x1be: {  	[tilespmem:s22], [sflag:$0x1] =	stream.indirect.gather [hbm4b:s0+s28], $0x80, s30, s28, $0xb8;
	[tilespmem:$0x1E000] =	vst v63  }
.LBB2_8:
0x1bf: {  	_ =	swait.ge [sflag:s25], $0x2000  }
0x1c0: {  	[sflag:s25] =	ssyncset.done $0x0  }
0x1c1: {  	[sflag:s25] =	ssyncadd.s32 $0xFFFFE000  }
0x1c2: {  	_ =	swait.ge [sflag:s26], $0x2000  }
0x1c3: {  	[sflag:s26] =	ssyncset.done $0x0  }
0x1c4: {  	s17 =	simm.s32 $0x0;
	[sflag:s26] =	ssyncadd.s32 $0xFFFFE000  }
0x1c5: {  	v1 =	vld [tilespmem:s17+$0x163F0]  }
0x1c6: {  	v2 =	vld [tilespmem:s17+$0x16000]  }
0x1c7: {  	v3 =	vld [tilespmem:s17+$0x16010]  }
0x1c8: {  	v4 =	vld [tilespmem:s17+$0x16020]  }
0x1c9: {  	v5 =	vld [tilespmem:s17+$0x16030]  }
0x1ca: {  	v6 =	vld [tilespmem:s17+$0x16040]  }
0x1cb: {  	v7 =	vld [tilespmem:s17+$0x16050]  }
0x1cc: {  	v8 =	vld [tilespmem:s17+$0x16060]  }
0x1cd: {  	v9 =	vld [tilespmem:s17+$0x16070]  }
0x1ce: {  	v10 =	vld [tilespmem:s17+$0x16080]  }
0x1cf: {  	v11 =	vld [tilespmem:s17+$0x16090]  }
0x1d0: {  	v12 =	vld [tilespmem:s17+$0x160A0]  }
0x1d1: {  	v13 =	vld [tilespmem:s17+$0x160B0]  }
0x1d2: {  	v14 =	vld [tilespmem:s17+$0x160C0]  }
0x1d3: {  	v15 =	vld [tilespmem:s17+$0x160D0]  }
0x1d4: {  	v16 =	vld [tilespmem:s17+$0x160E0]  }
0x1d5: {  	v17 =	vld [tilespmem:s17+$0x160F0]  }
0x1d6: {  	v18 =	vld [tilespmem:s17+$0x16100]  }
0x1d7: {  	v19 =	vld [tilespmem:s17+$0x16110]  }
0x1d8: {  	v20 =	vld [tilespmem:s17+$0x16120]  }
0x1d9: {  	v21 =	vld [tilespmem:s17+$0x16130]  }
0x1da: {  	v22 =	vld [tilespmem:s17+$0x16140]  }
0x1db: {  	v23 =	vld [tilespmem:s17+$0x16150]  }
0x1dc: {  	v24 =	vld [tilespmem:s17+$0x16160]  }
0x1dd: {  	v25 =	vld [tilespmem:s17+$0x16170]  }
0x1de: {  	v26 =	vld [tilespmem:s17+$0x16180]  }
0x1df: {  	v27 =	vld [tilespmem:s17+$0x16190]  }
0x1e0: {  	v28 =	vld [tilespmem:s17+$0x161A0]  }
0x1e1: {  	v29 =	vld [tilespmem:s17+$0x161B0]  }
0x1e2: {  	v30 =	vld [tilespmem:s17+$0x161C0]  }
0x1e3: {  	v31 =	vld [tilespmem:s17+$0x161D0]  }
0x1e4: {  	v32 =	vld [tilespmem:s17+$0x161E0]  }
0x1e5: {  	v33 =	vld [tilespmem:s17+$0x161F0]  }
0x1e6: {  	v34 =	vld [tilespmem:s17+$0x16200]  }
0x1e7: {  	v35 =	vld [tilespmem:s17+$0x16210]  }
0x1e8: {  	v36 =	vld [tilespmem:s17+$0x16220]  }
0x1e9: {  	v37 =	vld [tilespmem:s17+$0x16230]  }
0x1ea: {  	v38 =	vld [tilespmem:s17+$0x16240]  }
0x1eb: {  	v39 =	vld [tilespmem:s17+$0x16250]  }
0x1ec: {  	v40 =	vld [tilespmem:s17+$0x16260]  }
0x1ed: {  	v41 =	vld [tilespmem:s17+$0x16270]  }
0x1ee: {  	v42 =	vld [tilespmem:s17+$0x16280]  }
0x1ef: {  	v43 =	vld [tilespmem:s17+$0x16290]  }
0x1f0: {  	v44 =	vld [tilespmem:s17+$0x162A0]  }
0x1f1: {  	v45 =	vld [tilespmem:s17+$0x162B0]  }
0x1f2: {  	v46 =	vld [tilespmem:s17+$0x162C0]  }
0x1f3: {  	v47 =	vld [tilespmem:s17+$0x162D0]  }
0x1f4: {  	v48 =	vld [tilespmem:s17+$0x162E0]  }
0x1f5: {  	v49 =	vld [tilespmem:s17+$0x162F0]  }
0x1f6: {  	v50 =	vld [tilespmem:s17+$0x16300]  }
0x1f7: {  	v51 =	vld [tilespmem:s17+$0x16310]  }
0x1f8: {  	v52 =	vld [tilespmem:s17+$0x16320]  }
0x1f9: {  	v53 =	vld [tilespmem:s17+$0x16330]  }
0x1fa: {  	v54 =	vld [tilespmem:s17+$0x16340]  }
0x1fb: {  	v55 =	vld [tilespmem:s17+$0x16350]  }
0x1fc: {  	v56 =	vld [tilespmem:s17+$0x16360]  }
0x1fd: {  	v57 =	vld [tilespmem:s17+$0x16370]  }
0x1fe: {  	v58 =	vld [tilespmem:s17+$0x16380]  }
0x1ff: {  	v59 =	vld [tilespmem:s17+$0x16390]  }
0x200: {  	v60 =	vld [tilespmem:s17+$0x163A0]  }
0x201: {  	v61 =	vld [tilespmem:s17+$0x163B0]  }
0x202: {  	v62 =	vld [tilespmem:s17+$0x163C0]  }
0x203: {  	v63 =	vld [tilespmem:s17+$0x163D0]  }
0x204: {  	[tilespmem:s17+$0x183F0] =	vst.add.f32.msk $0xffff, v1  }
0x205: {  	v1 =	vld [tilespmem:s17+$0x163E0]  }
0x206: {  	[tilespmem:s17+$0x18000] =	vst.add.f32.msk $0xffff, v2  }
0x207: {  	[tilespmem:s17+$0x18010] =	vst.add.f32.msk $0xffff, v3  }
0x208: {  	[tilespmem:s17+$0x18020] =	vst.add.f32.msk $0xffff, v4  }
0x209: {  	[tilespmem:s17+$0x18030] =	vst.add.f32.msk $0xffff, v5  }
0x20a: {  	[tilespmem:s17+$0x18040] =	vst.add.f32.msk $0xffff, v6  }
0x20b: {  	[tilespmem:s17+$0x18050] =	vst.add.f32.msk $0xffff, v7  }
0x20c: {  	[tilespmem:s17+$0x18060] =	vst.add.f32.msk $0xffff, v8  }
0x20d: {  	[tilespmem:s17+$0x18070] =	vst.add.f32.msk $0xffff, v9  }
0x20e: {  	[tilespmem:s17+$0x18080] =	vst.add.f32.msk $0xffff, v10  }
0x20f: {  	[tilespmem:s17+$0x18090] =	vst.add.f32.msk $0xffff, v11  }
0x210: {  	[tilespmem:s17+$0x180A0] =	vst.add.f32.msk $0xffff, v12  }
0x211: {  	[tilespmem:s17+$0x180B0] =	vst.add.f32.msk $0xffff, v13  }
0x212: {  	[tilespmem:s17+$0x180C0] =	vst.add.f32.msk $0xffff, v14  }
0x213: {  	[tilespmem:s17+$0x180D0] =	vst.add.f32.msk $0xffff, v15  }
0x214: {  	[tilespmem:s17+$0x180E0] =	vst.add.f32.msk $0xffff, v16  }
0x215: {  	[tilespmem:s17+$0x180F0] =	vst.add.f32.msk $0xffff, v17  }
0x216: {  	[tilespmem:s17+$0x18100] =	vst.add.f32.msk $0xffff, v18  }
0x217: {  	[tilespmem:s17+$0x18110] =	vst.add.f32.msk $0xffff, v19  }
0x218: {  	[tilespmem:s17+$0x18120] =	vst.add.f32.msk $0xffff, v20  }
0x219: {  	[tilespmem:s17+$0x18130] =	vst.add.f32.msk $0xffff, v21  }
0x21a: {  	[tilespmem:s17+$0x18140] =	vst.add.f32.msk $0xffff, v22  }
0x21b: {  	[tilespmem:s17+$0x18150] =	vst.add.f32.msk $0xffff, v23  }
0x21c: {  	[tilespmem:s17+$0x18160] =	vst.add.f32.msk $0xffff, v24  }
0x21d: {  	[tilespmem:s17+$0x18170] =	vst.add.f32.msk $0xffff, v25  }
0x21e: {  	[tilespmem:s17+$0x18180] =	vst.add.f32.msk $0xffff, v26  }
0x21f: {  	[tilespmem:s17+$0x18190] =	vst.add.f32.msk $0xffff, v27  }
0x220: {  	[tilespmem:s17+$0x181A0] =	vst.add.f32.msk $0xffff, v28  }
0x221: {  	[tilespmem:s17+$0x181B0] =	vst.add.f32.msk $0xffff, v29  }
0x222: {  	[tilespmem:s17+$0x181C0] =	vst.add.f32.msk $0xffff, v30  }
0x223: {  	[tilespmem:s17+$0x181D0] =	vst.add.f32.msk $0xffff, v31  }
0x224: {  	[tilespmem:s17+$0x181E0] =	vst.add.f32.msk $0xffff, v32  }
0x225: {  	[tilespmem:s17+$0x181F0] =	vst.add.f32.msk $0xffff, v33  }
0x226: {  	[tilespmem:s17+$0x18200] =	vst.add.f32.msk $0xffff, v34  }
0x227: {  	[tilespmem:s17+$0x18210] =	vst.add.f32.msk $0xffff, v35  }
0x228: {  	[tilespmem:s17+$0x18220] =	vst.add.f32.msk $0xffff, v36  }
0x229: {  	[tilespmem:s17+$0x18230] =	vst.add.f32.msk $0xffff, v37  }
0x22a: {  	[tilespmem:s17+$0x18240] =	vst.add.f32.msk $0xffff, v38  }
0x22b: {  	[tilespmem:s17+$0x18250] =	vst.add.f32.msk $0xffff, v39  }
0x22c: {  	[tilespmem:s17+$0x18260] =	vst.add.f32.msk $0xffff, v40  }
0x22d: {  	[tilespmem:s17+$0x18270] =	vst.add.f32.msk $0xffff, v41  }
0x22e: {  	[tilespmem:s17+$0x18280] =	vst.add.f32.msk $0xffff, v42  }
0x22f: {  	[tilespmem:s17+$0x18290] =	vst.add.f32.msk $0xffff, v43  }
0x230: {  	[tilespmem:s17+$0x182A0] =	vst.add.f32.msk $0xffff, v44  }
0x231: {  	[tilespmem:s17+$0x182B0] =	vst.add.f32.msk $0xffff, v45  }
0x232: {  	[tilespmem:s17+$0x182C0] =	vst.add.f32.msk $0xffff, v46  }
0x233: {  	[tilespmem:s17+$0x182D0] =	vst.add.f32.msk $0xffff, v47  }
0x234: {  	[tilespmem:s17+$0x182E0] =	vst.add.f32.msk $0xffff, v48  }
0x235: {  	[tilespmem:s17+$0x182F0] =	vst.add.f32.msk $0xffff, v49  }
0x236: {  	[tilespmem:s17+$0x18300] =	vst.add.f32.msk $0xffff, v50  }
0x237: {  	[tilespmem:s17+$0x18310] =	vst.add.f32.msk $0xffff, v51  }
0x238: {  	[tilespmem:s17+$0x18320] =	vst.add.f32.msk $0xffff, v52  }
0x239: {  	[tilespmem:s17+$0x18330] =	vst.add.f32.msk $0xffff, v53  }
0x23a: {  	[tilespmem:s17+$0x18340] =	vst.add.f32.msk $0xffff, v54  }
0x23b: {  	[tilespmem:s17+$0x18350] =	vst.add.f32.msk $0xffff, v55  }
0x23c: {  	[tilespmem:s17+$0x18360] =	vst.add.f32.msk $0xffff, v56  }
0x23d: {  	[tilespmem:s17+$0x18370] =	vst.add.f32.msk $0xffff, v57  }
0x23e: {  	[tilespmem:s17+$0x18380] =	vst.add.f32.msk $0xffff, v58  }
0x23f: {  	[tilespmem:s17+$0x18390] =	vst.add.f32.msk $0xffff, v59  }
0x240: {  	[tilespmem:s17+$0x183A0] =	vst.add.f32.msk $0xffff, v60  }
0x241: {  	[tilespmem:s17+$0x183B0] =	vst.add.f32.msk $0xffff, v61  }
0x242: {  	[tilespmem:s17+$0x183C0] =	vst.add.f32.msk $0xffff, v62  }
0x243: {  	s13 =	simm.s32 $0x0;
	s12 =	simm.s32 $0x1000;
	[tilespmem:s17+$0x183D0] =	vst.add.f32.msk $0xffff, v63  }
.LBB2_9:
0x244: {  	s13 =	sadd.s32 $0x8, s13;
	[tilespmem:s17+$0x183E0] =	vst.add.f32.msk $0xffff, v1;
	s17 =	sshra.s32 s12, $0x2  }
0x245: {  	v1 =	vld [tilespmem:s17+$0x163F0];
	p0 =	slt.u32 s13, $0x38  }
0x246: {  	v2 =	vld [tilespmem:s17+$0x16000]  }
0x247: {  	v3 =	vld [tilespmem:s17+$0x16010]  }
0x248: {  	v4 =	vld [tilespmem:s17+$0x16020]  }
0x249: {  	v5 =	vld [tilespmem:s17+$0x16030]  }
0x24a: {  	[tilespmem:s17+$0x183F0] =	vst.add.f32.msk $0xffff, v1  }
0x24b: {  	v6 =	vld [tilespmem:s17+$0x16040]  }
0x24c: {  	v7 =	vld [tilespmem:s17+$0x16050]  }
0x24d: {  	v8 =	vld [tilespmem:s17+$0x16060]  }
0x24e: {  	v9 =	vld [tilespmem:s17+$0x16070]  }
0x24f: {  	v10 =	vld [tilespmem:s17+$0x16080]  }
0x250: {  	v11 =	vld [tilespmem:s17+$0x16090]  }
0x251: {  	v12 =	vld [tilespmem:s17+$0x160A0]  }
0x252: {  	v13 =	vld [tilespmem:s17+$0x160B0]  }
0x253: {  	v14 =	vld [tilespmem:s17+$0x160C0]  }
0x254: {  	v15 =	vld [tilespmem:s17+$0x160D0]  }
0x255: {  	v16 =	vld [tilespmem:s17+$0x160E0]  }
0x256: {  	v17 =	vld [tilespmem:s17+$0x160F0]  }
0x257: {  	v18 =	vld [tilespmem:s17+$0x16100]  }
0x258: {  	v19 =	vld [tilespmem:s17+$0x16110]  }
0x259: {  	v20 =	vld [tilespmem:s17+$0x16120]  }
0x25a: {  	v21 =	vld [tilespmem:s17+$0x16130]  }
0x25b: {  	v22 =	vld [tilespmem:s17+$0x16140]  }
0x25c: {  	v23 =	vld [tilespmem:s17+$0x16150]  }
0x25d: {  	v24 =	vld [tilespmem:s17+$0x16160]  }
0x25e: {  	v25 =	vld [tilespmem:s17+$0x16170]  }
0x25f: {  	v26 =	vld [tilespmem:s17+$0x16180]  }
0x260: {  	v27 =	vld [tilespmem:s17+$0x16190]  }
0x261: {  	v28 =	vld [tilespmem:s17+$0x161A0]  }
0x262: {  	v29 =	vld [tilespmem:s17+$0x161B0]  }
0x263: {  	v30 =	vld [tilespmem:s17+$0x161C0]  }
0x264: {  	v31 =	vld [tilespmem:s17+$0x161D0]  }
0x265: {  	v32 =	vld [tilespmem:s17+$0x161E0]  }
0x266: {  	v33 =	vld [tilespmem:s17+$0x161F0]  }
0x267: {  	v34 =	vld [tilespmem:s17+$0x16200]  }
0x268: {  	v35 =	vld [tilespmem:s17+$0x16210]  }
0x269: {  	v36 =	vld [tilespmem:s17+$0x16220]  }
0x26a: {  	v37 =	vld [tilespmem:s17+$0x16230]  }
0x26b: {  	v38 =	vld [tilespmem:s17+$0x16240]  }
0x26c: {  	v39 =	vld [tilespmem:s17+$0x16250]  }
0x26d: {  	v40 =	vld [tilespmem:s17+$0x16260]  }
0x26e: {  	v41 =	vld [tilespmem:s17+$0x16270]  }
0x26f: {  	v42 =	vld [tilespmem:s17+$0x16280]  }
0x270: {  	v43 =	vld [tilespmem:s17+$0x16290]  }
0x271: {  	v44 =	vld [tilespmem:s17+$0x162A0]  }
0x272: {  	v45 =	vld [tilespmem:s17+$0x162B0]  }
0x273: {  	v46 =	vld [tilespmem:s17+$0x162C0]  }
0x274: {  	v47 =	vld [tilespmem:s17+$0x162D0]  }
0x275: {  	v48 =	vld [tilespmem:s17+$0x162E0]  }
0x276: {  	v49 =	vld [tilespmem:s17+$0x162F0]  }
0x277: {  	v50 =	vld [tilespmem:s17+$0x16300]  }
0x278: {  	v51 =	vld [tilespmem:s17+$0x16310]  }
0x279: {  	v52 =	vld [tilespmem:s17+$0x16320]  }
0x27a: {  	v53 =	vld [tilespmem:s17+$0x16330]  }
0x27b: {  	v54 =	vld [tilespmem:s17+$0x16340]  }
0x27c: {  	v55 =	vld [tilespmem:s17+$0x16350]  }
0x27d: {  	v56 =	vld [tilespmem:s17+$0x16360]  }
0x27e: {  	v57 =	vld [tilespmem:s17+$0x16370]  }
0x27f: {  	v58 =	vld [tilespmem:s17+$0x16380]  }
0x280: {  	v59 =	vld [tilespmem:s17+$0x16390]  }
0x281: {  	v60 =	vld [tilespmem:s17+$0x163A0]  }
0x282: {  	v61 =	vld [tilespmem:s17+$0x163B0]  }
0x283: {  	v62 =	vld [tilespmem:s17+$0x163C0]  }
0x284: {  	v63 =	vld [tilespmem:s17+$0x163D0]  }
0x285: {  	v1 =	vld [tilespmem:s17+$0x163E0]  }
0x286: {  	[tilespmem:s17+$0x18000] =	vst.add.f32.msk $0xffff, v2  }
0x287: {  	[tilespmem:s17+$0x18010] =	vst.add.f32.msk $0xffff, v3  }
0x288: {  	[tilespmem:s17+$0x18020] =	vst.add.f32.msk $0xffff, v4  }
0x289: {  	[tilespmem:s17+$0x18030] =	vst.add.f32.msk $0xffff, v5  }
0x28a: {  	[tilespmem:s17+$0x18040] =	vst.add.f32.msk $0xffff, v6  }
0x28b: {  	[tilespmem:s17+$0x18050] =	vst.add.f32.msk $0xffff, v7  }
0x28c: {  	[tilespmem:s17+$0x18060] =	vst.add.f32.msk $0xffff, v8  }
0x28d: {  	[tilespmem:s17+$0x18070] =	vst.add.f32.msk $0xffff, v9  }
0x28e: {  	[tilespmem:s17+$0x18080] =	vst.add.f32.msk $0xffff, v10  }
0x28f: {  	[tilespmem:s17+$0x18090] =	vst.add.f32.msk $0xffff, v11  }
0x290: {  	[tilespmem:s17+$0x180A0] =	vst.add.f32.msk $0xffff, v12  }
0x291: {  	[tilespmem:s17+$0x180B0] =	vst.add.f32.msk $0xffff, v13  }
0x292: {  	[tilespmem:s17+$0x180C0] =	vst.add.f32.msk $0xffff, v14  }
0x293: {  	[tilespmem:s17+$0x180D0] =	vst.add.f32.msk $0xffff, v15  }
0x294: {  	[tilespmem:s17+$0x180E0] =	vst.add.f32.msk $0xffff, v16  }
0x295: {  	[tilespmem:s17+$0x180F0] =	vst.add.f32.msk $0xffff, v17  }
0x296: {  	[tilespmem:s17+$0x18100] =	vst.add.f32.msk $0xffff, v18  }
0x297: {  	[tilespmem:s17+$0x18110] =	vst.add.f32.msk $0xffff, v19  }
0x298: {  	[tilespmem:s17+$0x18120] =	vst.add.f32.msk $0xffff, v20  }
0x299: {  	[tilespmem:s17+$0x18130] =	vst.add.f32.msk $0xffff, v21  }
0x29a: {  	[tilespmem:s17+$0x18140] =	vst.add.f32.msk $0xffff, v22  }
0x29b: {  	[tilespmem:s17+$0x18150] =	vst.add.f32.msk $0xffff, v23  }
0x29c: {  	[tilespmem:s17+$0x18160] =	vst.add.f32.msk $0xffff, v24  }
0x29d: {  	[tilespmem:s17+$0x18170] =	vst.add.f32.msk $0xffff, v25  }
0x29e: {  	[tilespmem:s17+$0x18180] =	vst.add.f32.msk $0xffff, v26  }
0x29f: {  	[tilespmem:s17+$0x18190] =	vst.add.f32.msk $0xffff, v27  }
0x2a0: {  	[tilespmem:s17+$0x181A0] =	vst.add.f32.msk $0xffff, v28  }
0x2a1: {  	[tilespmem:s17+$0x181B0] =	vst.add.f32.msk $0xffff, v29  }
0x2a2: {  	[tilespmem:s17+$0x181C0] =	vst.add.f32.msk $0xffff, v30  }
0x2a3: {  	[tilespmem:s17+$0x181D0] =	vst.add.f32.msk $0xffff, v31  }
0x2a4: {  	[tilespmem:s17+$0x181E0] =	vst.add.f32.msk $0xffff, v32  }
0x2a5: {  	[tilespmem:s17+$0x181F0] =	vst.add.f32.msk $0xffff, v33  }
0x2a6: {  	[tilespmem:s17+$0x18200] =	vst.add.f32.msk $0xffff, v34  }
0x2a7: {  	[tilespmem:s17+$0x18210] =	vst.add.f32.msk $0xffff, v35  }
0x2a8: {  	[tilespmem:s17+$0x18220] =	vst.add.f32.msk $0xffff, v36  }
0x2a9: {  	[tilespmem:s17+$0x18230] =	vst.add.f32.msk $0xffff, v37  }
0x2aa: {  	[tilespmem:s17+$0x18240] =	vst.add.f32.msk $0xffff, v38  }
0x2ab: {  	[tilespmem:s17+$0x18250] =	vst.add.f32.msk $0xffff, v39  }
0x2ac: {  	[tilespmem:s17+$0x18260] =	vst.add.f32.msk $0xffff, v40  }
0x2ad: {  	[tilespmem:s17+$0x18270] =	vst.add.f32.msk $0xffff, v41  }
0x2ae: {  	[tilespmem:s17+$0x18280] =	vst.add.f32.msk $0xffff, v42  }
0x2af: {  	[tilespmem:s17+$0x18290] =	vst.add.f32.msk $0xffff, v43  }
0x2b0: {  	[tilespmem:s17+$0x182A0] =	vst.add.f32.msk $0xffff, v44  }
0x2b1: {  	[tilespmem:s17+$0x182B0] =	vst.add.f32.msk $0xffff, v45  }
0x2b2: {  	[tilespmem:s17+$0x182C0] =	vst.add.f32.msk $0xffff, v46  }
0x2b3: {  	[tilespmem:s17+$0x182D0] =	vst.add.f32.msk $0xffff, v47  }
0x2b4: {  	[tilespmem:s17+$0x182E0] =	vst.add.f32.msk $0xffff, v48  }
0x2b5: {  	[tilespmem:s17+$0x182F0] =	vst.add.f32.msk $0xffff, v49  }
0x2b6: {  	[tilespmem:s17+$0x18300] =	vst.add.f32.msk $0xffff, v50  }
0x2b7: {  	[tilespmem:s17+$0x18310] =	vst.add.f32.msk $0xffff, v51  }
0x2b8: {  	[tilespmem:s17+$0x18320] =	vst.add.f32.msk $0xffff, v52  }
0x2b9: {  	[tilespmem:s17+$0x18330] =	vst.add.f32.msk $0xffff, v53  }
0x2ba: {  	[tilespmem:s17+$0x18340] =	vst.add.f32.msk $0xffff, v54  }
0x2bb: {  	[tilespmem:s17+$0x18350] =	vst.add.f32.msk $0xffff, v55  }
0x2bc: {  	[tilespmem:s17+$0x18360] =	vst.add.f32.msk $0xffff, v56  }
0x2bd: {  	[tilespmem:s17+$0x18370] =	vst.add.f32.msk $0xffff, v57  }
0x2be: {  	[tilespmem:s17+$0x18380] =	vst.add.f32.msk $0xffff, v58  }
.Ltmp3:
0x2bf: {  	[tilespmem:s17+$0x18390] =	vst.add.f32.msk $0xffff, v59;
	(pc) =	sbr.rel @p0 .LBB2_9-.Ltmp3, $4  }
0x2c0: {  	[tilespmem:s17+$0x183A0] =	vst.add.f32.msk $0xffff, v60  }
0x2c1: {  	[tilespmem:s17+$0x183B0] =	vst.add.f32.msk $0xffff, v61  }
0x2c2: {  	[tilespmem:s17+$0x183C0] =	vst.add.f32.msk $0xffff, v62  }
0x2c3: {  	s12 =	sadd.s32 $0x1000, s12;
	[tilespmem:s17+$0x183D0] =	vst.add.f32.msk $0xffff, v63  }
0x2c4: {  	s19 =	smul.u32 $0x3, s16;
	_ =	sdelay $0x1  }
0x2c5: {  	s12 =	sadd.s32 s19, s14  }
0x2c6: {  	s12 =	sshll.u32 s12, $0xA  }
0x2c7: {  	s12 =	sand.u32 $0x1FFFFC00, s12  }
0x2c8: {  	[tilespmem:s17+$0x183E0] =	vst.add.f32.msk $0xffff, v1;
	s13 =	simm.s32 $0x0;
	s18 =	smul.u32 $0x180, s16;
	s12 =	sadd.s32 s4, s12  }
0x2c9: {  	[hbm4b:s12+s13] =	stream.linear.scatter [tilespmem:s3], [sflag:$0x6], $0x2000, $0x38;
	[tilespmem:$0x1E000] =	vst v63  }
0x2ca: {  	s17 =	simm.s32 $0x16000;
	s13 =	sadd.s32 $0x2200, s18  }
0x2cb: {  	[tilespmem:s17], [sflag:$0x4] =	stream.indirect.gather [hbm4b:s0+s28], $0x80, s13, s28, $0xb8;
	[tilespmem:$0x1E000] =	vst v63  }
0x2cc: {  	s17 =	sadd.s32 $0x3, s19  }
0x2cd: {  	_ =	swait.ge [sflag:s20], $0x2000;
	s23 =	sshll.u32 s17, $0x7  }
0x2ce: {  	[sflag:s20] =	ssyncset.done $0x0;
	s12 =	sand.u32 $0x3FFFFF80, s23  }
0x2cf: {  	[sflag:s20] =	ssyncadd.s32 $0xFFFFE000;
	s12 =	sadd.s32 $0xA000, s12  }
0x2d0: {  	[tilespmem:s24], [sflag:$0x2] =	stream.indirect.gather [spmem:s5], $0x80, s12, s28, $0xb8;
	[tilespmem:$0x1E000] =	vst v63  }
0x2d1: {  	_ =	swait.ge [sflag:s21], $0x2000  }
0x2d2: {  	[sflag:s21] =	ssyncset.done $0x0  }
0x2d3: {  	[sflag:s21] =	ssyncadd.s32 $0xFFFFE000  }
0x2d4: {  	_ =	swait.ge [sflag:s8], $0x2000  }
0x2d5: {  	[sflag:s8] =	ssyncset.done $0x0  }
0x2d6: {  	s13 =	simm.s32 $0x0;
	[sflag:s8] =	ssyncadd.s32 $0xFFFFE000  }
0x2d7: {  	v1 =	vld [tilespmem:s13+$0x1A3F0]  }
0x2d8: {  	v2 =	vld [tilespmem:s13+$0x1A000]  }
0x2d9: {  	v3 =	vld [tilespmem:s13+$0x1A010]  }
0x2da: {  	v4 =	vld [tilespmem:s13+$0x1A020]  }
0x2db: {  	v5 =	vld [tilespmem:s13+$0x1A030]  }
0x2dc: {  	v6 =	vld [tilespmem:s13+$0x1A040]  }
0x2dd: {  	v7 =	vld [tilespmem:s13+$0x1A050]  }
0x2de: {  	v8 =	vld [tilespmem:s13+$0x1A060]  }
0x2df: {  	v9 =	vld [tilespmem:s13+$0x1A070]  }
0x2e0: {  	v10 =	vld [tilespmem:s13+$0x1A080]  }
0x2e1: {  	v11 =	vld [tilespmem:s13+$0x1A090]  }
0x2e2: {  	v12 =	vld [tilespmem:s13+$0x1A0A0]  }
0x2e3: {  	v13 =	vld [tilespmem:s13+$0x1A0B0]  }
0x2e4: {  	v14 =	vld [tilespmem:s13+$0x1A0C0]  }
0x2e5: {  	v15 =	vld [tilespmem:s13+$0x1A0D0]  }
0x2e6: {  	v16 =	vld [tilespmem:s13+$0x1A0E0]  }
0x2e7: {  	v17 =	vld [tilespmem:s13+$0x1A0F0]  }
0x2e8: {  	v18 =	vld [tilespmem:s13+$0x1A100]  }
0x2e9: {  	v19 =	vld [tilespmem:s13+$0x1A110]  }
0x2ea: {  	v20 =	vld [tilespmem:s13+$0x1A120]  }
0x2eb: {  	v21 =	vld [tilespmem:s13+$0x1A130]  }
0x2ec: {  	v22 =	vld [tilespmem:s13+$0x1A140]  }
0x2ed: {  	v23 =	vld [tilespmem:s13+$0x1A150]  }
0x2ee: {  	v24 =	vld [tilespmem:s13+$0x1A160]  }
0x2ef: {  	v25 =	vld [tilespmem:s13+$0x1A170]  }
0x2f0: {  	v26 =	vld [tilespmem:s13+$0x1A180]  }
0x2f1: {  	v27 =	vld [tilespmem:s13+$0x1A190]  }
0x2f2: {  	v28 =	vld [tilespmem:s13+$0x1A1A0]  }
0x2f3: {  	v29 =	vld [tilespmem:s13+$0x1A1B0]  }
0x2f4: {  	v30 =	vld [tilespmem:s13+$0x1A1C0]  }
0x2f5: {  	v31 =	vld [tilespmem:s13+$0x1A1D0]  }
0x2f6: {  	v32 =	vld [tilespmem:s13+$0x1A1E0]  }
0x2f7: {  	v33 =	vld [tilespmem:s13+$0x1A1F0]  }
0x2f8: {  	v34 =	vld [tilespmem:s13+$0x1A200]  }
0x2f9: {  	v35 =	vld [tilespmem:s13+$0x1A210]  }
0x2fa: {  	v36 =	vld [tilespmem:s13+$0x1A220]  }
0x2fb: {  	v37 =	vld [tilespmem:s13+$0x1A230]  }
0x2fc: {  	v38 =	vld [tilespmem:s13+$0x1A240]  }
0x2fd: {  	v39 =	vld [tilespmem:s13+$0x1A250]  }
0x2fe: {  	v40 =	vld [tilespmem:s13+$0x1A260]  }
0x2ff: {  	v41 =	vld [tilespmem:s13+$0x1A270]  }
0x300: {  	v42 =	vld [tilespmem:s13+$0x1A280]  }
0x301: {  	v43 =	vld [tilespmem:s13+$0x1A290]  }
0x302: {  	v44 =	vld [tilespmem:s13+$0x1A2A0]  }
0x303: {  	v45 =	vld [tilespmem:s13+$0x1A2B0]  }
0x304: {  	v46 =	vld [tilespmem:s13+$0x1A2C0]  }
0x305: {  	v47 =	vld [tilespmem:s13+$0x1A2D0]  }
0x306: {  	v48 =	vld [tilespmem:s13+$0x1A2E0]  }
0x307: {  	v49 =	vld [tilespmem:s13+$0x1A2F0]  }
0x308: {  	v50 =	vld [tilespmem:s13+$0x1A300]  }
0x309: {  	v51 =	vld [tilespmem:s13+$0x1A310]  }
0x30a: {  	v52 =	vld [tilespmem:s13+$0x1A320]  }
0x30b: {  	v53 =	vld [tilespmem:s13+$0x1A330]  }
0x30c: {  	v54 =	vld [tilespmem:s13+$0x1A340]  }
0x30d: {  	v55 =	vld [tilespmem:s13+$0x1A350]  }
0x30e: {  	v56 =	vld [tilespmem:s13+$0x1A360]  }
0x30f: {  	v57 =	vld [tilespmem:s13+$0x1A370]  }
0x310: {  	v58 =	vld [tilespmem:s13+$0x1A380]  }
0x311: {  	v59 =	vld [tilespmem:s13+$0x1A390]  }
0x312: {  	v60 =	vld [tilespmem:s13+$0x1A3A0]  }
0x313: {  	v61 =	vld [tilespmem:s13+$0x1A3B0]  }
0x314: {  	v62 =	vld [tilespmem:s13+$0x1A3C0]  }
0x315: {  	v63 =	vld [tilespmem:s13+$0x1A3D0]  }
0x316: {  	[tilespmem:s13+$0x1C3F0] =	vst.add.f32.msk $0xffff, v1  }
0x317: {  	v1 =	vld [tilespmem:s13+$0x1A3E0]  }
0x318: {  	[tilespmem:s13+$0x1C000] =	vst.add.f32.msk $0xffff, v2  }
0x319: {  	[tilespmem:s13+$0x1C010] =	vst.add.f32.msk $0xffff, v3  }
0x31a: {  	[tilespmem:s13+$0x1C020] =	vst.add.f32.msk $0xffff, v4  }
0x31b: {  	[tilespmem:s13+$0x1C030] =	vst.add.f32.msk $0xffff, v5  }
0x31c: {  	[tilespmem:s13+$0x1C040] =	vst.add.f32.msk $0xffff, v6  }
0x31d: {  	[tilespmem:s13+$0x1C050] =	vst.add.f32.msk $0xffff, v7  }
0x31e: {  	[tilespmem:s13+$0x1C060] =	vst.add.f32.msk $0xffff, v8  }
0x31f: {  	[tilespmem:s13+$0x1C070] =	vst.add.f32.msk $0xffff, v9  }
0x320: {  	[tilespmem:s13+$0x1C080] =	vst.add.f32.msk $0xffff, v10  }
0x321: {  	[tilespmem:s13+$0x1C090] =	vst.add.f32.msk $0xffff, v11  }
0x322: {  	[tilespmem:s13+$0x1C0A0] =	vst.add.f32.msk $0xffff, v12  }
0x323: {  	[tilespmem:s13+$0x1C0B0] =	vst.add.f32.msk $0xffff, v13  }
0x324: {  	[tilespmem:s13+$0x1C0C0] =	vst.add.f32.msk $0xffff, v14  }
0x325: {  	[tilespmem:s13+$0x1C0D0] =	vst.add.f32.msk $0xffff, v15  }
0x326: {  	[tilespmem:s13+$0x1C0E0] =	vst.add.f32.msk $0xffff, v16  }
0x327: {  	[tilespmem:s13+$0x1C0F0] =	vst.add.f32.msk $0xffff, v17  }
0x328: {  	[tilespmem:s13+$0x1C100] =	vst.add.f32.msk $0xffff, v18  }
0x329: {  	[tilespmem:s13+$0x1C110] =	vst.add.f32.msk $0xffff, v19  }
0x32a: {  	[tilespmem:s13+$0x1C120] =	vst.add.f32.msk $0xffff, v20  }
0x32b: {  	[tilespmem:s13+$0x1C130] =	vst.add.f32.msk $0xffff, v21  }
0x32c: {  	[tilespmem:s13+$0x1C140] =	vst.add.f32.msk $0xffff, v22  }
0x32d: {  	[tilespmem:s13+$0x1C150] =	vst.add.f32.msk $0xffff, v23  }
0x32e: {  	[tilespmem:s13+$0x1C160] =	vst.add.f32.msk $0xffff, v24  }
0x32f: {  	[tilespmem:s13+$0x1C170] =	vst.add.f32.msk $0xffff, v25  }
0x330: {  	[tilespmem:s13+$0x1C180] =	vst.add.f32.msk $0xffff, v26  }
0x331: {  	[tilespmem:s13+$0x1C190] =	vst.add.f32.msk $0xffff, v27  }
0x332: {  	[tilespmem:s13+$0x1C1A0] =	vst.add.f32.msk $0xffff, v28  }
0x333: {  	[tilespmem:s13+$0x1C1B0] =	vst.add.f32.msk $0xffff, v29  }
0x334: {  	[tilespmem:s13+$0x1C1C0] =	vst.add.f32.msk $0xffff, v30  }
0x335: {  	[tilespmem:s13+$0x1C1D0] =	vst.add.f32.msk $0xffff, v31  }
0x336: {  	[tilespmem:s13+$0x1C1E0] =	vst.add.f32.msk $0xffff, v32  }
0x337: {  	[tilespmem:s13+$0x1C1F0] =	vst.add.f32.msk $0xffff, v33  }
0x338: {  	[tilespmem:s13+$0x1C200] =	vst.add.f32.msk $0xffff, v34  }
0x339: {  	[tilespmem:s13+$0x1C210] =	vst.add.f32.msk $0xffff, v35  }
0x33a: {  	[tilespmem:s13+$0x1C220] =	vst.add.f32.msk $0xffff, v36  }
0x33b: {  	[tilespmem:s13+$0x1C230] =	vst.add.f32.msk $0xffff, v37  }
0x33c: {  	[tilespmem:s13+$0x1C240] =	vst.add.f32.msk $0xffff, v38  }
0x33d: {  	[tilespmem:s13+$0x1C250] =	vst.add.f32.msk $0xffff, v39  }
0x33e: {  	[tilespmem:s13+$0x1C260] =	vst.add.f32.msk $0xffff, v40  }
0x33f: {  	[tilespmem:s13+$0x1C270] =	vst.add.f32.msk $0xffff, v41  }
0x340: {  	[tilespmem:s13+$0x1C280] =	vst.add.f32.msk $0xffff, v42  }
0x341: {  	[tilespmem:s13+$0x1C290] =	vst.add.f32.msk $0xffff, v43  }
0x342: {  	[tilespmem:s13+$0x1C2A0] =	vst.add.f32.msk $0xffff, v44  }
0x343: {  	[tilespmem:s13+$0x1C2B0] =	vst.add.f32.msk $0xffff, v45  }
0x344: {  	[tilespmem:s13+$0x1C2C0] =	vst.add.f32.msk $0xffff, v46  }
0x345: {  	[tilespmem:s13+$0x1C2D0] =	vst.add.f32.msk $0xffff, v47  }
0x346: {  	[tilespmem:s13+$0x1C2E0] =	vst.add.f32.msk $0xffff, v48  }
0x347: {  	[tilespmem:s13+$0x1C2F0] =	vst.add.f32.msk $0xffff, v49  }
0x348: {  	[tilespmem:s13+$0x1C300] =	vst.add.f32.msk $0xffff, v50  }
0x349: {  	[tilespmem:s13+$0x1C310] =	vst.add.f32.msk $0xffff, v51  }
0x34a: {  	[tilespmem:s13+$0x1C320] =	vst.add.f32.msk $0xffff, v52  }
0x34b: {  	[tilespmem:s13+$0x1C330] =	vst.add.f32.msk $0xffff, v53  }
0x34c: {  	[tilespmem:s13+$0x1C340] =	vst.add.f32.msk $0xffff, v54  }
0x34d: {  	[tilespmem:s13+$0x1C350] =	vst.add.f32.msk $0xffff, v55  }
0x34e: {  	[tilespmem:s13+$0x1C360] =	vst.add.f32.msk $0xffff, v56  }
0x34f: {  	[tilespmem:s13+$0x1C370] =	vst.add.f32.msk $0xffff, v57  }
0x350: {  	[tilespmem:s13+$0x1C380] =	vst.add.f32.msk $0xffff, v58  }
0x351: {  	[tilespmem:s13+$0x1C390] =	vst.add.f32.msk $0xffff, v59  }
0x352: {  	[tilespmem:s13+$0x1C3A0] =	vst.add.f32.msk $0xffff, v60  }
0x353: {  	[tilespmem:s13+$0x1C3B0] =	vst.add.f32.msk $0xffff, v61  }
0x354: {  	[tilespmem:s13+$0x1C3C0] =	vst.add.f32.msk $0xffff, v62  }
0x355: {  	s30 =	simm.s32 $0x1000;
	s23 =	sadd.s32 $0x200, s18;
	s12 =	simm.s32 $0x0;
	[tilespmem:s13+$0x1C3D0] =	vst.add.f32.msk $0xffff, v63  }
.LBB2_11:
0x356: {  	s12 =	sadd.s32 $0x8, s12;
	[tilespmem:s13+$0x1C3E0] =	vst.add.f32.msk $0xffff, v1;
	s13 =	sshra.s32 s30, $0x2  }
0x357: {  	v1 =	vld [tilespmem:s13+$0x1A3F0];
	p0 =	slt.u32 s12, $0x38  }
0x358: {  	v2 =	vld [tilespmem:s13+$0x1A000]  }
0x359: {  	v3 =	vld [tilespmem:s13+$0x1A010]  }
0x35a: {  	v4 =	vld [tilespmem:s13+$0x1A020]  }
0x35b: {  	v5 =	vld [tilespmem:s13+$0x1A030]  }
0x35c: {  	[tilespmem:s13+$0x1C3F0] =	vst.add.f32.msk $0xffff, v1  }
0x35d: {  	v6 =	vld [tilespmem:s13+$0x1A040]  }
0x35e: {  	v7 =	vld [tilespmem:s13+$0x1A050]  }
0x35f: {  	v8 =	vld [tilespmem:s13+$0x1A060]  }
0x360: {  	v9 =	vld [tilespmem:s13+$0x1A070]  }
0x361: {  	v10 =	vld [tilespmem:s13+$0x1A080]  }
0x362: {  	v11 =	vld [tilespmem:s13+$0x1A090]  }
0x363: {  	v12 =	vld [tilespmem:s13+$0x1A0A0]  }
0x364: {  	v13 =	vld [tilespmem:s13+$0x1A0B0]  }
0x365: {  	v14 =	vld [tilespmem:s13+$0x1A0C0]  }
0x366: {  	v15 =	vld [tilespmem:s13+$0x1A0D0]  }
0x367: {  	v16 =	vld [tilespmem:s13+$0x1A0E0]  }
0x368: {  	v17 =	vld [tilespmem:s13+$0x1A0F0]  }
0x369: {  	v18 =	vld [tilespmem:s13+$0x1A100]  }
0x36a: {  	v19 =	vld [tilespmem:s13+$0x1A110]  }
0x36b: {  	v20 =	vld [tilespmem:s13+$0x1A120]  }
0x36c: {  	v21 =	vld [tilespmem:s13+$0x1A130]  }
0x36d: {  	v22 =	vld [tilespmem:s13+$0x1A140]  }
0x36e: {  	v23 =	vld [tilespmem:s13+$0x1A150]  }
0x36f: {  	v24 =	vld [tilespmem:s13+$0x1A160]  }
0x370: {  	v25 =	vld [tilespmem:s13+$0x1A170]  }
0x371: {  	v26 =	vld [tilespmem:s13+$0x1A180]  }
0x372: {  	v27 =	vld [tilespmem:s13+$0x1A190]  }
0x373: {  	v28 =	vld [tilespmem:s13+$0x1A1A0]  }
0x374: {  	v29 =	vld [tilespmem:s13+$0x1A1B0]  }
0x375: {  	v30 =	vld [tilespmem:s13+$0x1A1C0]  }
0x376: {  	v31 =	vld [tilespmem:s13+$0x1A1D0]  }
0x377: {  	v32 =	vld [tilespmem:s13+$0x1A1E0]  }
0x378: {  	v33 =	vld [tilespmem:s13+$0x1A1F0]  }
0x379: {  	v34 =	vld [tilespmem:s13+$0x1A200]  }
0x37a: {  	v35 =	vld [tilespmem:s13+$0x1A210]  }
0x37b: {  	v36 =	vld [tilespmem:s13+$0x1A220]  }
0x37c: {  	v37 =	vld [tilespmem:s13+$0x1A230]  }
0x37d: {  	v38 =	vld [tilespmem:s13+$0x1A240]  }
0x37e: {  	v39 =	vld [tilespmem:s13+$0x1A250]  }
0x37f: {  	v40 =	vld [tilespmem:s13+$0x1A260]  }
0x380: {  	v41 =	vld [tilespmem:s13+$0x1A270]  }
0x381: {  	v42 =	vld [tilespmem:s13+$0x1A280]  }
0x382: {  	v43 =	vld [tilespmem:s13+$0x1A290]  }
0x383: {  	v44 =	vld [tilespmem:s13+$0x1A2A0]  }
0x384: {  	v45 =	vld [tilespmem:s13+$0x1A2B0]  }
0x385: {  	v46 =	vld [tilespmem:s13+$0x1A2C0]  }
0x386: {  	v47 =	vld [tilespmem:s13+$0x1A2D0]  }
0x387: {  	v48 =	vld [tilespmem:s13+$0x1A2E0]  }
0x388: {  	v49 =	vld [tilespmem:s13+$0x1A2F0]  }
0x389: {  	v50 =	vld [tilespmem:s13+$0x1A300]  }
0x38a: {  	v51 =	vld [tilespmem:s13+$0x1A310]  }
0x38b: {  	v52 =	vld [tilespmem:s13+$0x1A320]  }
0x38c: {  	v53 =	vld [tilespmem:s13+$0x1A330]  }
0x38d: {  	v54 =	vld [tilespmem:s13+$0x1A340]  }
0x38e: {  	v55 =	vld [tilespmem:s13+$0x1A350]  }
0x38f: {  	v56 =	vld [tilespmem:s13+$0x1A360]  }
0x390: {  	v57 =	vld [tilespmem:s13+$0x1A370]  }
0x391: {  	v58 =	vld [tilespmem:s13+$0x1A380]  }
0x392: {  	v59 =	vld [tilespmem:s13+$0x1A390]  }
0x393: {  	v60 =	vld [tilespmem:s13+$0x1A3A0]  }
0x394: {  	v61 =	vld [tilespmem:s13+$0x1A3B0]  }
0x395: {  	v62 =	vld [tilespmem:s13+$0x1A3C0]  }
0x396: {  	v63 =	vld [tilespmem:s13+$0x1A3D0]  }
0x397: {  	v1 =	vld [tilespmem:s13+$0x1A3E0]  }
0x398: {  	[tilespmem:s13+$0x1C000] =	vst.add.f32.msk $0xffff, v2  }
0x399: {  	[tilespmem:s13+$0x1C010] =	vst.add.f32.msk $0xffff, v3  }
0x39a: {  	[tilespmem:s13+$0x1C020] =	vst.add.f32.msk $0xffff, v4  }
0x39b: {  	[tilespmem:s13+$0x1C030] =	vst.add.f32.msk $0xffff, v5  }
0x39c: {  	[tilespmem:s13+$0x1C040] =	vst.add.f32.msk $0xffff, v6  }
0x39d: {  	[tilespmem:s13+$0x1C050] =	vst.add.f32.msk $0xffff, v7  }
0x39e: {  	[tilespmem:s13+$0x1C060] =	vst.add.f32.msk $0xffff, v8  }
0x39f: {  	[tilespmem:s13+$0x1C070] =	vst.add.f32.msk $0xffff, v9  }
0x3a0: {  	[tilespmem:s13+$0x1C080] =	vst.add.f32.msk $0xffff, v10  }
0x3a1: {  	[tilespmem:s13+$0x1C090] =	vst.add.f32.msk $0xffff, v11  }
0x3a2: {  	[tilespmem:s13+$0x1C0A0] =	vst.add.f32.msk $0xffff, v12  }
0x3a3: {  	[tilespmem:s13+$0x1C0B0] =	vst.add.f32.msk $0xffff, v13  }
0x3a4: {  	[tilespmem:s13+$0x1C0C0] =	vst.add.f32.msk $0xffff, v14  }
0x3a5: {  	[tilespmem:s13+$0x1C0D0] =	vst.add.f32.msk $0xffff, v15  }
0x3a6: {  	[tilespmem:s13+$0x1C0E0] =	vst.add.f32.msk $0xffff, v16  }
0x3a7: {  	[tilespmem:s13+$0x1C0F0] =	vst.add.f32.msk $0xffff, v17  }
0x3a8: {  	[tilespmem:s13+$0x1C100] =	vst.add.f32.msk $0xffff, v18  }
0x3a9: {  	[tilespmem:s13+$0x1C110] =	vst.add.f32.msk $0xffff, v19  }
0x3aa: {  	[tilespmem:s13+$0x1C120] =	vst.add.f32.msk $0xffff, v20  }
0x3ab: {  	[tilespmem:s13+$0x1C130] =	vst.add.f32.msk $0xffff, v21  }
0x3ac: {  	[tilespmem:s13+$0x1C140] =	vst.add.f32.msk $0xffff, v22  }
0x3ad: {  	[tilespmem:s13+$0x1C150] =	vst.add.f32.msk $0xffff, v23  }
0x3ae: {  	[tilespmem:s13+$0x1C160] =	vst.add.f32.msk $0xffff, v24  }
0x3af: {  	[tilespmem:s13+$0x1C170] =	vst.add.f32.msk $0xffff, v25  }
0x3b0: {  	[tilespmem:s13+$0x1C180] =	vst.add.f32.msk $0xffff, v26  }
0x3b1: {  	[tilespmem:s13+$0x1C190] =	vst.add.f32.msk $0xffff, v27  }
0x3b2: {  	[tilespmem:s13+$0x1C1A0] =	vst.add.f32.msk $0xffff, v28  }
0x3b3: {  	[tilespmem:s13+$0x1C1B0] =	vst.add.f32.msk $0xffff, v29  }
0x3b4: {  	[tilespmem:s13+$0x1C1C0] =	vst.add.f32.msk $0xffff, v30  }
0x3b5: {  	[tilespmem:s13+$0x1C1D0] =	vst.add.f32.msk $0xffff, v31  }
0x3b6: {  	[tilespmem:s13+$0x1C1E0] =	vst.add.f32.msk $0xffff, v32  }
0x3b7: {  	[tilespmem:s13+$0x1C1F0] =	vst.add.f32.msk $0xffff, v33  }
0x3b8: {  	[tilespmem:s13+$0x1C200] =	vst.add.f32.msk $0xffff, v34  }
0x3b9: {  	[tilespmem:s13+$0x1C210] =	vst.add.f32.msk $0xffff, v35  }
0x3ba: {  	[tilespmem:s13+$0x1C220] =	vst.add.f32.msk $0xffff, v36  }
0x3bb: {  	[tilespmem:s13+$0x1C230] =	vst.add.f32.msk $0xffff, v37  }
0x3bc: {  	[tilespmem:s13+$0x1C240] =	vst.add.f32.msk $0xffff, v38  }
0x3bd: {  	[tilespmem:s13+$0x1C250] =	vst.add.f32.msk $0xffff, v39  }
0x3be: {  	[tilespmem:s13+$0x1C260] =	vst.add.f32.msk $0xffff, v40  }
0x3bf: {  	[tilespmem:s13+$0x1C270] =	vst.add.f32.msk $0xffff, v41  }
0x3c0: {  	[tilespmem:s13+$0x1C280] =	vst.add.f32.msk $0xffff, v42  }
0x3c1: {  	[tilespmem:s13+$0x1C290] =	vst.add.f32.msk $0xffff, v43  }
0x3c2: {  	[tilespmem:s13+$0x1C2A0] =	vst.add.f32.msk $0xffff, v44  }
0x3c3: {  	[tilespmem:s13+$0x1C2B0] =	vst.add.f32.msk $0xffff, v45  }
0x3c4: {  	[tilespmem:s13+$0x1C2C0] =	vst.add.f32.msk $0xffff, v46  }
0x3c5: {  	[tilespmem:s13+$0x1C2D0] =	vst.add.f32.msk $0xffff, v47  }
0x3c6: {  	[tilespmem:s13+$0x1C2E0] =	vst.add.f32.msk $0xffff, v48  }
0x3c7: {  	[tilespmem:s13+$0x1C2F0] =	vst.add.f32.msk $0xffff, v49  }
0x3c8: {  	[tilespmem:s13+$0x1C300] =	vst.add.f32.msk $0xffff, v50  }
0x3c9: {  	[tilespmem:s13+$0x1C310] =	vst.add.f32.msk $0xffff, v51  }
0x3ca: {  	[tilespmem:s13+$0x1C320] =	vst.add.f32.msk $0xffff, v52  }
0x3cb: {  	[tilespmem:s13+$0x1C330] =	vst.add.f32.msk $0xffff, v53  }
0x3cc: {  	[tilespmem:s13+$0x1C340] =	vst.add.f32.msk $0xffff, v54  }
0x3cd: {  	[tilespmem:s13+$0x1C350] =	vst.add.f32.msk $0xffff, v55  }
0x3ce: {  	[tilespmem:s13+$0x1C360] =	vst.add.f32.msk $0xffff, v56  }
0x3cf: {  	[tilespmem:s13+$0x1C370] =	vst.add.f32.msk $0xffff, v57  }
0x3d0: {  	[tilespmem:s13+$0x1C380] =	vst.add.f32.msk $0xffff, v58  }
.Ltmp4:
0x3d1: {  	[tilespmem:s13+$0x1C390] =	vst.add.f32.msk $0xffff, v59;
	(pc) =	sbr.rel @p0 .LBB2_11-.Ltmp4, $4  }
0x3d2: {  	[tilespmem:s13+$0x1C3A0] =	vst.add.f32.msk $0xffff, v60  }
0x3d3: {  	[tilespmem:s13+$0x1C3B0] =	vst.add.f32.msk $0xffff, v61  }
0x3d4: {  	[tilespmem:s13+$0x1C3C0] =	vst.add.f32.msk $0xffff, v62  }
0x3d5: {  	s30 =	sadd.s32 $0x1000, s30;
	[tilespmem:s13+$0x1C3D0] =	vst.add.f32.msk $0xffff, v63  }
0x3d6: {  	s12 =	sadd.s32 s19, s15  }
0x3d7: {  	s12 =	sshll.u32 s12, $0xA  }
0x3d8: {  	s12 =	sand.u32 $0x1FFFFC00, s12  }
0x3d9: {  	[tilespmem:s13+$0x1C3E0] =	vst.add.f32.msk $0xffff, v1;
	s30 =	simm.s32 $0x0;
	s12 =	sadd.s32 s4, s12  }
0x3da: {  	[hbm4b:s12+s30] =	stream.linear.scatter [tilespmem:s31], [sflag:$0x9], $0x2000, $0x38;
	[tilespmem:$0x1E000] =	vst v63  }
0x3db: {  	s19 =	sadd.s32 $0x2280, s18  }
0x3dc: {  	[tilespmem:s2], [sflag:$0x7] =	stream.indirect.gather [hbm4b:s0+s28], $0x80, s19, s28, $0xb8;
	[tilespmem:$0x1E000] =	vst v63  }
0x3dd: {  	_ =	swait.ge [sflag:s9], $0x2000  }
0x3de: {  	[sflag:s9] =	ssyncset.done $0x0  }
0x3df: {  	s30 =	sadd.s32 $0xA000, s23;
	[sflag:s9] =	ssyncadd.s32 $0xFFFFE000  }
0x3e0: {  	[tilespmem:s3], [sflag:$0x5] =	stream.indirect.gather [spmem:s5], $0x80, s30, s28, $0xb8;
	[tilespmem:$0x1E000] =	vst v63  }
0x3e1: {  	_ =	swait.ge [sflag:s1], $0x2000  }
0x3e2: {  	[sflag:s1] =	ssyncset.done $0x0  }
0x3e3: {  	[sflag:s1] =	ssyncadd.s32 $0xFFFFE000  }
0x3e4: {  	_ =	swait.ge [sflag:s29], $0x2000  }
0x3e5: {  	[sflag:s29] =	ssyncset.done $0x0  }
0x3e6: {  	s13 =	simm.s32 $0x0;
	[sflag:s29] =	ssyncadd.s32 $0xFFFFE000  }
0x3e7: {  	v1 =	vld [tilespmem:s13+$0x123F0]  }
0x3e8: {  	v2 =	vld [tilespmem:s13+$0x12000]  }
0x3e9: {  	v3 =	vld [tilespmem:s13+$0x12010]  }
0x3ea: {  	v4 =	vld [tilespmem:s13+$0x12020]  }
0x3eb: {  	v5 =	vld [tilespmem:s13+$0x12030]  }
0x3ec: {  	v6 =	vld [tilespmem:s13+$0x12040]  }
0x3ed: {  	v7 =	vld [tilespmem:s13+$0x12050]  }
0x3ee: {  	v8 =	vld [tilespmem:s13+$0x12060]  }
0x3ef: {  	v9 =	vld [tilespmem:s13+$0x12070]  }
0x3f0: {  	v10 =	vld [tilespmem:s13+$0x12080]  }
0x3f1: {  	v11 =	vld [tilespmem:s13+$0x12090]  }
0x3f2: {  	v12 =	vld [tilespmem:s13+$0x120A0]  }
0x3f3: {  	v13 =	vld [tilespmem:s13+$0x120B0]  }
0x3f4: {  	v14 =	vld [tilespmem:s13+$0x120C0]  }
0x3f5: {  	v15 =	vld [tilespmem:s13+$0x120D0]  }
0x3f6: {  	v16 =	vld [tilespmem:s13+$0x120E0]  }
0x3f7: {  	v17 =	vld [tilespmem:s13+$0x120F0]  }
0x3f8: {  	v18 =	vld [tilespmem:s13+$0x12100]  }
0x3f9: {  	v19 =	vld [tilespmem:s13+$0x12110]  }
0x3fa: {  	v20 =	vld [tilespmem:s13+$0x12120]  }
0x3fb: {  	v21 =	vld [tilespmem:s13+$0x12130]  }
0x3fc: {  	v22 =	vld [tilespmem:s13+$0x12140]  }
0x3fd: {  	v23 =	vld [tilespmem:s13+$0x12150]  }
0x3fe: {  	v24 =	vld [tilespmem:s13+$0x12160]  }
0x3ff: {  	v25 =	vld [tilespmem:s13+$0x12170]  }
0x400: {  	v26 =	vld [tilespmem:s13+$0x12180]  }
0x401: {  	v27 =	vld [tilespmem:s13+$0x12190]  }
0x402: {  	v28 =	vld [tilespmem:s13+$0x121A0]  }
0x403: {  	v29 =	vld [tilespmem:s13+$0x121B0]  }
0x404: {  	v30 =	vld [tilespmem:s13+$0x121C0]  }
0x405: {  	v31 =	vld [tilespmem:s13+$0x121D0]  }
0x406: {  	v32 =	vld [tilespmem:s13+$0x121E0]  }
0x407: {  	v33 =	vld [tilespmem:s13+$0x121F0]  }
0x408: {  	v34 =	vld [tilespmem:s13+$0x12200]  }
0x409: {  	v35 =	vld [tilespmem:s13+$0x12210]  }
0x40a: {  	v36 =	vld [tilespmem:s13+$0x12220]  }
0x40b: {  	v37 =	vld [tilespmem:s13+$0x12230]  }
0x40c: {  	v38 =	vld [tilespmem:s13+$0x12240]  }
0x40d: {  	v39 =	vld [tilespmem:s13+$0x12250]  }
0x40e: {  	v40 =	vld [tilespmem:s13+$0x12260]  }
0x40f: {  	v41 =	vld [tilespmem:s13+$0x12270]  }
0x410: {  	v42 =	vld [tilespmem:s13+$0x12280]  }
0x411: {  	v43 =	vld [tilespmem:s13+$0x12290]  }
0x412: {  	v44 =	vld [tilespmem:s13+$0x122A0]  }
0x413: {  	v45 =	vld [tilespmem:s13+$0x122B0]  }
0x414: {  	v46 =	vld [tilespmem:s13+$0x122C0]  }
0x415: {  	v47 =	vld [tilespmem:s13+$0x122D0]  }
0x416: {  	v48 =	vld [tilespmem:s13+$0x122E0]  }
0x417: {  	v49 =	vld [tilespmem:s13+$0x122F0]  }
0x418: {  	v50 =	vld [tilespmem:s13+$0x12300]  }
0x419: {  	v51 =	vld [tilespmem:s13+$0x12310]  }
0x41a: {  	v52 =	vld [tilespmem:s13+$0x12320]  }
0x41b: {  	v53 =	vld [tilespmem:s13+$0x12330]  }
0x41c: {  	v54 =	vld [tilespmem:s13+$0x12340]  }
0x41d: {  	v55 =	vld [tilespmem:s13+$0x12350]  }
0x41e: {  	v56 =	vld [tilespmem:s13+$0x12360]  }
0x41f: {  	v57 =	vld [tilespmem:s13+$0x12370]  }
0x420: {  	v58 =	vld [tilespmem:s13+$0x12380]  }
0x421: {  	v59 =	vld [tilespmem:s13+$0x12390]  }
0x422: {  	v60 =	vld [tilespmem:s13+$0x123A0]  }
0x423: {  	v61 =	vld [tilespmem:s13+$0x123B0]  }
0x424: {  	v62 =	vld [tilespmem:s13+$0x123C0]  }
0x425: {  	v63 =	vld [tilespmem:s13+$0x123D0]  }
0x426: {  	[tilespmem:s13+$0x143F0] =	vst.add.f32.msk $0xffff, v1  }
0x427: {  	v1 =	vld [tilespmem:s13+$0x123E0]  }
0x428: {  	[tilespmem:s13+$0x14000] =	vst.add.f32.msk $0xffff, v2  }
0x429: {  	[tilespmem:s13+$0x14010] =	vst.add.f32.msk $0xffff, v3  }
0x42a: {  	[tilespmem:s13+$0x14020] =	vst.add.f32.msk $0xffff, v4  }
0x42b: {  	[tilespmem:s13+$0x14030] =	vst.add.f32.msk $0xffff, v5  }
0x42c: {  	[tilespmem:s13+$0x14040] =	vst.add.f32.msk $0xffff, v6  }
0x42d: {  	[tilespmem:s13+$0x14050] =	vst.add.f32.msk $0xffff, v7  }
0x42e: {  	[tilespmem:s13+$0x14060] =	vst.add.f32.msk $0xffff, v8  }
0x42f: {  	[tilespmem:s13+$0x14070] =	vst.add.f32.msk $0xffff, v9  }
0x430: {  	[tilespmem:s13+$0x14080] =	vst.add.f32.msk $0xffff, v10  }
0x431: {  	[tilespmem:s13+$0x14090] =	vst.add.f32.msk $0xffff, v11  }
0x432: {  	[tilespmem:s13+$0x140A0] =	vst.add.f32.msk $0xffff, v12  }
0x433: {  	[tilespmem:s13+$0x140B0] =	vst.add.f32.msk $0xffff, v13  }
0x434: {  	[tilespmem:s13+$0x140C0] =	vst.add.f32.msk $0xffff, v14  }
0x435: {  	[tilespmem:s13+$0x140D0] =	vst.add.f32.msk $0xffff, v15  }
0x436: {  	[tilespmem:s13+$0x140E0] =	vst.add.f32.msk $0xffff, v16  }
0x437: {  	[tilespmem:s13+$0x140F0] =	vst.add.f32.msk $0xffff, v17  }
0x438: {  	[tilespmem:s13+$0x14100] =	vst.add.f32.msk $0xffff, v18  }
0x439: {  	[tilespmem:s13+$0x14110] =	vst.add.f32.msk $0xffff, v19  }
0x43a: {  	[tilespmem:s13+$0x14120] =	vst.add.f32.msk $0xffff, v20  }
0x43b: {  	[tilespmem:s13+$0x14130] =	vst.add.f32.msk $0xffff, v21  }
0x43c: {  	[tilespmem:s13+$0x14140] =	vst.add.f32.msk $0xffff, v22  }
0x43d: {  	[tilespmem:s13+$0x14150] =	vst.add.f32.msk $0xffff, v23  }
0x43e: {  	[tilespmem:s13+$0x14160] =	vst.add.f32.msk $0xffff, v24  }
0x43f: {  	[tilespmem:s13+$0x14170] =	vst.add.f32.msk $0xffff, v25  }
0x440: {  	[tilespmem:s13+$0x14180] =	vst.add.f32.msk $0xffff, v26  }
0x441: {  	[tilespmem:s13+$0x14190] =	vst.add.f32.msk $0xffff, v27  }
0x442: {  	[tilespmem:s13+$0x141A0] =	vst.add.f32.msk $0xffff, v28  }
0x443: {  	[tilespmem:s13+$0x141B0] =	vst.add.f32.msk $0xffff, v29  }
0x444: {  	[tilespmem:s13+$0x141C0] =	vst.add.f32.msk $0xffff, v30  }
0x445: {  	[tilespmem:s13+$0x141D0] =	vst.add.f32.msk $0xffff, v31  }
0x446: {  	[tilespmem:s13+$0x141E0] =	vst.add.f32.msk $0xffff, v32  }
0x447: {  	[tilespmem:s13+$0x141F0] =	vst.add.f32.msk $0xffff, v33  }
0x448: {  	[tilespmem:s13+$0x14200] =	vst.add.f32.msk $0xffff, v34  }
0x449: {  	[tilespmem:s13+$0x14210] =	vst.add.f32.msk $0xffff, v35  }
0x44a: {  	[tilespmem:s13+$0x14220] =	vst.add.f32.msk $0xffff, v36  }
0x44b: {  	[tilespmem:s13+$0x14230] =	vst.add.f32.msk $0xffff, v37  }
0x44c: {  	[tilespmem:s13+$0x14240] =	vst.add.f32.msk $0xffff, v38  }
0x44d: {  	[tilespmem:s13+$0x14250] =	vst.add.f32.msk $0xffff, v39  }
0x44e: {  	[tilespmem:s13+$0x14260] =	vst.add.f32.msk $0xffff, v40  }
0x44f: {  	[tilespmem:s13+$0x14270] =	vst.add.f32.msk $0xffff, v41  }
0x450: {  	[tilespmem:s13+$0x14280] =	vst.add.f32.msk $0xffff, v42  }
0x451: {  	[tilespmem:s13+$0x14290] =	vst.add.f32.msk $0xffff, v43  }
0x452: {  	[tilespmem:s13+$0x142A0] =	vst.add.f32.msk $0xffff, v44  }
0x453: {  	[tilespmem:s13+$0x142B0] =	vst.add.f32.msk $0xffff, v45  }
0x454: {  	[tilespmem:s13+$0x142C0] =	vst.add.f32.msk $0xffff, v46  }
0x455: {  	[tilespmem:s13+$0x142D0] =	vst.add.f32.msk $0xffff, v47  }
0x456: {  	[tilespmem:s13+$0x142E0] =	vst.add.f32.msk $0xffff, v48  }
0x457: {  	[tilespmem:s13+$0x142F0] =	vst.add.f32.msk $0xffff, v49  }
0x458: {  	[tilespmem:s13+$0x14300] =	vst.add.f32.msk $0xffff, v50  }
0x459: {  	[tilespmem:s13+$0x14310] =	vst.add.f32.msk $0xffff, v51  }
0x45a: {  	[tilespmem:s13+$0x14320] =	vst.add.f32.msk $0xffff, v52  }
0x45b: {  	[tilespmem:s13+$0x14330] =	vst.add.f32.msk $0xffff, v53  }
0x45c: {  	[tilespmem:s13+$0x14340] =	vst.add.f32.msk $0xffff, v54  }
0x45d: {  	[tilespmem:s13+$0x14350] =	vst.add.f32.msk $0xffff, v55  }
0x45e: {  	[tilespmem:s13+$0x14360] =	vst.add.f32.msk $0xffff, v56  }
0x45f: {  	[tilespmem:s13+$0x14370] =	vst.add.f32.msk $0xffff, v57  }
0x460: {  	[tilespmem:s13+$0x14380] =	vst.add.f32.msk $0xffff, v58  }
0x461: {  	[tilespmem:s13+$0x14390] =	vst.add.f32.msk $0xffff, v59  }
0x462: {  	[tilespmem:s13+$0x143A0] =	vst.add.f32.msk $0xffff, v60  }
0x463: {  	[tilespmem:s13+$0x143B0] =	vst.add.f32.msk $0xffff, v61  }
0x464: {  	[tilespmem:s13+$0x143C0] =	vst.add.f32.msk $0xffff, v62  }
0x465: {  	s18 =	sadd.s32 $0x280, s18;
	s12 =	simm.s32 $0x0;
	s19 =	simm.s32 $0x1000;
	[tilespmem:s13+$0x143D0] =	vst.add.f32.msk $0xffff, v63  }
.LBB2_13:
0x466: {  	s12 =	sadd.s32 $0x8, s12;
	[tilespmem:s13+$0x143E0] =	vst.add.f32.msk $0xffff, v1;
	s13 =	sshra.s32 s19, $0x2  }
0x467: {  	v1 =	vld [tilespmem:s13+$0x123F0];
	p0 =	slt.u32 s12, $0x38  }
0x468: {  	v2 =	vld [tilespmem:s13+$0x12000]  }
0x469: {  	v3 =	vld [tilespmem:s13+$0x12010]  }
0x46a: {  	v4 =	vld [tilespmem:s13+$0x12020]  }
0x46b: {  	v5 =	vld [tilespmem:s13+$0x12030]  }
0x46c: {  	[tilespmem:s13+$0x143F0] =	vst.add.f32.msk $0xffff, v1  }
0x46d: {  	v6 =	vld [tilespmem:s13+$0x12040]  }
0x46e: {  	v7 =	vld [tilespmem:s13+$0x12050]  }
0x46f: {  	v8 =	vld [tilespmem:s13+$0x12060]  }
0x470: {  	v9 =	vld [tilespmem:s13+$0x12070]  }
0x471: {  	v10 =	vld [tilespmem:s13+$0x12080]  }
0x472: {  	v11 =	vld [tilespmem:s13+$0x12090]  }
0x473: {  	v12 =	vld [tilespmem:s13+$0x120A0]  }
0x474: {  	v13 =	vld [tilespmem:s13+$0x120B0]  }
0x475: {  	v14 =	vld [tilespmem:s13+$0x120C0]  }
0x476: {  	v15 =	vld [tilespmem:s13+$0x120D0]  }
0x477: {  	v16 =	vld [tilespmem:s13+$0x120E0]  }
0x478: {  	v17 =	vld [tilespmem:s13+$0x120F0]  }
0x479: {  	v18 =	vld [tilespmem:s13+$0x12100]  }
0x47a: {  	v19 =	vld [tilespmem:s13+$0x12110]  }
0x47b: {  	v20 =	vld [tilespmem:s13+$0x12120]  }
0x47c: {  	v21 =	vld [tilespmem:s13+$0x12130]  }
0x47d: {  	v22 =	vld [tilespmem:s13+$0x12140]  }
0x47e: {  	v23 =	vld [tilespmem:s13+$0x12150]  }
0x47f: {  	v24 =	vld [tilespmem:s13+$0x12160]  }
0x480: {  	v25 =	vld [tilespmem:s13+$0x12170]  }
0x481: {  	v26 =	vld [tilespmem:s13+$0x12180]  }
0x482: {  	v27 =	vld [tilespmem:s13+$0x12190]  }
0x483: {  	v28 =	vld [tilespmem:s13+$0x121A0]  }
0x484: {  	v29 =	vld [tilespmem:s13+$0x121B0]  }
0x485: {  	v30 =	vld [tilespmem:s13+$0x121C0]  }
0x486: {  	v31 =	vld [tilespmem:s13+$0x121D0]  }
0x487: {  	v32 =	vld [tilespmem:s13+$0x121E0]  }
0x488: {  	v33 =	vld [tilespmem:s13+$0x121F0]  }
0x489: {  	v34 =	vld [tilespmem:s13+$0x12200]  }
0x48a: {  	v35 =	vld [tilespmem:s13+$0x12210]  }
0x48b: {  	v36 =	vld [tilespmem:s13+$0x12220]  }
0x48c: {  	v37 =	vld [tilespmem:s13+$0x12230]  }
0x48d: {  	v38 =	vld [tilespmem:s13+$0x12240]  }
0x48e: {  	v39 =	vld [tilespmem:s13+$0x12250]  }
0x48f: {  	v40 =	vld [tilespmem:s13+$0x12260]  }
0x490: {  	v41 =	vld [tilespmem:s13+$0x12270]  }
0x491: {  	v42 =	vld [tilespmem:s13+$0x12280]  }
0x492: {  	v43 =	vld [tilespmem:s13+$0x12290]  }
0x493: {  	v44 =	vld [tilespmem:s13+$0x122A0]  }
0x494: {  	v45 =	vld [tilespmem:s13+$0x122B0]  }
0x495: {  	v46 =	vld [tilespmem:s13+$0x122C0]  }
0x496: {  	v47 =	vld [tilespmem:s13+$0x122D0]  }
0x497: {  	v48 =	vld [tilespmem:s13+$0x122E0]  }
0x498: {  	v49 =	vld [tilespmem:s13+$0x122F0]  }
0x499: {  	v50 =	vld [tilespmem:s13+$0x12300]  }
0x49a: {  	v51 =	vld [tilespmem:s13+$0x12310]  }
0x49b: {  	v52 =	vld [tilespmem:s13+$0x12320]  }
0x49c: {  	v53 =	vld [tilespmem:s13+$0x12330]  }
0x49d: {  	v54 =	vld [tilespmem:s13+$0x12340]  }
0x49e: {  	v55 =	vld [tilespmem:s13+$0x12350]  }
0x49f: {  	v56 =	vld [tilespmem:s13+$0x12360]  }
0x4a0: {  	v57 =	vld [tilespmem:s13+$0x12370]  }
0x4a1: {  	v58 =	vld [tilespmem:s13+$0x12380]  }
0x4a2: {  	v59 =	vld [tilespmem:s13+$0x12390]  }
0x4a3: {  	v60 =	vld [tilespmem:s13+$0x123A0]  }
0x4a4: {  	v61 =	vld [tilespmem:s13+$0x123B0]  }
0x4a5: {  	v62 =	vld [tilespmem:s13+$0x123C0]  }
0x4a6: {  	v63 =	vld [tilespmem:s13+$0x123D0]  }
0x4a7: {  	v1 =	vld [tilespmem:s13+$0x123E0]  }
0x4a8: {  	[tilespmem:s13+$0x14000] =	vst.add.f32.msk $0xffff, v2  }
0x4a9: {  	[tilespmem:s13+$0x14010] =	vst.add.f32.msk $0xffff, v3  }
0x4aa: {  	[tilespmem:s13+$0x14020] =	vst.add.f32.msk $0xffff, v4  }
0x4ab: {  	[tilespmem:s13+$0x14030] =	vst.add.f32.msk $0xffff, v5  }
0x4ac: {  	[tilespmem:s13+$0x14040] =	vst.add.f32.msk $0xffff, v6  }
0x4ad: {  	[tilespmem:s13+$0x14050] =	vst.add.f32.msk $0xffff, v7  }
0x4ae: {  	[tilespmem:s13+$0x14060] =	vst.add.f32.msk $0xffff, v8  }
0x4af: {  	[tilespmem:s13+$0x14070] =	vst.add.f32.msk $0xffff, v9  }
0x4b0: {  	[tilespmem:s13+$0x14080] =	vst.add.f32.msk $0xffff, v10  }
0x4b1: {  	[tilespmem:s13+$0x14090] =	vst.add.f32.msk $0xffff, v11  }
0x4b2: {  	[tilespmem:s13+$0x140A0] =	vst.add.f32.msk $0xffff, v12  }
0x4b3: {  	[tilespmem:s13+$0x140B0] =	vst.add.f32.msk $0xffff, v13  }
0x4b4: {  	[tilespmem:s13+$0x140C0] =	vst.add.f32.msk $0xffff, v14  }
0x4b5: {  	[tilespmem:s13+$0x140D0] =	vst.add.f32.msk $0xffff, v15  }
0x4b6: {  	[tilespmem:s13+$0x140E0] =	vst.add.f32.msk $0xffff, v16  }
0x4b7: {  	[tilespmem:s13+$0x140F0] =	vst.add.f32.msk $0xffff, v17  }
0x4b8: {  	[tilespmem:s13+$0x14100] =	vst.add.f32.msk $0xffff, v18  }
0x4b9: {  	[tilespmem:s13+$0x14110] =	vst.add.f32.msk $0xffff, v19  }
0x4ba: {  	[tilespmem:s13+$0x14120] =	vst.add.f32.msk $0xffff, v20  }
0x4bb: {  	[tilespmem:s13+$0x14130] =	vst.add.f32.msk $0xffff, v21  }
0x4bc: {  	[tilespmem:s13+$0x14140] =	vst.add.f32.msk $0xffff, v22  }
0x4bd: {  	[tilespmem:s13+$0x14150] =	vst.add.f32.msk $0xffff, v23  }
0x4be: {  	[tilespmem:s13+$0x14160] =	vst.add.f32.msk $0xffff, v24  }
0x4bf: {  	[tilespmem:s13+$0x14170] =	vst.add.f32.msk $0xffff, v25  }
0x4c0: {  	[tilespmem:s13+$0x14180] =	vst.add.f32.msk $0xffff, v26  }
0x4c1: {  	[tilespmem:s13+$0x14190] =	vst.add.f32.msk $0xffff, v27  }
0x4c2: {  	[tilespmem:s13+$0x141A0] =	vst.add.f32.msk $0xffff, v28  }
0x4c3: {  	[tilespmem:s13+$0x141B0] =	vst.add.f32.msk $0xffff, v29  }
0x4c4: {  	[tilespmem:s13+$0x141C0] =	vst.add.f32.msk $0xffff, v30  }
0x4c5: {  	[tilespmem:s13+$0x141D0] =	vst.add.f32.msk $0xffff, v31  }
0x4c6: {  	[tilespmem:s13+$0x141E0] =	vst.add.f32.msk $0xffff, v32  }
0x4c7: {  	[tilespmem:s13+$0x141F0] =	vst.add.f32.msk $0xffff, v33  }
0x4c8: {  	[tilespmem:s13+$0x14200] =	vst.add.f32.msk $0xffff, v34  }
0x4c9: {  	[tilespmem:s13+$0x14210] =	vst.add.f32.msk $0xffff, v35  }
0x4ca: {  	[tilespmem:s13+$0x14220] =	vst.add.f32.msk $0xffff, v36  }
0x4cb: {  	[tilespmem:s13+$0x14230] =	vst.add.f32.msk $0xffff, v37  }
0x4cc: {  	[tilespmem:s13+$0x14240] =	vst.add.f32.msk $0xffff, v38  }
0x4cd: {  	[tilespmem:s13+$0x14250] =	vst.add.f32.msk $0xffff, v39  }
0x4ce: {  	[tilespmem:s13+$0x14260] =	vst.add.f32.msk $0xffff, v40  }
0x4cf: {  	[tilespmem:s13+$0x14270] =	vst.add.f32.msk $0xffff, v41  }
0x4d0: {  	[tilespmem:s13+$0x14280] =	vst.add.f32.msk $0xffff, v42  }
0x4d1: {  	[tilespmem:s13+$0x14290] =	vst.add.f32.msk $0xffff, v43  }
0x4d2: {  	[tilespmem:s13+$0x142A0] =	vst.add.f32.msk $0xffff, v44  }
0x4d3: {  	[tilespmem:s13+$0x142B0] =	vst.add.f32.msk $0xffff, v45  }
0x4d4: {  	[tilespmem:s13+$0x142C0] =	vst.add.f32.msk $0xffff, v46  }
0x4d5: {  	[tilespmem:s13+$0x142D0] =	vst.add.f32.msk $0xffff, v47  }
0x4d6: {  	[tilespmem:s13+$0x142E0] =	vst.add.f32.msk $0xffff, v48  }
0x4d7: {  	[tilespmem:s13+$0x142F0] =	vst.add.f32.msk $0xffff, v49  }
0x4d8: {  	[tilespmem:s13+$0x14300] =	vst.add.f32.msk $0xffff, v50  }
0x4d9: {  	[tilespmem:s13+$0x14310] =	vst.add.f32.msk $0xffff, v51  }
0x4da: {  	[tilespmem:s13+$0x14320] =	vst.add.f32.msk $0xffff, v52  }
0x4db: {  	[tilespmem:s13+$0x14330] =	vst.add.f32.msk $0xffff, v53  }
0x4dc: {  	[tilespmem:s13+$0x14340] =	vst.add.f32.msk $0xffff, v54  }
0x4dd: {  	[tilespmem:s13+$0x14350] =	vst.add.f32.msk $0xffff, v55  }
0x4de: {  	[tilespmem:s13+$0x14360] =	vst.add.f32.msk $0xffff, v56  }
0x4df: {  	[tilespmem:s13+$0x14370] =	vst.add.f32.msk $0xffff, v57  }
0x4e0: {  	[tilespmem:s13+$0x14380] =	vst.add.f32.msk $0xffff, v58  }
.Ltmp5:
0x4e1: {  	[tilespmem:s13+$0x14390] =	vst.add.f32.msk $0xffff, v59;
	(pc) =	sbr.rel @p0 .LBB2_13-.Ltmp5, $4  }
0x4e2: {  	[tilespmem:s13+$0x143A0] =	vst.add.f32.msk $0xffff, v60  }
0x4e3: {  	[tilespmem:s13+$0x143B0] =	vst.add.f32.msk $0xffff, v61  }
0x4e4: {  	[tilespmem:s13+$0x143C0] =	vst.add.f32.msk $0xffff, v62  }
0x4e5: {  	s19 =	sadd.s32 $0x1000, s19;
	[tilespmem:s13+$0x143D0] =	vst.add.f32.msk $0xffff, v63  }
0x4e6: {  	s12 =	sadd.s32 s7, s17  }
0x4e7: {  	s19 =	smul.u32 $0x600, s16;
	s12 =	sshll.u32 s12, $0xA  }
0x4e8: {  	s12 =	sand.u32 $0x1FFFFC00, s12  }
0x4e9: {  	[tilespmem:s13+$0x143E0] =	vst.add.f32.msk $0xffff, v1;
	s16 =	sadd.s32 $0x1, s16;
	s23 =	sshra.s32 s19, $0x2;
	s12 =	sadd.s32 s4, s12  }
0x4ea: {  	[hbm4b:s12+s6] =	stream.linear.scatter [tilespmem:s24], [sflag:$0x3], $0x2000, $0x38;
	[tilespmem:$0x1E000] =	vst v63  }
0x4eb: {  	p0 =	sne.s32 s16, $0x54;
	s12 =	sadd.s32 $0x2300, s23  }
0x4ec: {  	[tilespmem:s22], [sflag:$0x1] =	stream.indirect.gather [hbm4b:s0+s28], $0x80, s12, s28, $0xb8;
	[tilespmem:$0x1E000] =	vst v63  }
.Ltmp6:
0x4ed: {  	_ = 	snop;
	(pc) =	sbr.rel @p0 .LBB2_8-.Ltmp6, $4  }
0x4ee: {  	_ =	swait.ge [sflag:s10], $0x2000  }
0x4ef: {  	[sflag:s10] =	ssyncset.done $0x0  }
0x4f0: {  	s30 =	sadd.s32 $0xA000, s18;
	[sflag:s10] =	ssyncadd.s32 $0xFFFFE000  }
0x4f1: {  	[tilespmem:s31], [sflag:$0x8] =	stream.indirect.gather [spmem:s5], $0x80, s30, s28, $0xb8;
	[tilespmem:$0x1E000] =	vst v63  }
0x4f2: {  	_ =	swait.ge [sflag:s25], $0x2000  }
0x4f3: {  	[sflag:s25] =	ssyncset.done $0x0  }
0x4f4: {  	[sflag:s25] =	ssyncadd.s32 $0xFFFFE000  }
0x4f5: {  	_ =	swait.ge [sflag:s26], $0x2000  }
0x4f6: {  	[sflag:s26] =	ssyncset.done $0x0  }
0x4f7: {  	s13 =	simm.s32 $0x0;
	[sflag:s26] =	ssyncadd.s32 $0xFFFFE000  }
0x4f8: {  	v1 =	vld [tilespmem:s13+$0x163F0]  }
0x4f9: {  	v2 =	vld [tilespmem:s13+$0x16000]  }
0x4fa: {  	v3 =	vld [tilespmem:s13+$0x16010]  }
0x4fb: {  	v4 =	vld [tilespmem:s13+$0x16020]  }
0x4fc: {  	v5 =	vld [tilespmem:s13+$0x16030]  }
0x4fd: {  	v6 =	vld [tilespmem:s13+$0x16040]  }
0x4fe: {  	v7 =	vld [tilespmem:s13+$0x16050]  }
0x4ff: {  	v8 =	vld [tilespmem:s13+$0x16060]  }
0x500: {  	v9 =	vld [tilespmem:s13+$0x16070]  }
0x501: {  	v10 =	vld [tilespmem:s13+$0x16080]  }
0x502: {  	v11 =	vld [tilespmem:s13+$0x16090]  }
0x503: {  	v12 =	vld [tilespmem:s13+$0x160A0]  }
0x504: {  	v13 =	vld [tilespmem:s13+$0x160B0]  }
0x505: {  	v14 =	vld [tilespmem:s13+$0x160C0]  }
0x506: {  	v15 =	vld [tilespmem:s13+$0x160D0]  }
0x507: {  	v16 =	vld [tilespmem:s13+$0x160E0]  }
0x508: {  	v17 =	vld [tilespmem:s13+$0x160F0]  }
0x509: {  	v18 =	vld [tilespmem:s13+$0x16100]  }
0x50a: {  	v19 =	vld [tilespmem:s13+$0x16110]  }
0x50b: {  	v20 =	vld [tilespmem:s13+$0x16120]  }
0x50c: {  	v21 =	vld [tilespmem:s13+$0x16130]  }
0x50d: {  	v22 =	vld [tilespmem:s13+$0x16140]  }
0x50e: {  	v23 =	vld [tilespmem:s13+$0x16150]  }
0x50f: {  	v24 =	vld [tilespmem:s13+$0x16160]  }
0x510: {  	v25 =	vld [tilespmem:s13+$0x16170]  }
0x511: {  	v26 =	vld [tilespmem:s13+$0x16180]  }
0x512: {  	v27 =	vld [tilespmem:s13+$0x16190]  }
0x513: {  	v28 =	vld [tilespmem:s13+$0x161A0]  }
0x514: {  	v29 =	vld [tilespmem:s13+$0x161B0]  }
0x515: {  	v30 =	vld [tilespmem:s13+$0x161C0]  }
0x516: {  	v31 =	vld [tilespmem:s13+$0x161D0]  }
0x517: {  	v32 =	vld [tilespmem:s13+$0x161E0]  }
0x518: {  	v33 =	vld [tilespmem:s13+$0x161F0]  }
0x519: {  	v34 =	vld [tilespmem:s13+$0x16200]  }
0x51a: {  	v35 =	vld [tilespmem:s13+$0x16210]  }
0x51b: {  	v36 =	vld [tilespmem:s13+$0x16220]  }
0x51c: {  	v37 =	vld [tilespmem:s13+$0x16230]  }
0x51d: {  	v38 =	vld [tilespmem:s13+$0x16240]  }
0x51e: {  	v39 =	vld [tilespmem:s13+$0x16250]  }
0x51f: {  	v40 =	vld [tilespmem:s13+$0x16260]  }
0x520: {  	v41 =	vld [tilespmem:s13+$0x16270]  }
0x521: {  	v42 =	vld [tilespmem:s13+$0x16280]  }
0x522: {  	v43 =	vld [tilespmem:s13+$0x16290]  }
0x523: {  	v44 =	vld [tilespmem:s13+$0x162A0]  }
0x524: {  	v45 =	vld [tilespmem:s13+$0x162B0]  }
0x525: {  	v46 =	vld [tilespmem:s13+$0x162C0]  }
0x526: {  	v47 =	vld [tilespmem:s13+$0x162D0]  }
0x527: {  	v48 =	vld [tilespmem:s13+$0x162E0]  }
0x528: {  	v49 =	vld [tilespmem:s13+$0x162F0]  }
0x529: {  	v50 =	vld [tilespmem:s13+$0x16300]  }
0x52a: {  	v51 =	vld [tilespmem:s13+$0x16310]  }
0x52b: {  	v52 =	vld [tilespmem:s13+$0x16320]  }
0x52c: {  	v53 =	vld [tilespmem:s13+$0x16330]  }
0x52d: {  	v54 =	vld [tilespmem:s13+$0x16340]  }
0x52e: {  	v55 =	vld [tilespmem:s13+$0x16350]  }
0x52f: {  	v56 =	vld [tilespmem:s13+$0x16360]  }
0x530: {  	v57 =	vld [tilespmem:s13+$0x16370]  }
0x531: {  	v58 =	vld [tilespmem:s13+$0x16380]  }
0x532: {  	v59 =	vld [tilespmem:s13+$0x16390]  }
0x533: {  	v60 =	vld [tilespmem:s13+$0x163A0]  }
0x534: {  	v61 =	vld [tilespmem:s13+$0x163B0]  }
0x535: {  	v62 =	vld [tilespmem:s13+$0x163C0]  }
0x536: {  	v63 =	vld [tilespmem:s13+$0x163D0]  }
0x537: {  	[tilespmem:s13+$0x183F0] =	vst.add.f32.msk $0xffff, v1  }
0x538: {  	v1 =	vld [tilespmem:s13+$0x163E0]  }
0x539: {  	[tilespmem:s13+$0x18000] =	vst.add.f32.msk $0xffff, v2  }
0x53a: {  	[tilespmem:s13+$0x18010] =	vst.add.f32.msk $0xffff, v3  }
0x53b: {  	[tilespmem:s13+$0x18020] =	vst.add.f32.msk $0xffff, v4  }
0x53c: {  	[tilespmem:s13+$0x18030] =	vst.add.f32.msk $0xffff, v5  }
0x53d: {  	[tilespmem:s13+$0x18040] =	vst.add.f32.msk $0xffff, v6  }
0x53e: {  	[tilespmem:s13+$0x18050] =	vst.add.f32.msk $0xffff, v7  }
0x53f: {  	[tilespmem:s13+$0x18060] =	vst.add.f32.msk $0xffff, v8  }
0x540: {  	[tilespmem:s13+$0x18070] =	vst.add.f32.msk $0xffff, v9  }
0x541: {  	[tilespmem:s13+$0x18080] =	vst.add.f32.msk $0xffff, v10  }
0x542: {  	[tilespmem:s13+$0x18090] =	vst.add.f32.msk $0xffff, v11  }
0x543: {  	[tilespmem:s13+$0x180A0] =	vst.add.f32.msk $0xffff, v12  }
0x544: {  	[tilespmem:s13+$0x180B0] =	vst.add.f32.msk $0xffff, v13  }
0x545: {  	[tilespmem:s13+$0x180C0] =	vst.add.f32.msk $0xffff, v14  }
0x546: {  	[tilespmem:s13+$0x180D0] =	vst.add.f32.msk $0xffff, v15  }
0x547: {  	[tilespmem:s13+$0x180E0] =	vst.add.f32.msk $0xffff, v16  }
0x548: {  	[tilespmem:s13+$0x180F0] =	vst.add.f32.msk $0xffff, v17  }
0x549: {  	[tilespmem:s13+$0x18100] =	vst.add.f32.msk $0xffff, v18  }
0x54a: {  	[tilespmem:s13+$0x18110] =	vst.add.f32.msk $0xffff, v19  }
0x54b: {  	[tilespmem:s13+$0x18120] =	vst.add.f32.msk $0xffff, v20  }
0x54c: {  	[tilespmem:s13+$0x18130] =	vst.add.f32.msk $0xffff, v21  }
0x54d: {  	[tilespmem:s13+$0x18140] =	vst.add.f32.msk $0xffff, v22  }
0x54e: {  	[tilespmem:s13+$0x18150] =	vst.add.f32.msk $0xffff, v23  }
0x54f: {  	[tilespmem:s13+$0x18160] =	vst.add.f32.msk $0xffff, v24  }
0x550: {  	[tilespmem:s13+$0x18170] =	vst.add.f32.msk $0xffff, v25  }
0x551: {  	[tilespmem:s13+$0x18180] =	vst.add.f32.msk $0xffff, v26  }
0x552: {  	[tilespmem:s13+$0x18190] =	vst.add.f32.msk $0xffff, v27  }
0x553: {  	[tilespmem:s13+$0x181A0] =	vst.add.f32.msk $0xffff, v28  }
0x554: {  	[tilespmem:s13+$0x181B0] =	vst.add.f32.msk $0xffff, v29  }
0x555: {  	[tilespmem:s13+$0x181C0] =	vst.add.f32.msk $0xffff, v30  }
0x556: {  	[tilespmem:s13+$0x181D0] =	vst.add.f32.msk $0xffff, v31  }
0x557: {  	[tilespmem:s13+$0x181E0] =	vst.add.f32.msk $0xffff, v32  }
0x558: {  	[tilespmem:s13+$0x181F0] =	vst.add.f32.msk $0xffff, v33  }
0x559: {  	[tilespmem:s13+$0x18200] =	vst.add.f32.msk $0xffff, v34  }
0x55a: {  	[tilespmem:s13+$0x18210] =	vst.add.f32.msk $0xffff, v35  }
0x55b: {  	[tilespmem:s13+$0x18220] =	vst.add.f32.msk $0xffff, v36  }
0x55c: {  	[tilespmem:s13+$0x18230] =	vst.add.f32.msk $0xffff, v37  }
0x55d: {  	[tilespmem:s13+$0x18240] =	vst.add.f32.msk $0xffff, v38  }
0x55e: {  	[tilespmem:s13+$0x18250] =	vst.add.f32.msk $0xffff, v39  }
0x55f: {  	[tilespmem:s13+$0x18260] =	vst.add.f32.msk $0xffff, v40  }
0x560: {  	[tilespmem:s13+$0x18270] =	vst.add.f32.msk $0xffff, v41  }
0x561: {  	[tilespmem:s13+$0x18280] =	vst.add.f32.msk $0xffff, v42  }
0x562: {  	[tilespmem:s13+$0x18290] =	vst.add.f32.msk $0xffff, v43  }
0x563: {  	[tilespmem:s13+$0x182A0] =	vst.add.f32.msk $0xffff, v44  }
0x564: {  	[tilespmem:s13+$0x182B0] =	vst.add.f32.msk $0xffff, v45  }
0x565: {  	[tilespmem:s13+$0x182C0] =	vst.add.f32.msk $0xffff, v46  }
0x566: {  	[tilespmem:s13+$0x182D0] =	vst.add.f32.msk $0xffff, v47  }
0x567: {  	[tilespmem:s13+$0x182E0] =	vst.add.f32.msk $0xffff, v48  }
0x568: {  	[tilespmem:s13+$0x182F0] =	vst.add.f32.msk $0xffff, v49  }
0x569: {  	[tilespmem:s13+$0x18300] =	vst.add.f32.msk $0xffff, v50  }
0x56a: {  	[tilespmem:s13+$0x18310] =	vst.add.f32.msk $0xffff, v51  }
0x56b: {  	[tilespmem:s13+$0x18320] =	vst.add.f32.msk $0xffff, v52  }
0x56c: {  	[tilespmem:s13+$0x18330] =	vst.add.f32.msk $0xffff, v53  }
0x56d: {  	[tilespmem:s13+$0x18340] =	vst.add.f32.msk $0xffff, v54  }
0x56e: {  	[tilespmem:s13+$0x18350] =	vst.add.f32.msk $0xffff, v55  }
0x56f: {  	[tilespmem:s13+$0x18360] =	vst.add.f32.msk $0xffff, v56  }
0x570: {  	[tilespmem:s13+$0x18370] =	vst.add.f32.msk $0xffff, v57  }
0x571: {  	[tilespmem:s13+$0x18380] =	vst.add.f32.msk $0xffff, v58  }
0x572: {  	[tilespmem:s13+$0x18390] =	vst.add.f32.msk $0xffff, v59  }
0x573: {  	[tilespmem:s13+$0x183A0] =	vst.add.f32.msk $0xffff, v60  }
0x574: {  	[tilespmem:s13+$0x183B0] =	vst.add.f32.msk $0xffff, v61  }
0x575: {  	[tilespmem:s13+$0x183C0] =	vst.add.f32.msk $0xffff, v62  }
0x576: {  	s12 =	simm.s32 $0x0;
	s16 =	simm.s32 $0x1000;
	[tilespmem:s13+$0x183D0] =	vst.add.f32.msk $0xffff, v63  }
.LBB2_16:
0x577: {  	s12 =	sadd.s32 $0x8, s12;
	[tilespmem:s13+$0x183E0] =	vst.add.f32.msk $0xffff, v1;
	s13 =	sshra.s32 s16, $0x2  }
0x578: {  	v1 =	vld [tilespmem:s13+$0x163F0];
	p0 =	slt.u32 s12, $0x38  }
0x579: {  	v2 =	vld [tilespmem:s13+$0x16000]  }
0x57a: {  	v3 =	vld [tilespmem:s13+$0x16010]  }
0x57b: {  	v4 =	vld [tilespmem:s13+$0x16020]  }
0x57c: {  	v5 =	vld [tilespmem:s13+$0x16030]  }
0x57d: {  	[tilespmem:s13+$0x183F0] =	vst.add.f32.msk $0xffff, v1  }
0x57e: {  	v6 =	vld [tilespmem:s13+$0x16040]  }
0x57f: {  	v7 =	vld [tilespmem:s13+$0x16050]  }
0x580: {  	v8 =	vld [tilespmem:s13+$0x16060]  }
0x581: {  	v9 =	vld [tilespmem:s13+$0x16070]  }
0x582: {  	v10 =	vld [tilespmem:s13+$0x16080]  }
0x583: {  	v11 =	vld [tilespmem:s13+$0x16090]  }
0x584: {  	v12 =	vld [tilespmem:s13+$0x160A0]  }
0x585: {  	v13 =	vld [tilespmem:s13+$0x160B0]  }
0x586: {  	v14 =	vld [tilespmem:s13+$0x160C0]  }
0x587: {  	v15 =	vld [tilespmem:s13+$0x160D0]  }
0x588: {  	v16 =	vld [tilespmem:s13+$0x160E0]  }
0x589: {  	v17 =	vld [tilespmem:s13+$0x160F0]  }
0x58a: {  	v18 =	vld [tilespmem:s13+$0x16100]  }
0x58b: {  	v19 =	vld [tilespmem:s13+$0x16110]  }
0x58c: {  	v20 =	vld [tilespmem:s13+$0x16120]  }
0x58d: {  	v21 =	vld [tilespmem:s13+$0x16130]  }
0x58e: {  	v22 =	vld [tilespmem:s13+$0x16140]  }
0x58f: {  	v23 =	vld [tilespmem:s13+$0x16150]  }
0x590: {  	v24 =	vld [tilespmem:s13+$0x16160]  }
0x591: {  	v25 =	vld [tilespmem:s13+$0x16170]  }
0x592: {  	v26 =	vld [tilespmem:s13+$0x16180]  }
0x593: {  	v27 =	vld [tilespmem:s13+$0x16190]  }
0x594: {  	v28 =	vld [tilespmem:s13+$0x161A0]  }
0x595: {  	v29 =	vld [tilespmem:s13+$0x161B0]  }
0x596: {  	v30 =	vld [tilespmem:s13+$0x161C0]  }
0x597: {  	v31 =	vld [tilespmem:s13+$0x161D0]  }
0x598: {  	v32 =	vld [tilespmem:s13+$0x161E0]  }
0x599: {  	v33 =	vld [tilespmem:s13+$0x161F0]  }
0x59a: {  	v34 =	vld [tilespmem:s13+$0x16200]  }
0x59b: {  	v35 =	vld [tilespmem:s13+$0x16210]  }
0x59c: {  	v36 =	vld [tilespmem:s13+$0x16220]  }
0x59d: {  	v37 =	vld [tilespmem:s13+$0x16230]  }
0x59e: {  	v38 =	vld [tilespmem:s13+$0x16240]  }
0x59f: {  	v39 =	vld [tilespmem:s13+$0x16250]  }
0x5a0: {  	v40 =	vld [tilespmem:s13+$0x16260]  }
0x5a1: {  	v41 =	vld [tilespmem:s13+$0x16270]  }
0x5a2: {  	v42 =	vld [tilespmem:s13+$0x16280]  }
0x5a3: {  	v43 =	vld [tilespmem:s13+$0x16290]  }
0x5a4: {  	v44 =	vld [tilespmem:s13+$0x162A0]  }
0x5a5: {  	v45 =	vld [tilespmem:s13+$0x162B0]  }
0x5a6: {  	v46 =	vld [tilespmem:s13+$0x162C0]  }
0x5a7: {  	v47 =	vld [tilespmem:s13+$0x162D0]  }
0x5a8: {  	v48 =	vld [tilespmem:s13+$0x162E0]  }
0x5a9: {  	v49 =	vld [tilespmem:s13+$0x162F0]  }
0x5aa: {  	v50 =	vld [tilespmem:s13+$0x16300]  }
0x5ab: {  	v51 =	vld [tilespmem:s13+$0x16310]  }
0x5ac: {  	v52 =	vld [tilespmem:s13+$0x16320]  }
0x5ad: {  	v53 =	vld [tilespmem:s13+$0x16330]  }
0x5ae: {  	v54 =	vld [tilespmem:s13+$0x16340]  }
0x5af: {  	v55 =	vld [tilespmem:s13+$0x16350]  }
0x5b0: {  	v56 =	vld [tilespmem:s13+$0x16360]  }
0x5b1: {  	v57 =	vld [tilespmem:s13+$0x16370]  }
0x5b2: {  	v58 =	vld [tilespmem:s13+$0x16380]  }
0x5b3: {  	v59 =	vld [tilespmem:s13+$0x16390]  }
0x5b4: {  	v60 =	vld [tilespmem:s13+$0x163A0]  }
0x5b5: {  	v61 =	vld [tilespmem:s13+$0x163B0]  }
0x5b6: {  	v62 =	vld [tilespmem:s13+$0x163C0]  }
0x5b7: {  	v63 =	vld [tilespmem:s13+$0x163D0]  }
0x5b8: {  	v1 =	vld [tilespmem:s13+$0x163E0]  }
0x5b9: {  	[tilespmem:s13+$0x18000] =	vst.add.f32.msk $0xffff, v2  }
0x5ba: {  	[tilespmem:s13+$0x18010] =	vst.add.f32.msk $0xffff, v3  }
0x5bb: {  	[tilespmem:s13+$0x18020] =	vst.add.f32.msk $0xffff, v4  }
0x5bc: {  	[tilespmem:s13+$0x18030] =	vst.add.f32.msk $0xffff, v5  }
0x5bd: {  	[tilespmem:s13+$0x18040] =	vst.add.f32.msk $0xffff, v6  }
0x5be: {  	[tilespmem:s13+$0x18050] =	vst.add.f32.msk $0xffff, v7  }
0x5bf: {  	[tilespmem:s13+$0x18060] =	vst.add.f32.msk $0xffff, v8  }
0x5c0: {  	[tilespmem:s13+$0x18070] =	vst.add.f32.msk $0xffff, v9  }
0x5c1: {  	[tilespmem:s13+$0x18080] =	vst.add.f32.msk $0xffff, v10  }
0x5c2: {  	[tilespmem:s13+$0x18090] =	vst.add.f32.msk $0xffff, v11  }
0x5c3: {  	[tilespmem:s13+$0x180A0] =	vst.add.f32.msk $0xffff, v12  }
0x5c4: {  	[tilespmem:s13+$0x180B0] =	vst.add.f32.msk $0xffff, v13  }
0x5c5: {  	[tilespmem:s13+$0x180C0] =	vst.add.f32.msk $0xffff, v14  }
0x5c6: {  	[tilespmem:s13+$0x180D0] =	vst.add.f32.msk $0xffff, v15  }
0x5c7: {  	[tilespmem:s13+$0x180E0] =	vst.add.f32.msk $0xffff, v16  }
0x5c8: {  	[tilespmem:s13+$0x180F0] =	vst.add.f32.msk $0xffff, v17  }
0x5c9: {  	[tilespmem:s13+$0x18100] =	vst.add.f32.msk $0xffff, v18  }
0x5ca: {  	[tilespmem:s13+$0x18110] =	vst.add.f32.msk $0xffff, v19  }
0x5cb: {  	[tilespmem:s13+$0x18120] =	vst.add.f32.msk $0xffff, v20  }
0x5cc: {  	[tilespmem:s13+$0x18130] =	vst.add.f32.msk $0xffff, v21  }
0x5cd: {  	[tilespmem:s13+$0x18140] =	vst.add.f32.msk $0xffff, v22  }
0x5ce: {  	[tilespmem:s13+$0x18150] =	vst.add.f32.msk $0xffff, v23  }
0x5cf: {  	[tilespmem:s13+$0x18160] =	vst.add.f32.msk $0xffff, v24  }
0x5d0: {  	[tilespmem:s13+$0x18170] =	vst.add.f32.msk $0xffff, v25  }
0x5d1: {  	[tilespmem:s13+$0x18180] =	vst.add.f32.msk $0xffff, v26  }
0x5d2: {  	[tilespmem:s13+$0x18190] =	vst.add.f32.msk $0xffff, v27  }
0x5d3: {  	[tilespmem:s13+$0x181A0] =	vst.add.f32.msk $0xffff, v28  }
0x5d4: {  	[tilespmem:s13+$0x181B0] =	vst.add.f32.msk $0xffff, v29  }
0x5d5: {  	[tilespmem:s13+$0x181C0] =	vst.add.f32.msk $0xffff, v30  }
0x5d6: {  	[tilespmem:s13+$0x181D0] =	vst.add.f32.msk $0xffff, v31  }
0x5d7: {  	[tilespmem:s13+$0x181E0] =	vst.add.f32.msk $0xffff, v32  }
0x5d8: {  	[tilespmem:s13+$0x181F0] =	vst.add.f32.msk $0xffff, v33  }
0x5d9: {  	[tilespmem:s13+$0x18200] =	vst.add.f32.msk $0xffff, v34  }
0x5da: {  	[tilespmem:s13+$0x18210] =	vst.add.f32.msk $0xffff, v35  }
0x5db: {  	[tilespmem:s13+$0x18220] =	vst.add.f32.msk $0xffff, v36  }
0x5dc: {  	[tilespmem:s13+$0x18230] =	vst.add.f32.msk $0xffff, v37  }
0x5dd: {  	[tilespmem:s13+$0x18240] =	vst.add.f32.msk $0xffff, v38  }
0x5de: {  	[tilespmem:s13+$0x18250] =	vst.add.f32.msk $0xffff, v39  }
0x5df: {  	[tilespmem:s13+$0x18260] =	vst.add.f32.msk $0xffff, v40  }
0x5e0: {  	[tilespmem:s13+$0x18270] =	vst.add.f32.msk $0xffff, v41  }
0x5e1: {  	[tilespmem:s13+$0x18280] =	vst.add.f32.msk $0xffff, v42  }
0x5e2: {  	[tilespmem:s13+$0x18290] =	vst.add.f32.msk $0xffff, v43  }
0x5e3: {  	[tilespmem:s13+$0x182A0] =	vst.add.f32.msk $0xffff, v44  }
0x5e4: {  	[tilespmem:s13+$0x182B0] =	vst.add.f32.msk $0xffff, v45  }
0x5e5: {  	[tilespmem:s13+$0x182C0] =	vst.add.f32.msk $0xffff, v46  }
0x5e6: {  	[tilespmem:s13+$0x182D0] =	vst.add.f32.msk $0xffff, v47  }
0x5e7: {  	[tilespmem:s13+$0x182E0] =	vst.add.f32.msk $0xffff, v48  }
0x5e8: {  	[tilespmem:s13+$0x182F0] =	vst.add.f32.msk $0xffff, v49  }
0x5e9: {  	[tilespmem:s13+$0x18300] =	vst.add.f32.msk $0xffff, v50  }
0x5ea: {  	[tilespmem:s13+$0x18310] =	vst.add.f32.msk $0xffff, v51  }
0x5eb: {  	[tilespmem:s13+$0x18320] =	vst.add.f32.msk $0xffff, v52  }
0x5ec: {  	[tilespmem:s13+$0x18330] =	vst.add.f32.msk $0xffff, v53  }
0x5ed: {  	[tilespmem:s13+$0x18340] =	vst.add.f32.msk $0xffff, v54  }
0x5ee: {  	[tilespmem:s13+$0x18350] =	vst.add.f32.msk $0xffff, v55  }
0x5ef: {  	[tilespmem:s13+$0x18360] =	vst.add.f32.msk $0xffff, v56  }
0x5f0: {  	[tilespmem:s13+$0x18370] =	vst.add.f32.msk $0xffff, v57  }
0x5f1: {  	[tilespmem:s13+$0x18380] =	vst.add.f32.msk $0xffff, v58  }
.Ltmp7:
0x5f2: {  	[tilespmem:s13+$0x18390] =	vst.add.f32.msk $0xffff, v59;
	(pc) =	sbr.rel @p0 .LBB2_16-.Ltmp7, $4  }
0x5f3: {  	[tilespmem:s13+$0x183A0] =	vst.add.f32.msk $0xffff, v60  }
0x5f4: {  	[tilespmem:s13+$0x183B0] =	vst.add.f32.msk $0xffff, v61  }
0x5f5: {  	[tilespmem:s13+$0x183C0] =	vst.add.f32.msk $0xffff, v62  }
0x5f6: {  	s16 =	sadd.s32 $0x1000, s16;
	[tilespmem:s13+$0x183D0] =	vst.add.f32.msk $0xffff, v63  }
0x5f7: {  	[tilespmem:s13+$0x183E0] =	vst.add.f32.msk $0xffff, v1  }
0x5f8: {  	s12 =	simm.s32 $0x0;
	s13 =	rddreg [dreg:$0xc]  }
0x5f9: {  	[hbm4b:s13+s12] =	stream.linear.scatter [tilespmem:s3], [sflag:$0x6], $0x2000, $0x38;
	[tilespmem:$0x1E000] =	vst v63  }
0x5fa: {  	_ =	swait.ge [sflag:s20], $0x2000  }
0x5fb: {  	[sflag:s20] =	ssyncset.done $0x0  }
0x5fc: {  	s30 =	simm.s32 $0x11F80;
	[sflag:s20] =	ssyncadd.s32 $0xFFFFE000  }
0x5fd: {  	[tilespmem:s24], [sflag:$0x2] =	stream.indirect.gather [spmem:s5], $0x80, s30, s28, $0xb8;
	[tilespmem:$0x1E000] =	vst v63  }
0x5fe: {  	_ =	swait.ge [sflag:s21], $0x2000  }
0x5ff: {  	[sflag:s21] =	ssyncset.done $0x0  }
0x600: {  	[sflag:s21] =	ssyncadd.s32 $0xFFFFE000  }
0x601: {  	_ =	swait.ge [sflag:s8], $0x2000  }
0x602: {  	[sflag:s8] =	ssyncset.done $0x0  }
0x603: {  	s13 =	simm.s32 $0x0;
	[sflag:s8] =	ssyncadd.s32 $0xFFFFE000  }
0x604: {  	v1 =	vld [tilespmem:s13+$0x1A3F0]  }
0x605: {  	v2 =	vld [tilespmem:s13+$0x1A000]  }
0x606: {  	v3 =	vld [tilespmem:s13+$0x1A010]  }
0x607: {  	v4 =	vld [tilespmem:s13+$0x1A020]  }
0x608: {  	v5 =	vld [tilespmem:s13+$0x1A030]  }
0x609: {  	v6 =	vld [tilespmem:s13+$0x1A040]  }
0x60a: {  	v7 =	vld [tilespmem:s13+$0x1A050]  }
0x60b: {  	v8 =	vld [tilespmem:s13+$0x1A060]  }
0x60c: {  	v9 =	vld [tilespmem:s13+$0x1A070]  }
0x60d: {  	v10 =	vld [tilespmem:s13+$0x1A080]  }
0x60e: {  	v11 =	vld [tilespmem:s13+$0x1A090]  }
0x60f: {  	v12 =	vld [tilespmem:s13+$0x1A0A0]  }
0x610: {  	v13 =	vld [tilespmem:s13+$0x1A0B0]  }
0x611: {  	v14 =	vld [tilespmem:s13+$0x1A0C0]  }
0x612: {  	v15 =	vld [tilespmem:s13+$0x1A0D0]  }
0x613: {  	v16 =	vld [tilespmem:s13+$0x1A0E0]  }
0x614: {  	v17 =	vld [tilespmem:s13+$0x1A0F0]  }
0x615: {  	v18 =	vld [tilespmem:s13+$0x1A100]  }
0x616: {  	v19 =	vld [tilespmem:s13+$0x1A110]  }
0x617: {  	v20 =	vld [tilespmem:s13+$0x1A120]  }
0x618: {  	v21 =	vld [tilespmem:s13+$0x1A130]  }
0x619: {  	v22 =	vld [tilespmem:s13+$0x1A140]  }
0x61a: {  	v23 =	vld [tilespmem:s13+$0x1A150]  }
0x61b: {  	v24 =	vld [tilespmem:s13+$0x1A160]  }
0x61c: {  	v25 =	vld [tilespmem:s13+$0x1A170]  }
0x61d: {  	v26 =	vld [tilespmem:s13+$0x1A180]  }
0x61e: {  	v27 =	vld [tilespmem:s13+$0x1A190]  }
0x61f: {  	v28 =	vld [tilespmem:s13+$0x1A1A0]  }
0x620: {  	v29 =	vld [tilespmem:s13+$0x1A1B0]  }
0x621: {  	v30 =	vld [tilespmem:s13+$0x1A1C0]  }
0x622: {  	v31 =	vld [tilespmem:s13+$0x1A1D0]  }
0x623: {  	v32 =	vld [tilespmem:s13+$0x1A1E0]  }
0x624: {  	v33 =	vld [tilespmem:s13+$0x1A1F0]  }
0x625: {  	v34 =	vld [tilespmem:s13+$0x1A200]  }
0x626: {  	v35 =	vld [tilespmem:s13+$0x1A210]  }
0x627: {  	v36 =	vld [tilespmem:s13+$0x1A220]  }
0x628: {  	v37 =	vld [tilespmem:s13+$0x1A230]  }
0x629: {  	v38 =	vld [tilespmem:s13+$0x1A240]  }
0x62a: {  	v39 =	vld [tilespmem:s13+$0x1A250]  }
0x62b: {  	v40 =	vld [tilespmem:s13+$0x1A260]  }
0x62c: {  	v41 =	vld [tilespmem:s13+$0x1A270]  }
0x62d: {  	v42 =	vld [tilespmem:s13+$0x1A280]  }
0x62e: {  	v43 =	vld [tilespmem:s13+$0x1A290]  }
0x62f: {  	v44 =	vld [tilespmem:s13+$0x1A2A0]  }
0x630: {  	v45 =	vld [tilespmem:s13+$0x1A2B0]  }
0x631: {  	v46 =	vld [tilespmem:s13+$0x1A2C0]  }
0x632: {  	v47 =	vld [tilespmem:s13+$0x1A2D0]  }
0x633: {  	v48 =	vld [tilespmem:s13+$0x1A2E0]  }
0x634: {  	v49 =	vld [tilespmem:s13+$0x1A2F0]  }
0x635: {  	v50 =	vld [tilespmem:s13+$0x1A300]  }
0x636: {  	v51 =	vld [tilespmem:s13+$0x1A310]  }
0x637: {  	v52 =	vld [tilespmem:s13+$0x1A320]  }
0x638: {  	v53 =	vld [tilespmem:s13+$0x1A330]  }
0x639: {  	v54 =	vld [tilespmem:s13+$0x1A340]  }
0x63a: {  	v55 =	vld [tilespmem:s13+$0x1A350]  }
0x63b: {  	v56 =	vld [tilespmem:s13+$0x1A360]  }
0x63c: {  	v57 =	vld [tilespmem:s13+$0x1A370]  }
0x63d: {  	v58 =	vld [tilespmem:s13+$0x1A380]  }
0x63e: {  	v59 =	vld [tilespmem:s13+$0x1A390]  }
0x63f: {  	v60 =	vld [tilespmem:s13+$0x1A3A0]  }
0x640: {  	v61 =	vld [tilespmem:s13+$0x1A3B0]  }
0x641: {  	v62 =	vld [tilespmem:s13+$0x1A3C0]  }
0x642: {  	v63 =	vld [tilespmem:s13+$0x1A3D0]  }
0x643: {  	[tilespmem:s13+$0x1C3F0] =	vst.add.f32.msk $0xffff, v1  }
0x644: {  	v1 =	vld [tilespmem:s13+$0x1A3E0]  }
0x645: {  	[tilespmem:s13+$0x1C000] =	vst.add.f32.msk $0xffff, v2  }
0x646: {  	[tilespmem:s13+$0x1C010] =	vst.add.f32.msk $0xffff, v3  }
0x647: {  	[tilespmem:s13+$0x1C020] =	vst.add.f32.msk $0xffff, v4  }
0x648: {  	[tilespmem:s13+$0x1C030] =	vst.add.f32.msk $0xffff, v5  }
0x649: {  	[tilespmem:s13+$0x1C040] =	vst.add.f32.msk $0xffff, v6  }
0x64a: {  	[tilespmem:s13+$0x1C050] =	vst.add.f32.msk $0xffff, v7  }
0x64b: {  	[tilespmem:s13+$0x1C060] =	vst.add.f32.msk $0xffff, v8  }
0x64c: {  	[tilespmem:s13+$0x1C070] =	vst.add.f32.msk $0xffff, v9  }
0x64d: {  	[tilespmem:s13+$0x1C080] =	vst.add.f32.msk $0xffff, v10  }
0x64e: {  	[tilespmem:s13+$0x1C090] =	vst.add.f32.msk $0xffff, v11  }
0x64f: {  	[tilespmem:s13+$0x1C0A0] =	vst.add.f32.msk $0xffff, v12  }
0x650: {  	[tilespmem:s13+$0x1C0B0] =	vst.add.f32.msk $0xffff, v13  }
0x651: {  	[tilespmem:s13+$0x1C0C0] =	vst.add.f32.msk $0xffff, v14  }
0x652: {  	[tilespmem:s13+$0x1C0D0] =	vst.add.f32.msk $0xffff, v15  }
0x653: {  	[tilespmem:s13+$0x1C0E0] =	vst.add.f32.msk $0xffff, v16  }
0x654: {  	[tilespmem:s13+$0x1C0F0] =	vst.add.f32.msk $0xffff, v17  }
0x655: {  	[tilespmem:s13+$0x1C100] =	vst.add.f32.msk $0xffff, v18  }
0x656: {  	[tilespmem:s13+$0x1C110] =	vst.add.f32.msk $0xffff, v19  }
0x657: {  	[tilespmem:s13+$0x1C120] =	vst.add.f32.msk $0xffff, v20  }
0x658: {  	[tilespmem:s13+$0x1C130] =	vst.add.f32.msk $0xffff, v21  }
0x659: {  	[tilespmem:s13+$0x1C140] =	vst.add.f32.msk $0xffff, v22  }
0x65a: {  	[tilespmem:s13+$0x1C150] =	vst.add.f32.msk $0xffff, v23  }
0x65b: {  	[tilespmem:s13+$0x1C160] =	vst.add.f32.msk $0xffff, v24  }
0x65c: {  	[tilespmem:s13+$0x1C170] =	vst.add.f32.msk $0xffff, v25  }
0x65d: {  	[tilespmem:s13+$0x1C180] =	vst.add.f32.msk $0xffff, v26  }
0x65e: {  	[tilespmem:s13+$0x1C190] =	vst.add.f32.msk $0xffff, v27  }
0x65f: {  	[tilespmem:s13+$0x1C1A0] =	vst.add.f32.msk $0xffff, v28  }
0x660: {  	[tilespmem:s13+$0x1C1B0] =	vst.add.f32.msk $0xffff, v29  }
0x661: {  	[tilespmem:s13+$0x1C1C0] =	vst.add.f32.msk $0xffff, v30  }
0x662: {  	[tilespmem:s13+$0x1C1D0] =	vst.add.f32.msk $0xffff, v31  }
0x663: {  	[tilespmem:s13+$0x1C1E0] =	vst.add.f32.msk $0xffff, v32  }
0x664: {  	[tilespmem:s13+$0x1C1F0] =	vst.add.f32.msk $0xffff, v33  }
0x665: {  	[tilespmem:s13+$0x1C200] =	vst.add.f32.msk $0xffff, v34  }
0x666: {  	[tilespmem:s13+$0x1C210] =	vst.add.f32.msk $0xffff, v35  }
0x667: {  	[tilespmem:s13+$0x1C220] =	vst.add.f32.msk $0xffff, v36  }
0x668: {  	[tilespmem:s13+$0x1C230] =	vst.add.f32.msk $0xffff, v37  }
0x669: {  	[tilespmem:s13+$0x1C240] =	vst.add.f32.msk $0xffff, v38  }
0x66a: {  	[tilespmem:s13+$0x1C250] =	vst.add.f32.msk $0xffff, v39  }
0x66b: {  	[tilespmem:s13+$0x1C260] =	vst.add.f32.msk $0xffff, v40  }
0x66c: {  	[tilespmem:s13+$0x1C270] =	vst.add.f32.msk $0xffff, v41  }
0x66d: {  	[tilespmem:s13+$0x1C280] =	vst.add.f32.msk $0xffff, v42  }
0x66e: {  	[tilespmem:s13+$0x1C290] =	vst.add.f32.msk $0xffff, v43  }
0x66f: {  	[tilespmem:s13+$0x1C2A0] =	vst.add.f32.msk $0xffff, v44  }
0x670: {  	[tilespmem:s13+$0x1C2B0] =	vst.add.f32.msk $0xffff, v45  }
0x671: {  	[tilespmem:s13+$0x1C2C0] =	vst.add.f32.msk $0xffff, v46  }
0x672: {  	[tilespmem:s13+$0x1C2D0] =	vst.add.f32.msk $0xffff, v47  }
0x673: {  	[tilespmem:s13+$0x1C2E0] =	vst.add.f32.msk $0xffff, v48  }
0x674: {  	[tilespmem:s13+$0x1C2F0] =	vst.add.f32.msk $0xffff, v49  }
0x675: {  	[tilespmem:s13+$0x1C300] =	vst.add.f32.msk $0xffff, v50  }
0x676: {  	[tilespmem:s13+$0x1C310] =	vst.add.f32.msk $0xffff, v51  }
0x677: {  	[tilespmem:s13+$0x1C320] =	vst.add.f32.msk $0xffff, v52  }
0x678: {  	[tilespmem:s13+$0x1C330] =	vst.add.f32.msk $0xffff, v53  }
0x679: {  	[tilespmem:s13+$0x1C340] =	vst.add.f32.msk $0xffff, v54  }
0x67a: {  	[tilespmem:s13+$0x1C350] =	vst.add.f32.msk $0xffff, v55  }
0x67b: {  	[tilespmem:s13+$0x1C360] =	vst.add.f32.msk $0xffff, v56  }
0x67c: {  	[tilespmem:s13+$0x1C370] =	vst.add.f32.msk $0xffff, v57  }
0x67d: {  	[tilespmem:s13+$0x1C380] =	vst.add.f32.msk $0xffff, v58  }
0x67e: {  	[tilespmem:s13+$0x1C390] =	vst.add.f32.msk $0xffff, v59  }
0x67f: {  	[tilespmem:s13+$0x1C3A0] =	vst.add.f32.msk $0xffff, v60  }
0x680: {  	[tilespmem:s13+$0x1C3B0] =	vst.add.f32.msk $0xffff, v61  }
0x681: {  	[tilespmem:s13+$0x1C3C0] =	vst.add.f32.msk $0xffff, v62  }
0x682: {  	s16 =	simm.s32 $0x1000;
	s17 =	simm.s32 $0xA;
	s12 =	simm.s32 $0x0;
	[tilespmem:s13+$0x1C3D0] =	vst.add.f32.msk $0xffff, v63  }
.LBB2_18:
0x683: {  	s12 =	sadd.s32 $0x8, s12;
	[tilespmem:s13+$0x1C3E0] =	vst.add.f32.msk $0xffff, v1;
	s13 =	sshra.s32 s16, $0x2  }
0x684: {  	v1 =	vld [tilespmem:s13+$0x1A3F0];
	p0 =	slt.u32 s12, $0x38  }
0x685: {  	v2 =	vld [tilespmem:s13+$0x1A000]  }
0x686: {  	v3 =	vld [tilespmem:s13+$0x1A010]  }
0x687: {  	v4 =	vld [tilespmem:s13+$0x1A020]  }
0x688: {  	v5 =	vld [tilespmem:s13+$0x1A030]  }
0x689: {  	[tilespmem:s13+$0x1C3F0] =	vst.add.f32.msk $0xffff, v1  }
0x68a: {  	v6 =	vld [tilespmem:s13+$0x1A040]  }
0x68b: {  	v7 =	vld [tilespmem:s13+$0x1A050]  }
0x68c: {  	v8 =	vld [tilespmem:s13+$0x1A060]  }
0x68d: {  	v9 =	vld [tilespmem:s13+$0x1A070]  }
0x68e: {  	v10 =	vld [tilespmem:s13+$0x1A080]  }
0x68f: {  	v11 =	vld [tilespmem:s13+$0x1A090]  }
0x690: {  	v12 =	vld [tilespmem:s13+$0x1A0A0]  }
0x691: {  	v13 =	vld [tilespmem:s13+$0x1A0B0]  }
0x692: {  	v14 =	vld [tilespmem:s13+$0x1A0C0]  }
0x693: {  	v15 =	vld [tilespmem:s13+$0x1A0D0]  }
0x694: {  	v16 =	vld [tilespmem:s13+$0x1A0E0]  }
0x695: {  	v17 =	vld [tilespmem:s13+$0x1A0F0]  }
0x696: {  	v18 =	vld [tilespmem:s13+$0x1A100]  }
0x697: {  	v19 =	vld [tilespmem:s13+$0x1A110]  }
0x698: {  	v20 =	vld [tilespmem:s13+$0x1A120]  }
0x699: {  	v21 =	vld [tilespmem:s13+$0x1A130]  }
0x69a: {  	v22 =	vld [tilespmem:s13+$0x1A140]  }
0x69b: {  	v23 =	vld [tilespmem:s13+$0x1A150]  }
0x69c: {  	v24 =	vld [tilespmem:s13+$0x1A160]  }
0x69d: {  	v25 =	vld [tilespmem:s13+$0x1A170]  }
0x69e: {  	v26 =	vld [tilespmem:s13+$0x1A180]  }
0x69f: {  	v27 =	vld [tilespmem:s13+$0x1A190]  }
0x6a0: {  	v28 =	vld [tilespmem:s13+$0x1A1A0]  }
0x6a1: {  	v29 =	vld [tilespmem:s13+$0x1A1B0]  }
0x6a2: {  	v30 =	vld [tilespmem:s13+$0x1A1C0]  }
0x6a3: {  	v31 =	vld [tilespmem:s13+$0x1A1D0]  }
0x6a4: {  	v32 =	vld [tilespmem:s13+$0x1A1E0]  }
0x6a5: {  	v33 =	vld [tilespmem:s13+$0x1A1F0]  }
0x6a6: {  	v34 =	vld [tilespmem:s13+$0x1A200]  }
0x6a7: {  	v35 =	vld [tilespmem:s13+$0x1A210]  }
0x6a8: {  	v36 =	vld [tilespmem:s13+$0x1A220]  }
0x6a9: {  	v37 =	vld [tilespmem:s13+$0x1A230]  }
0x6aa: {  	v38 =	vld [tilespmem:s13+$0x1A240]  }
0x6ab: {  	v39 =	vld [tilespmem:s13+$0x1A250]  }
0x6ac: {  	v40 =	vld [tilespmem:s13+$0x1A260]  }
0x6ad: {  	v41 =	vld [tilespmem:s13+$0x1A270]  }
0x6ae: {  	v42 =	vld [tilespmem:s13+$0x1A280]  }
0x6af: {  	v43 =	vld [tilespmem:s13+$0x1A290]  }
0x6b0: {  	v44 =	vld [tilespmem:s13+$0x1A2A0]  }
0x6b1: {  	v45 =	vld [tilespmem:s13+$0x1A2B0]  }
0x6b2: {  	v46 =	vld [tilespmem:s13+$0x1A2C0]  }
0x6b3: {  	v47 =	vld [tilespmem:s13+$0x1A2D0]  }
0x6b4: {  	v48 =	vld [tilespmem:s13+$0x1A2E0]  }
0x6b5: {  	v49 =	vld [tilespmem:s13+$0x1A2F0]  }
0x6b6: {  	v50 =	vld [tilespmem:s13+$0x1A300]  }
0x6b7: {  	v51 =	vld [tilespmem:s13+$0x1A310]  }
0x6b8: {  	v52 =	vld [tilespmem:s13+$0x1A320]  }
0x6b9: {  	v53 =	vld [tilespmem:s13+$0x1A330]  }
0x6ba: {  	v54 =	vld [tilespmem:s13+$0x1A340]  }
0x6bb: {  	v55 =	vld [tilespmem:s13+$0x1A350]  }
0x6bc: {  	v56 =	vld [tilespmem:s13+$0x1A360]  }
0x6bd: {  	v57 =	vld [tilespmem:s13+$0x1A370]  }
0x6be: {  	v58 =	vld [tilespmem:s13+$0x1A380]  }
0x6bf: {  	v59 =	vld [tilespmem:s13+$0x1A390]  }
0x6c0: {  	v60 =	vld [tilespmem:s13+$0x1A3A0]  }
0x6c1: {  	v61 =	vld [tilespmem:s13+$0x1A3B0]  }
0x6c2: {  	v62 =	vld [tilespmem:s13+$0x1A3C0]  }
0x6c3: {  	v63 =	vld [tilespmem:s13+$0x1A3D0]  }
0x6c4: {  	v1 =	vld [tilespmem:s13+$0x1A3E0]  }
0x6c5: {  	[tilespmem:s13+$0x1C000] =	vst.add.f32.msk $0xffff, v2  }
0x6c6: {  	[tilespmem:s13+$0x1C010] =	vst.add.f32.msk $0xffff, v3  }
0x6c7: {  	[tilespmem:s13+$0x1C020] =	vst.add.f32.msk $0xffff, v4  }
0x6c8: {  	[tilespmem:s13+$0x1C030] =	vst.add.f32.msk $0xffff, v5  }
0x6c9: {  	[tilespmem:s13+$0x1C040] =	vst.add.f32.msk $0xffff, v6  }
0x6ca: {  	[tilespmem:s13+$0x1C050] =	vst.add.f32.msk $0xffff, v7  }
0x6cb: {  	[tilespmem:s13+$0x1C060] =	vst.add.f32.msk $0xffff, v8  }
0x6cc: {  	[tilespmem:s13+$0x1C070] =	vst.add.f32.msk $0xffff, v9  }
0x6cd: {  	[tilespmem:s13+$0x1C080] =	vst.add.f32.msk $0xffff, v10  }
0x6ce: {  	[tilespmem:s13+$0x1C090] =	vst.add.f32.msk $0xffff, v11  }
0x6cf: {  	[tilespmem:s13+$0x1C0A0] =	vst.add.f32.msk $0xffff, v12  }
0x6d0: {  	[tilespmem:s13+$0x1C0B0] =	vst.add.f32.msk $0xffff, v13  }
0x6d1: {  	[tilespmem:s13+$0x1C0C0] =	vst.add.f32.msk $0xffff, v14  }
0x6d2: {  	[tilespmem:s13+$0x1C0D0] =	vst.add.f32.msk $0xffff, v15  }
0x6d3: {  	[tilespmem:s13+$0x1C0E0] =	vst.add.f32.msk $0xffff, v16  }
0x6d4: {  	[tilespmem:s13+$0x1C0F0] =	vst.add.f32.msk $0xffff, v17  }
0x6d5: {  	[tilespmem:s13+$0x1C100] =	vst.add.f32.msk $0xffff, v18  }
0x6d6: {  	[tilespmem:s13+$0x1C110] =	vst.add.f32.msk $0xffff, v19  }
0x6d7: {  	[tilespmem:s13+$0x1C120] =	vst.add.f32.msk $0xffff, v20  }
0x6d8: {  	[tilespmem:s13+$0x1C130] =	vst.add.f32.msk $0xffff, v21  }
0x6d9: {  	[tilespmem:s13+$0x1C140] =	vst.add.f32.msk $0xffff, v22  }
0x6da: {  	[tilespmem:s13+$0x1C150] =	vst.add.f32.msk $0xffff, v23  }
0x6db: {  	[tilespmem:s13+$0x1C160] =	vst.add.f32.msk $0xffff, v24  }
0x6dc: {  	[tilespmem:s13+$0x1C170] =	vst.add.f32.msk $0xffff, v25  }
0x6dd: {  	[tilespmem:s13+$0x1C180] =	vst.add.f32.msk $0xffff, v26  }
0x6de: {  	[tilespmem:s13+$0x1C190] =	vst.add.f32.msk $0xffff, v27  }
0x6df: {  	[tilespmem:s13+$0x1C1A0] =	vst.add.f32.msk $0xffff, v28  }
0x6e0: {  	[tilespmem:s13+$0x1C1B0] =	vst.add.f32.msk $0xffff, v29  }
0x6e1: {  	[tilespmem:s13+$0x1C1C0] =	vst.add.f32.msk $0xffff, v30  }
0x6e2: {  	[tilespmem:s13+$0x1C1D0] =	vst.add.f32.msk $0xffff, v31  }
0x6e3: {  	[tilespmem:s13+$0x1C1E0] =	vst.add.f32.msk $0xffff, v32  }
0x6e4: {  	[tilespmem:s13+$0x1C1F0] =	vst.add.f32.msk $0xffff, v33  }
0x6e5: {  	[tilespmem:s13+$0x1C200] =	vst.add.f32.msk $0xffff, v34  }
0x6e6: {  	[tilespmem:s13+$0x1C210] =	vst.add.f32.msk $0xffff, v35  }
0x6e7: {  	[tilespmem:s13+$0x1C220] =	vst.add.f32.msk $0xffff, v36  }
0x6e8: {  	[tilespmem:s13+$0x1C230] =	vst.add.f32.msk $0xffff, v37  }
0x6e9: {  	[tilespmem:s13+$0x1C240] =	vst.add.f32.msk $0xffff, v38  }
0x6ea: {  	[tilespmem:s13+$0x1C250] =	vst.add.f32.msk $0xffff, v39  }
0x6eb: {  	[tilespmem:s13+$0x1C260] =	vst.add.f32.msk $0xffff, v40  }
0x6ec: {  	[tilespmem:s13+$0x1C270] =	vst.add.f32.msk $0xffff, v41  }
0x6ed: {  	[tilespmem:s13+$0x1C280] =	vst.add.f32.msk $0xffff, v42  }
0x6ee: {  	[tilespmem:s13+$0x1C290] =	vst.add.f32.msk $0xffff, v43  }
0x6ef: {  	[tilespmem:s13+$0x1C2A0] =	vst.add.f32.msk $0xffff, v44  }
0x6f0: {  	[tilespmem:s13+$0x1C2B0] =	vst.add.f32.msk $0xffff, v45  }
0x6f1: {  	[tilespmem:s13+$0x1C2C0] =	vst.add.f32.msk $0xffff, v46  }
0x6f2: {  	[tilespmem:s13+$0x1C2D0] =	vst.add.f32.msk $0xffff, v47  }
0x6f3: {  	[tilespmem:s13+$0x1C2E0] =	vst.add.f32.msk $0xffff, v48  }
0x6f4: {  	[tilespmem:s13+$0x1C2F0] =	vst.add.f32.msk $0xffff, v49  }
0x6f5: {  	[tilespmem:s13+$0x1C300] =	vst.add.f32.msk $0xffff, v50  }
0x6f6: {  	[tilespmem:s13+$0x1C310] =	vst.add.f32.msk $0xffff, v51  }
0x6f7: {  	[tilespmem:s13+$0x1C320] =	vst.add.f32.msk $0xffff, v52  }
0x6f8: {  	[tilespmem:s13+$0x1C330] =	vst.add.f32.msk $0xffff, v53  }
0x6f9: {  	[tilespmem:s13+$0x1C340] =	vst.add.f32.msk $0xffff, v54  }
0x6fa: {  	[tilespmem:s13+$0x1C350] =	vst.add.f32.msk $0xffff, v55  }
0x6fb: {  	[tilespmem:s13+$0x1C360] =	vst.add.f32.msk $0xffff, v56  }
0x6fc: {  	[tilespmem:s13+$0x1C370] =	vst.add.f32.msk $0xffff, v57  }
0x6fd: {  	[tilespmem:s13+$0x1C380] =	vst.add.f32.msk $0xffff, v58  }
.Ltmp8:
0x6fe: {  	[tilespmem:s13+$0x1C390] =	vst.add.f32.msk $0xffff, v59;
	(pc) =	sbr.rel @p0 .LBB2_18-.Ltmp8, $4  }
0x6ff: {  	[tilespmem:s13+$0x1C3A0] =	vst.add.f32.msk $0xffff, v60  }
0x700: {  	[tilespmem:s13+$0x1C3B0] =	vst.add.f32.msk $0xffff, v61  }
0x701: {  	[tilespmem:s13+$0x1C3C0] =	vst.add.f32.msk $0xffff, v62  }
0x702: {  	s16 =	sadd.s32 $0x1000, s16;
	[tilespmem:s13+$0x1C3D0] =	vst.add.f32.msk $0xffff, v63  }
0x703: {  	[tilespmem:s13+$0x1C3E0] =	vst.add.f32.msk $0xffff, v1  }
0x704: {  	s12 =	simm.s32 $0x0;
	s13 =	rddreg [dreg:$0xd]  }
0x705: {  	[hbm4b:s13+s12] =	stream.linear.scatter [tilespmem:s31], [sflag:$0x9], $0x2000, $0x38;
	[tilespmem:$0x1E000] =	vst v63  }
0x706: {  	_ =	swait.ge [sflag:s9], $0x2000  }
0x707: {  	[sflag:s9] =	ssyncset.done $0x0  }
0x708: {  	[sflag:s9] =	ssyncadd.s32 $0xFFFFE000  }
0x709: {  	_ =	swait.ge [sflag:s1], $0x2000  }
0x70a: {  	[sflag:s1] =	ssyncset.done $0x0  }
0x70b: {  	[sflag:s1] =	ssyncadd.s32 $0xFFFFE000  }
0x70c: {  	_ =	swait.ge [sflag:s29], $0x2000  }
0x70d: {  	[sflag:s29] =	ssyncset.done $0x0  }
0x70e: {  	s13 =	simm.s32 $0x0;
	[sflag:s29] =	ssyncadd.s32 $0xFFFFE000  }
0x70f: {  	v1 =	vld [tilespmem:s13+$0x123F0]  }
0x710: {  	v2 =	vld [tilespmem:s13+$0x12000]  }
0x711: {  	v3 =	vld [tilespmem:s13+$0x12010]  }
0x712: {  	v4 =	vld [tilespmem:s13+$0x12020]  }
0x713: {  	v5 =	vld [tilespmem:s13+$0x12030]  }
0x714: {  	v6 =	vld [tilespmem:s13+$0x12040]  }
0x715: {  	v7 =	vld [tilespmem:s13+$0x12050]  }
0x716: {  	v8 =	vld [tilespmem:s13+$0x12060]  }
0x717: {  	v9 =	vld [tilespmem:s13+$0x12070]  }
0x718: {  	v10 =	vld [tilespmem:s13+$0x12080]  }
0x719: {  	v11 =	vld [tilespmem:s13+$0x12090]  }
0x71a: {  	v12 =	vld [tilespmem:s13+$0x120A0]  }
0x71b: {  	v13 =	vld [tilespmem:s13+$0x120B0]  }
0x71c: {  	v14 =	vld [tilespmem:s13+$0x120C0]  }
0x71d: {  	v15 =	vld [tilespmem:s13+$0x120D0]  }
0x71e: {  	v16 =	vld [tilespmem:s13+$0x120E0]  }
0x71f: {  	v17 =	vld [tilespmem:s13+$0x120F0]  }
0x720: {  	v18 =	vld [tilespmem:s13+$0x12100]  }
0x721: {  	v19 =	vld [tilespmem:s13+$0x12110]  }
0x722: {  	v20 =	vld [tilespmem:s13+$0x12120]  }
0x723: {  	v21 =	vld [tilespmem:s13+$0x12130]  }
0x724: {  	v22 =	vld [tilespmem:s13+$0x12140]  }
0x725: {  	v23 =	vld [tilespmem:s13+$0x12150]  }
0x726: {  	v24 =	vld [tilespmem:s13+$0x12160]  }
0x727: {  	v25 =	vld [tilespmem:s13+$0x12170]  }
0x728: {  	v26 =	vld [tilespmem:s13+$0x12180]  }
0x729: {  	v27 =	vld [tilespmem:s13+$0x12190]  }
0x72a: {  	v28 =	vld [tilespmem:s13+$0x121A0]  }
0x72b: {  	v29 =	vld [tilespmem:s13+$0x121B0]  }
0x72c: {  	v30 =	vld [tilespmem:s13+$0x121C0]  }
0x72d: {  	v31 =	vld [tilespmem:s13+$0x121D0]  }
0x72e: {  	v32 =	vld [tilespmem:s13+$0x121E0]  }
0x72f: {  	v33 =	vld [tilespmem:s13+$0x121F0]  }
0x730: {  	v34 =	vld [tilespmem:s13+$0x12200]  }
0x731: {  	v35 =	vld [tilespmem:s13+$0x12210]  }
0x732: {  	v36 =	vld [tilespmem:s13+$0x12220]  }
0x733: {  	v37 =	vld [tilespmem:s13+$0x12230]  }
0x734: {  	v38 =	vld [tilespmem:s13+$0x12240]  }
0x735: {  	v39 =	vld [tilespmem:s13+$0x12250]  }
0x736: {  	v40 =	vld [tilespmem:s13+$0x12260]  }
0x737: {  	v41 =	vld [tilespmem:s13+$0x12270]  }
0x738: {  	v42 =	vld [tilespmem:s13+$0x12280]  }
0x739: {  	v43 =	vld [tilespmem:s13+$0x12290]  }
0x73a: {  	v44 =	vld [tilespmem:s13+$0x122A0]  }
0x73b: {  	v45 =	vld [tilespmem:s13+$0x122B0]  }
0x73c: {  	v46 =	vld [tilespmem:s13+$0x122C0]  }
0x73d: {  	v47 =	vld [tilespmem:s13+$0x122D0]  }
0x73e: {  	v48 =	vld [tilespmem:s13+$0x122E0]  }
0x73f: {  	v49 =	vld [tilespmem:s13+$0x122F0]  }
0x740: {  	v50 =	vld [tilespmem:s13+$0x12300]  }
0x741: {  	v51 =	vld [tilespmem:s13+$0x12310]  }
0x742: {  	v52 =	vld [tilespmem:s13+$0x12320]  }
0x743: {  	v53 =	vld [tilespmem:s13+$0x12330]  }
0x744: {  	v54 =	vld [tilespmem:s13+$0x12340]  }
0x745: {  	v55 =	vld [tilespmem:s13+$0x12350]  }
0x746: {  	v56 =	vld [tilespmem:s13+$0x12360]  }
0x747: {  	v57 =	vld [tilespmem:s13+$0x12370]  }
0x748: {  	v58 =	vld [tilespmem:s13+$0x12380]  }
0x749: {  	v59 =	vld [tilespmem:s13+$0x12390]  }
0x74a: {  	v60 =	vld [tilespmem:s13+$0x123A0]  }
0x74b: {  	v61 =	vld [tilespmem:s13+$0x123B0]  }
0x74c: {  	v62 =	vld [tilespmem:s13+$0x123C0]  }
0x74d: {  	v63 =	vld [tilespmem:s13+$0x123D0]  }
0x74e: {  	[tilespmem:s13+$0x143F0] =	vst.add.f32.msk $0xffff, v1  }
0x74f: {  	v1 =	vld [tilespmem:s13+$0x123E0]  }
0x750: {  	[tilespmem:s13+$0x14000] =	vst.add.f32.msk $0xffff, v2  }
0x751: {  	[tilespmem:s13+$0x14010] =	vst.add.f32.msk $0xffff, v3  }
0x752: {  	[tilespmem:s13+$0x14020] =	vst.add.f32.msk $0xffff, v4  }
0x753: {  	[tilespmem:s13+$0x14030] =	vst.add.f32.msk $0xffff, v5  }
0x754: {  	[tilespmem:s13+$0x14040] =	vst.add.f32.msk $0xffff, v6  }
0x755: {  	[tilespmem:s13+$0x14050] =	vst.add.f32.msk $0xffff, v7  }
0x756: {  	[tilespmem:s13+$0x14060] =	vst.add.f32.msk $0xffff, v8  }
0x757: {  	[tilespmem:s13+$0x14070] =	vst.add.f32.msk $0xffff, v9  }
0x758: {  	[tilespmem:s13+$0x14080] =	vst.add.f32.msk $0xffff, v10  }
0x759: {  	[tilespmem:s13+$0x14090] =	vst.add.f32.msk $0xffff, v11  }
0x75a: {  	[tilespmem:s13+$0x140A0] =	vst.add.f32.msk $0xffff, v12  }
0x75b: {  	[tilespmem:s13+$0x140B0] =	vst.add.f32.msk $0xffff, v13  }
0x75c: {  	[tilespmem:s13+$0x140C0] =	vst.add.f32.msk $0xffff, v14  }
0x75d: {  	[tilespmem:s13+$0x140D0] =	vst.add.f32.msk $0xffff, v15  }
0x75e: {  	[tilespmem:s13+$0x140E0] =	vst.add.f32.msk $0xffff, v16  }
0x75f: {  	[tilespmem:s13+$0x140F0] =	vst.add.f32.msk $0xffff, v17  }
0x760: {  	[tilespmem:s13+$0x14100] =	vst.add.f32.msk $0xffff, v18  }
0x761: {  	[tilespmem:s13+$0x14110] =	vst.add.f32.msk $0xffff, v19  }
0x762: {  	[tilespmem:s13+$0x14120] =	vst.add.f32.msk $0xffff, v20  }
0x763: {  	[tilespmem:s13+$0x14130] =	vst.add.f32.msk $0xffff, v21  }
0x764: {  	[tilespmem:s13+$0x14140] =	vst.add.f32.msk $0xffff, v22  }
0x765: {  	[tilespmem:s13+$0x14150] =	vst.add.f32.msk $0xffff, v23  }
0x766: {  	[tilespmem:s13+$0x14160] =	vst.add.f32.msk $0xffff, v24  }
0x767: {  	[tilespmem:s13+$0x14170] =	vst.add.f32.msk $0xffff, v25  }
0x768: {  	[tilespmem:s13+$0x14180] =	vst.add.f32.msk $0xffff, v26  }
0x769: {  	[tilespmem:s13+$0x14190] =	vst.add.f32.msk $0xffff, v27  }
0x76a: {  	[tilespmem:s13+$0x141A0] =	vst.add.f32.msk $0xffff, v28  }
0x76b: {  	[tilespmem:s13+$0x141B0] =	vst.add.f32.msk $0xffff, v29  }
0x76c: {  	[tilespmem:s13+$0x141C0] =	vst.add.f32.msk $0xffff, v30  }
0x76d: {  	[tilespmem:s13+$0x141D0] =	vst.add.f32.msk $0xffff, v31  }
0x76e: {  	[tilespmem:s13+$0x141E0] =	vst.add.f32.msk $0xffff, v32  }
0x76f: {  	[tilespmem:s13+$0x141F0] =	vst.add.f32.msk $0xffff, v33  }
0x770: {  	[tilespmem:s13+$0x14200] =	vst.add.f32.msk $0xffff, v34  }
0x771: {  	[tilespmem:s13+$0x14210] =	vst.add.f32.msk $0xffff, v35  }
0x772: {  	[tilespmem:s13+$0x14220] =	vst.add.f32.msk $0xffff, v36  }
0x773: {  	[tilespmem:s13+$0x14230] =	vst.add.f32.msk $0xffff, v37  }
0x774: {  	[tilespmem:s13+$0x14240] =	vst.add.f32.msk $0xffff, v38  }
0x775: {  	[tilespmem:s13+$0x14250] =	vst.add.f32.msk $0xffff, v39  }
0x776: {  	[tilespmem:s13+$0x14260] =	vst.add.f32.msk $0xffff, v40  }
0x777: {  	[tilespmem:s13+$0x14270] =	vst.add.f32.msk $0xffff, v41  }
0x778: {  	[tilespmem:s13+$0x14280] =	vst.add.f32.msk $0xffff, v42  }
0x779: {  	[tilespmem:s13+$0x14290] =	vst.add.f32.msk $0xffff, v43  }
0x77a: {  	[tilespmem:s13+$0x142A0] =	vst.add.f32.msk $0xffff, v44  }
0x77b: {  	[tilespmem:s13+$0x142B0] =	vst.add.f32.msk $0xffff, v45  }
0x77c: {  	[tilespmem:s13+$0x142C0] =	vst.add.f32.msk $0xffff, v46  }
0x77d: {  	[tilespmem:s13+$0x142D0] =	vst.add.f32.msk $0xffff, v47  }
0x77e: {  	[tilespmem:s13+$0x142E0] =	vst.add.f32.msk $0xffff, v48  }
0x77f: {  	[tilespmem:s13+$0x142F0] =	vst.add.f32.msk $0xffff, v49  }
0x780: {  	[tilespmem:s13+$0x14300] =	vst.add.f32.msk $0xffff, v50  }
0x781: {  	[tilespmem:s13+$0x14310] =	vst.add.f32.msk $0xffff, v51  }
0x782: {  	[tilespmem:s13+$0x14320] =	vst.add.f32.msk $0xffff, v52  }
0x783: {  	[tilespmem:s13+$0x14330] =	vst.add.f32.msk $0xffff, v53  }
0x784: {  	[tilespmem:s13+$0x14340] =	vst.add.f32.msk $0xffff, v54  }
0x785: {  	[tilespmem:s13+$0x14350] =	vst.add.f32.msk $0xffff, v55  }
0x786: {  	[tilespmem:s13+$0x14360] =	vst.add.f32.msk $0xffff, v56  }
0x787: {  	[tilespmem:s13+$0x14370] =	vst.add.f32.msk $0xffff, v57  }
0x788: {  	[tilespmem:s13+$0x14380] =	vst.add.f32.msk $0xffff, v58  }
0x789: {  	[tilespmem:s13+$0x14390] =	vst.add.f32.msk $0xffff, v59  }
0x78a: {  	[tilespmem:s13+$0x143A0] =	vst.add.f32.msk $0xffff, v60  }
0x78b: {  	[tilespmem:s13+$0x143B0] =	vst.add.f32.msk $0xffff, v61  }
0x78c: {  	[tilespmem:s13+$0x143C0] =	vst.add.f32.msk $0xffff, v62  }
0x78d: {  	s16 =	simm.s32 $0x1000;
	s12 =	simm.s32 $0x0;
	[tilespmem:s13+$0x143D0] =	vst.add.f32.msk $0xffff, v63  }
.LBB2_20:
0x78e: {  	s12 =	sadd.s32 $0x8, s12;
	[tilespmem:s13+$0x143E0] =	vst.add.f32.msk $0xffff, v1;
	s13 =	sshra.s32 s16, $0x2  }
0x78f: {  	v1 =	vld [tilespmem:s13+$0x123F0];
	p0 =	slt.u32 s12, $0x38  }
0x790: {  	v2 =	vld [tilespmem:s13+$0x12000]  }
0x791: {  	v3 =	vld [tilespmem:s13+$0x12010]  }
0x792: {  	v4 =	vld [tilespmem:s13+$0x12020]  }
0x793: {  	v5 =	vld [tilespmem:s13+$0x12030]  }
0x794: {  	[tilespmem:s13+$0x143F0] =	vst.add.f32.msk $0xffff, v1  }
0x795: {  	v6 =	vld [tilespmem:s13+$0x12040]  }
0x796: {  	v7 =	vld [tilespmem:s13+$0x12050]  }
0x797: {  	v8 =	vld [tilespmem:s13+$0x12060]  }
0x798: {  	v9 =	vld [tilespmem:s13+$0x12070]  }
0x799: {  	v10 =	vld [tilespmem:s13+$0x12080]  }
0x79a: {  	v11 =	vld [tilespmem:s13+$0x12090]  }
0x79b: {  	v12 =	vld [tilespmem:s13+$0x120A0]  }
0x79c: {  	v13 =	vld [tilespmem:s13+$0x120B0]  }
0x79d: {  	v14 =	vld [tilespmem:s13+$0x120C0]  }
0x79e: {  	v15 =	vld [tilespmem:s13+$0x120D0]  }
0x79f: {  	v16 =	vld [tilespmem:s13+$0x120E0]  }
0x7a0: {  	v17 =	vld [tilespmem:s13+$0x120F0]  }
0x7a1: {  	v18 =	vld [tilespmem:s13+$0x12100]  }
0x7a2: {  	v19 =	vld [tilespmem:s13+$0x12110]  }
0x7a3: {  	v20 =	vld [tilespmem:s13+$0x12120]  }
0x7a4: {  	v21 =	vld [tilespmem:s13+$0x12130]  }
0x7a5: {  	v22 =	vld [tilespmem:s13+$0x12140]  }
0x7a6: {  	v23 =	vld [tilespmem:s13+$0x12150]  }
0x7a7: {  	v24 =	vld [tilespmem:s13+$0x12160]  }
0x7a8: {  	v25 =	vld [tilespmem:s13+$0x12170]  }
0x7a9: {  	v26 =	vld [tilespmem:s13+$0x12180]  }
0x7aa: {  	v27 =	vld [tilespmem:s13+$0x12190]  }
0x7ab: {  	v28 =	vld [tilespmem:s13+$0x121A0]  }
0x7ac: {  	v29 =	vld [tilespmem:s13+$0x121B0]  }
0x7ad: {  	v30 =	vld [tilespmem:s13+$0x121C0]  }
0x7ae: {  	v31 =	vld [tilespmem:s13+$0x121D0]  }
0x7af: {  	v32 =	vld [tilespmem:s13+$0x121E0]  }
0x7b0: {  	v33 =	vld [tilespmem:s13+$0x121F0]  }
0x7b1: {  	v34 =	vld [tilespmem:s13+$0x12200]  }
0x7b2: {  	v35 =	vld [tilespmem:s13+$0x12210]  }
0x7b3: {  	v36 =	vld [tilespmem:s13+$0x12220]  }
0x7b4: {  	v37 =	vld [tilespmem:s13+$0x12230]  }
0x7b5: {  	v38 =	vld [tilespmem:s13+$0x12240]  }
0x7b6: {  	v39 =	vld [tilespmem:s13+$0x12250]  }
0x7b7: {  	v40 =	vld [tilespmem:s13+$0x12260]  }
0x7b8: {  	v41 =	vld [tilespmem:s13+$0x12270]  }
0x7b9: {  	v42 =	vld [tilespmem:s13+$0x12280]  }
0x7ba: {  	v43 =	vld [tilespmem:s13+$0x12290]  }
0x7bb: {  	v44 =	vld [tilespmem:s13+$0x122A0]  }
0x7bc: {  	v45 =	vld [tilespmem:s13+$0x122B0]  }
0x7bd: {  	v46 =	vld [tilespmem:s13+$0x122C0]  }
0x7be: {  	v47 =	vld [tilespmem:s13+$0x122D0]  }
0x7bf: {  	v48 =	vld [tilespmem:s13+$0x122E0]  }
0x7c0: {  	v49 =	vld [tilespmem:s13+$0x122F0]  }
0x7c1: {  	v50 =	vld [tilespmem:s13+$0x12300]  }
0x7c2: {  	v51 =	vld [tilespmem:s13+$0x12310]  }
0x7c3: {  	v52 =	vld [tilespmem:s13+$0x12320]  }
0x7c4: {  	v53 =	vld [tilespmem:s13+$0x12330]  }
0x7c5: {  	v54 =	vld [tilespmem:s13+$0x12340]  }
0x7c6: {  	v55 =	vld [tilespmem:s13+$0x12350]  }
0x7c7: {  	v56 =	vld [tilespmem:s13+$0x12360]  }
0x7c8: {  	v57 =	vld [tilespmem:s13+$0x12370]  }
0x7c9: {  	v58 =	vld [tilespmem:s13+$0x12380]  }
0x7ca: {  	v59 =	vld [tilespmem:s13+$0x12390]  }
0x7cb: {  	v60 =	vld [tilespmem:s13+$0x123A0]  }
0x7cc: {  	v61 =	vld [tilespmem:s13+$0x123B0]  }
0x7cd: {  	v62 =	vld [tilespmem:s13+$0x123C0]  }
0x7ce: {  	v63 =	vld [tilespmem:s13+$0x123D0]  }
0x7cf: {  	v1 =	vld [tilespmem:s13+$0x123E0]  }
0x7d0: {  	[tilespmem:s13+$0x14000] =	vst.add.f32.msk $0xffff, v2  }
0x7d1: {  	[tilespmem:s13+$0x14010] =	vst.add.f32.msk $0xffff, v3  }
0x7d2: {  	[tilespmem:s13+$0x14020] =	vst.add.f32.msk $0xffff, v4  }
0x7d3: {  	[tilespmem:s13+$0x14030] =	vst.add.f32.msk $0xffff, v5  }
0x7d4: {  	[tilespmem:s13+$0x14040] =	vst.add.f32.msk $0xffff, v6  }
0x7d5: {  	[tilespmem:s13+$0x14050] =	vst.add.f32.msk $0xffff, v7  }
0x7d6: {  	[tilespmem:s13+$0x14060] =	vst.add.f32.msk $0xffff, v8  }
0x7d7: {  	[tilespmem:s13+$0x14070] =	vst.add.f32.msk $0xffff, v9  }
0x7d8: {  	[tilespmem:s13+$0x14080] =	vst.add.f32.msk $0xffff, v10  }
0x7d9: {  	[tilespmem:s13+$0x14090] =	vst.add.f32.msk $0xffff, v11  }
0x7da: {  	[tilespmem:s13+$0x140A0] =	vst.add.f32.msk $0xffff, v12  }
0x7db: {  	[tilespmem:s13+$0x140B0] =	vst.add.f32.msk $0xffff, v13  }
0x7dc: {  	[tilespmem:s13+$0x140C0] =	vst.add.f32.msk $0xffff, v14  }
0x7dd: {  	[tilespmem:s13+$0x140D0] =	vst.add.f32.msk $0xffff, v15  }
0x7de: {  	[tilespmem:s13+$0x140E0] =	vst.add.f32.msk $0xffff, v16  }
0x7df: {  	[tilespmem:s13+$0x140F0] =	vst.add.f32.msk $0xffff, v17  }
0x7e0: {  	[tilespmem:s13+$0x14100] =	vst.add.f32.msk $0xffff, v18  }
0x7e1: {  	[tilespmem:s13+$0x14110] =	vst.add.f32.msk $0xffff, v19  }
0x7e2: {  	[tilespmem:s13+$0x14120] =	vst.add.f32.msk $0xffff, v20  }
0x7e3: {  	[tilespmem:s13+$0x14130] =	vst.add.f32.msk $0xffff, v21  }
0x7e4: {  	[tilespmem:s13+$0x14140] =	vst.add.f32.msk $0xffff, v22  }
0x7e5: {  	[tilespmem:s13+$0x14150] =	vst.add.f32.msk $0xffff, v23  }
0x7e6: {  	[tilespmem:s13+$0x14160] =	vst.add.f32.msk $0xffff, v24  }
0x7e7: {  	[tilespmem:s13+$0x14170] =	vst.add.f32.msk $0xffff, v25  }
0x7e8: {  	[tilespmem:s13+$0x14180] =	vst.add.f32.msk $0xffff, v26  }
0x7e9: {  	[tilespmem:s13+$0x14190] =	vst.add.f32.msk $0xffff, v27  }
0x7ea: {  	[tilespmem:s13+$0x141A0] =	vst.add.f32.msk $0xffff, v28  }
0x7eb: {  	[tilespmem:s13+$0x141B0] =	vst.add.f32.msk $0xffff, v29  }
0x7ec: {  	[tilespmem:s13+$0x141C0] =	vst.add.f32.msk $0xffff, v30  }
0x7ed: {  	[tilespmem:s13+$0x141D0] =	vst.add.f32.msk $0xffff, v31  }
0x7ee: {  	[tilespmem:s13+$0x141E0] =	vst.add.f32.msk $0xffff, v32  }
0x7ef: {  	[tilespmem:s13+$0x141F0] =	vst.add.f32.msk $0xffff, v33  }
0x7f0: {  	[tilespmem:s13+$0x14200] =	vst.add.f32.msk $0xffff, v34  }
0x7f1: {  	[tilespmem:s13+$0x14210] =	vst.add.f32.msk $0xffff, v35  }
0x7f2: {  	[tilespmem:s13+$0x14220] =	vst.add.f32.msk $0xffff, v36  }
0x7f3: {  	[tilespmem:s13+$0x14230] =	vst.add.f32.msk $0xffff, v37  }
0x7f4: {  	[tilespmem:s13+$0x14240] =	vst.add.f32.msk $0xffff, v38  }
0x7f5: {  	[tilespmem:s13+$0x14250] =	vst.add.f32.msk $0xffff, v39  }
0x7f6: {  	[tilespmem:s13+$0x14260] =	vst.add.f32.msk $0xffff, v40  }
0x7f7: {  	[tilespmem:s13+$0x14270] =	vst.add.f32.msk $0xffff, v41  }
0x7f8: {  	[tilespmem:s13+$0x14280] =	vst.add.f32.msk $0xffff, v42  }
0x7f9: {  	[tilespmem:s13+$0x14290] =	vst.add.f32.msk $0xffff, v43  }
0x7fa: {  	[tilespmem:s13+$0x142A0] =	vst.add.f32.msk $0xffff, v44  }
0x7fb: {  	[tilespmem:s13+$0x142B0] =	vst.add.f32.msk $0xffff, v45  }
0x7fc: {  	[tilespmem:s13+$0x142C0] =	vst.add.f32.msk $0xffff, v46  }
0x7fd: {  	[tilespmem:s13+$0x142D0] =	vst.add.f32.msk $0xffff, v47  }
0x7fe: {  	[tilespmem:s13+$0x142E0] =	vst.add.f32.msk $0xffff, v48  }
0x7ff: {  	[tilespmem:s13+$0x142F0] =	vst.add.f32.msk $0xffff, v49  }
0x800: {  	[tilespmem:s13+$0x14300] =	vst.add.f32.msk $0xffff, v50  }
0x801: {  	[tilespmem:s13+$0x14310] =	vst.add.f32.msk $0xffff, v51  }
0x802: {  	[tilespmem:s13+$0x14320] =	vst.add.f32.msk $0xffff, v52  }
0x803: {  	[tilespmem:s13+$0x14330] =	vst.add.f32.msk $0xffff, v53  }
0x804: {  	[tilespmem:s13+$0x14340] =	vst.add.f32.msk $0xffff, v54  }
0x805: {  	[tilespmem:s13+$0x14350] =	vst.add.f32.msk $0xffff, v55  }
0x806: {  	[tilespmem:s13+$0x14360] =	vst.add.f32.msk $0xffff, v56  }
0x807: {  	[tilespmem:s13+$0x14370] =	vst.add.f32.msk $0xffff, v57  }
0x808: {  	[tilespmem:s13+$0x14380] =	vst.add.f32.msk $0xffff, v58  }
.Ltmp9:
0x809: {  	[tilespmem:s13+$0x14390] =	vst.add.f32.msk $0xffff, v59;
	(pc) =	sbr.rel @p0 .LBB2_20-.Ltmp9, $4  }
0x80a: {  	[tilespmem:s13+$0x143A0] =	vst.add.f32.msk $0xffff, v60  }
0x80b: {  	[tilespmem:s13+$0x143B0] =	vst.add.f32.msk $0xffff, v61  }
0x80c: {  	[tilespmem:s13+$0x143C0] =	vst.add.f32.msk $0xffff, v62  }
0x80d: {  	s16 =	sadd.s32 $0x1000, s16;
	[tilespmem:s13+$0x143D0] =	vst.add.f32.msk $0xffff, v63  }
0x80e: {  	[tilespmem:s13+$0x143E0] =	vst.add.f32.msk $0xffff, v1  }
0x80f: {  	s12 =	rddreg [dreg:$0xe]  }
0x810: {  	[hbm4b:s12+s6] =	stream.linear.scatter [tilespmem:s24], [sflag:$0x3], $0x2000, $0x38;
	[tilespmem:$0x1E000] =	vst v63  }
0x811: {  	_ =	swait.ge [sflag:s10], $0x2000  }
0x812: {  	[sflag:s10] =	ssyncset.done $0x0  }
0x813: {  	[sflag:s10] =	ssyncadd.s32 $0xFFFFE000  }
0x814: {  	_ =	swait.ge [sflag:s20], $0x2000  }
0x815: {  	s23 =	rddreg [dreg:$0x10]  }
0x816: {  	s30 =	rddreg [dreg:$0xf];
	s13 =	sadd.s32 $0x1, s23  }
0x817: {  	p0 =	sne.s32 s13, s30  }
.Ltmp10:
0x818: {  	_ = 	snop;
	(pc) =	sbr.rel @p0 .LBB2_1-.Ltmp10, $3  }
0x819: {  	_ =	sdelay $0x1  }
0x81a: {  	[sflag:s20] =	ssyncset.done $0x0  }
0x81b: {  	[sflag:s20] =	ssyncadd.s32 $0xFFFFE000  }
0x81c: {  	_ =	sfence.sel $0x180000  }
0x81d: {  	[bflag:$0x0] =	sbarrier.arrive $0xFFFF  }
0x81e: {  	_ =	strace $0x90000047  }
0x81f: {  	s0 =	stileid.u32;
	[bflag:$0x2] =	sbarrier.arrive $0xFFFF  }
0x820: {  	p0 =	sne.s32 s0, $0x0;
	s0 =	rddreg [dreg:$0x6]  }
0x821: {  	s0 =	sadd.s32 @!p0 $0x100000, s0  }
0x822: {  	[sflag:s0] =	ssyncadd.tile.s32 @!p0 $0x1;
	_ =	shalt  }
.Lfunc_end2:
_tile_overlayer_lowered:
.L_overlay_start_2:
0x823: {  	(tag) =	ssettag $0x2  }
0x824: {  	s0 =	rddreg [dreg:$0x0];
	s2 =	stileid.u32  }
0x825: {  	s1 =	rddreg [dreg:$0x1];
	p0 =	sne.s32 s2, $0x0  }
0x826: {  	s3 =	rddreg [dreg:$0x2];
	[bflag:$0x3] =	sbarrier.arrive $0xFFFF;
	s2 =	simm.s32 @!p0 $0x1C0A  }
0x827: {  	[timem:s3], [sflag:s2] =	dma.local @!p0 [hbm:s0], s1  }
0x828: {  	s0 =	simm.s32 @!p0 $0xA  }
0x829: {  	_ =	swait.ge @!p0 [sflag:s0], s1  }
0x82a: {  	s1 =	ssub.s32 @!p0 $0x0, s1;
	[sflag:s0] =	ssyncset.done @!p0 $0x0  }
0x82b: {  	[sflag:s0] =	ssyncadd.s32 @!p0 s1  }
0x82c: {  	[bflag:$0x3] =	sbarrier.arrive $0xFFFF  }
0x82d: {  	_ =	shalt  }

</sc_bundles>
